<compile_context>
chip_gen: v7x
topology: tpu7x:2x2x1
jax: 0.10.2.dev20260603
libtpu: 0.0.44.dev20260713+nightly
codegen_flags: <defaults>
</compile_context>

<pallas_src>
import functools

import jax
import jax.numpy as jnp
from jax import lax
from jax.experimental import pallas as pl
from jax.experimental.pallas import tpu as pltpu
from jax.experimental.pallas import tpu_sc as plsc

_N = 18432
_K = 1024
_D = 64
_BT = 3072
_NB = _N // _BT
_RG = 8

_NW = 32
_BPW = _N // _NW
_IC = 96
_NCH = _BPW // _IC
_DP = 128


def _vq_tc_body(wt_ref, xt_ref, w2_ref, idx_ref, acc_ref):
    xt = xt_ref[...]
    mmt = lax.dot_general(
        wt_ref[...], xt,
        dimension_numbers=(((0,), (0,)), ((), ())),
        preferred_element_type=jnp.float32,
    )
    x2 = jnp.sum(xt * xt, axis=0, keepdims=True)
    w2 = w2_ref[...]
    d0 = (x2 + w2[0:_RG]) - 2.0 * mmt[0:_RG]
    run_min = d0
    run_tile = jnp.zeros(d0.shape, jnp.int32)
    for r in range(1, _K // _RG):
        dr = (x2 + w2[r * _RG:(r + 1) * _RG]) - 2.0 * mmt[r * _RG:(r + 1) * _RG]
        cond = dr < run_min
        run_min = jnp.where(cond, dr, run_min)
        run_tile = jnp.where(cond, r, run_tile)
    v = run_min
    i = run_tile * _RG + lax.broadcasted_iota(jnp.int32, d0.shape, 0)
    h = _RG
    while h > 1:
        h //= 2
        va, vb = v[0:h], v[h:2 * h]
        ia, ib = i[0:h], i[h:2 * h]
        cond = (vb < va) | ((vb == va) & (ib < ia))
        v = jnp.where(cond, vb, va)
        i = jnp.where(cond, ib, ia)
    idx_ref[...] = i.reshape(_BT)

    @pl.when(pl.program_id(0) == 0)
    def _init():
        acc_ref[...] = jnp.zeros_like(acc_ref)

    acc_ref[...] += jnp.sum(v, axis=1, keepdims=True)


_tc_call = pl.pallas_call(
    _vq_tc_body,
    grid=(_NB,),
    in_specs=[
        pl.BlockSpec((_D, _K), lambda i: (0, 0)),
        pl.BlockSpec((_D, _BT), lambda i: (0, i)),
        pl.BlockSpec((_K, 1), lambda i: (0, 0)),
    ],
    out_specs=[
        pl.BlockSpec((_BT,), lambda i: (i,)),
        pl.BlockSpec((1, 1), lambda i: (0, 0)),
    ],
    out_shape=[
        jax.ShapeDtypeStruct((_N,), jnp.int32),
        jax.ShapeDtypeStruct((1, 1), jnp.float32),
    ],
    compiler_params=pltpu.CompilerParams(dimension_semantics=("arbitrary",)),
)


@functools.lru_cache(maxsize=None)
def _make_sc_gather():
    mesh = plsc.VectorSubcoreMesh(core_axis_name="c", subcore_axis_name="s")

    @functools.partial(
        pl.kernel,
        mesh=mesh,
        out_type=jax.ShapeDtypeStruct((_N, _DP), jnp.float32),
        scratch_types=[
            pltpu.VMEM((_BPW,), jnp.int32),
            pltpu.VMEM((_BPW, _DP), jnp.float32),
            pltpu.SemaphoreType.DMA,
        ],
    )
    def _sc_gather(w_hbm, idx_hbm, out_hbm, idx_v, rows_v, sem):
        wid = lax.axis_index("s") * 2 + lax.axis_index("c")
        base = wid * _BPW
        pltpu.sync_copy(idx_hbm.at[pl.ds(base, _BPW)], idx_v)
        copies = [
            pltpu.async_copy(
                w_hbm.at[idx_v.at[pl.ds(j * _IC, _IC)]],
                rows_v.at[pl.ds(j * _IC, _IC)],
                sem,
            )
            for j in range(_NCH)
        ]
        for c in copies:
            c.wait()
        pltpu.sync_copy(rows_v, out_hbm.at[pl.ds(base, _BPW)])

    return _sc_gather


def kernel(inputs, weight):
    w2c = jnp.sum(weight ** 2, axis=1).reshape(_K, 1)
    w_pad = jnp.concatenate(
        [weight, jnp.zeros((_K, _DP - _D), jnp.float32)], axis=1)
    idx, acc = _tc_call(weight.T, inputs.T, w2c)
    quantized = _make_sc_gather()(w_pad, idx)[:, :_D]
    lmean = acc[0, 0] / (_N * _D)
    vq_loss = lmean + 0.25 * lmean
    return (vq_loss, quantized, idx)

# --- scband reference (transcript-rebuilt; emitter-appended) ---
"""Pipeline reference for scband-vector-quantizer-54030688584153 (READ-ONLY COPY).

The authoritative reference and input builder live on the scoring server;
editing this copy changes nothing except your own understanding.
"""

import jax, jax.numpy as jnp
import numpy as np

NUM_EMBEDDINGS = 1024
EMBEDDING_DIM = 64
COMMITMENT_COST = 0.25
N_TOKENS = 18432


def setup_inputs(seed: int = 0) -> dict:
    key = jax.random.key(seed)
    k1, k2 = jax.random.split(key)
    inputs = jax.random.normal(k1, (N_TOKENS, EMBEDDING_DIM), dtype=jnp.float32)
    # nn.Embedding weight initialized uniform(-1/K, 1/K)
    weight = jax.random.uniform(
        k2, (NUM_EMBEDDINGS, EMBEDDING_DIM),
        minval=-1.0 / NUM_EMBEDDINGS, maxval=1.0 / NUM_EMBEDDINGS,
        dtype=jnp.float32,
    )
    return {"inputs": inputs, "weight": weight}


def reference(inputs, weight):
    # distances[n, k] = ||inputs[n]||^2 + ||weight[k]||^2 - 2 <inputs[n], weight[k]>
    distances = (
        jnp.sum(inputs ** 2, axis=1, keepdims=True)
        + jnp.sum(weight ** 2, axis=1)
        - 2.0 * jnp.matmul(inputs, weight.T)
    )
    encoding_indices = jnp.argmin(distances, axis=1)
    # one-hot encodings then matmul, matching torch scatter_ + matmul
    encodings = jax.nn.one_hot(encoding_indices, NUM_EMBEDDINGS, dtype=inputs.dtype)
    quantized = jnp.matmul(encodings, weight)
    e_latent_loss = jnp.mean((jax.lax.stop_gradient(quantized) - inputs) ** 2)
    q_latent_loss = jnp.mean((quantized - jax.lax.stop_gradient(inputs)) ** 2)
    vq_loss = q_latent_loss + COMMITMENT_COST * e_latent_loss
    # straight-through estimator
    quantized_st = inputs + jax.lax.stop_gradient(quantized - inputs)
    return (vq_loss, quantized_st, encoding_indices)

if __name__ == "__main__":
    import jax
    _d = setup_inputs()
    print(jax.jit(kernel)(*tuple(_d.values())))

</pallas_src>

<mosaic_0001>
#map = affine_map<(d0, d1) -> (0, 0)>
#map1 = affine_map<(d0, d1) -> (0)>
module attributes {stable_mosaic.version = 14 : i64} {
  func.func @_sc_gather(%arg0: i32, %arg1: i32, %arg2: memref<1024x128xf32, #tpu.memory_space<hbm>>, %arg3: memref<18432xi32, #tpu.memory_space<hbm>>, %arg4: memref<18432x128xf32, #tpu.memory_space<hbm>>, %arg5: memref<576xi32, #tpu.memory_space<vmem>>, %arg6: memref<576x128xf32, #tpu.memory_space<vmem>>, %arg7: memref<!tpu.dma_semaphore, #tpu.memory_space<semaphore_mem>>) attributes {dimension_semantics = [#tpu.dimension_semantics<core_parallel>, #tpu.dimension_semantics<subcore_parallel>], iteration_bounds = array<i64: 2, 16>, scalar_prefetch = 0 : i64, scratch_operands = 3 : i64, tpu.core_type = #tpu.core_type<sc_vector_subcore>, window_params = [{transform_indices = #map}, {transform_indices = #map1}, {transform_indices = #map}]} {
    %mul3A = arith.constant 2 : i32
    %mul3A_0 = arith.muli %arg1, %mul3A : i32
    %add3A = arith.addi %mul3A_0, %arg0 : i32
    %mul3A_1 = arith.constant 576 : i32
    %mul3A_2 = arith.muli %add3A, %mul3A_1 : i32
    "tpu.region"() ({
      %run_scoped3A = tpu.sem_alloc : memref<!tpu.dma_semaphore, #tpu.memory_space<semaphore_mem>>
      %dma_start3A_97 = tpu.memref_slice %arg3[%mul3A_2] : memref<18432xi32, #tpu.memory_space<hbm>> -> memref<576xi32, #tpu.memory_space<hbm>>
      %dma_start3A_98 = tpu.memref_slice %arg3[%mul3A_2] : memref<18432xi32, #tpu.memory_space<hbm>> -> memref<576xi32, #tpu.memory_space<hbm>>
      tpu.enqueue_dma source(%dma_start3A_98 : memref<576xi32, #tpu.memory_space<hbm>>) target(%arg5 : memref<576xi32, #tpu.memory_space<vmem>>) target_semaphore(%run_scoped3A : memref<!tpu.dma_semaphore, #tpu.memory_space<semaphore_mem>>)
      %dma_wait3A_99 = tpu.memref_slice %arg3[%mul3A_2] : memref<18432xi32, #tpu.memory_space<hbm>> -> memref<576xi32, #tpu.memory_space<hbm>>
      %dma_wait3A_100 = tpu.memref_slice %arg3[%mul3A_2] : memref<18432xi32, #tpu.memory_space<hbm>> -> memref<576xi32, #tpu.memory_space<hbm>>
      tpu.wait_dma2 semaphore(%run_scoped3A : memref<!tpu.dma_semaphore, #tpu.memory_space<semaphore_mem>>) src(%dma_wait3A_100 : memref<576xi32, #tpu.memory_space<hbm>>) dst(%arg5 : memref<576xi32, #tpu.memory_space<vmem>>)
      tpu.yield
    }) : () -> ()
    %dma_start3A = arith.constant 0 : i32
    %dma_start3A_3 = arith.constant 0 : i32
    %dma_start3A_4 = tpu.memref_slice %arg6[%dma_start3A, %dma_start3A_3] : memref<576x128xf32, #tpu.memory_space<vmem>> -> memref<96x128xf32, #tpu.memory_space<vmem>>
    %dma_start3A_5 = arith.constant 0 : i32
    %dma_start3A_6 = tpu.memref_slice %arg5[%dma_start3A_5] : memref<576xi32, #tpu.memory_space<vmem>> -> memref<96xi32, #tpu.memory_space<vmem>>
    %dma_start3A_7 = arith.constant 0 : i32
    %dma_start3A_8 = arith.constant 0 : i32
    %dma_start3A_9 = tpu.memref_slice %arg2[%dma_start3A_7, %dma_start3A_8] : memref<1024x128xf32, #tpu.memory_space<hbm>> -> memref<1024x128xf32, #tpu.memory_space<hbm>>
    tpu.enqueue_indirect_dma source(%dma_start3A_9 : memref<1024x128xf32, #tpu.memory_space<hbm>>) target(%dma_start3A_4 : memref<96x128xf32, #tpu.memory_space<vmem>>) offsets(%dma_start3A_6 : memref<96xi32, #tpu.memory_space<vmem>>) semaphore(%arg7 : memref<!tpu.dma_semaphore, #tpu.memory_space<semaphore_mem>>)
    %dma_start3A_10 = arith.constant 96 : i32
    %dma_start3A_11 = arith.constant 0 : i32
    %dma_start3A_12 = tpu.memref_slice %arg6[%dma_start3A_10, %dma_start3A_11] : memref<576x128xf32, #tpu.memory_space<vmem>> -> memref<96x128xf32, #tpu.memory_space<vmem>>
    %dma_start3A_13 = arith.constant 96 : i32
    %dma_start3A_14 = tpu.memref_slice %arg5[%dma_start3A_13] : memref<576xi32, #tpu.memory_space<vmem>> -> memref<96xi32, #tpu.memory_space<vmem>>
    %dma_start3A_15 = arith.constant 0 : i32
    %dma_start3A_16 = arith.constant 0 : i32
    %dma_start3A_17 = tpu.memref_slice %arg2[%dma_start3A_15, %dma_start3A_16] : memref<1024x128xf32, #tpu.memory_space<hbm>> -> memref<1024x128xf32, #tpu.memory_space<hbm>>
    tpu.enqueue_indirect_dma source(%dma_start3A_17 : memref<1024x128xf32, #tpu.memory_space<hbm>>) target(%dma_start3A_12 : memref<96x128xf32, #tpu.memory_space<vmem>>) offsets(%dma_start3A_14 : memref<96xi32, #tpu.memory_space<vmem>>) semaphore(%arg7 : memref<!tpu.dma_semaphore, #tpu.memory_space<semaphore_mem>>)
    %dma_start3A_18 = arith.constant 192 : i32
    %dma_start3A_19 = arith.constant 0 : i32
    %dma_start3A_20 = tpu.memref_slice %arg6[%dma_start3A_18, %dma_start3A_19] : memref<576x128xf32, #tpu.memory_space<vmem>> -> memref<96x128xf32, #tpu.memory_space<vmem>>
    %dma_start3A_21 = arith.constant 192 : i32
    %dma_start3A_22 = tpu.memref_slice %arg5[%dma_start3A_21] : memref<576xi32, #tpu.memory_space<vmem>> -> memref<96xi32, #tpu.memory_space<vmem>>
    %dma_start3A_23 = arith.constant 0 : i32
    %dma_start3A_24 = arith.constant 0 : i32
    %dma_start3A_25 = tpu.memref_slice %arg2[%dma_start3A_23, %dma_start3A_24] : memref<1024x128xf32, #tpu.memory_space<hbm>> -> memref<1024x128xf32, #tpu.memory_space<hbm>>
    tpu.enqueue_indirect_dma source(%dma_start3A_25 : memref<1024x128xf32, #tpu.memory_space<hbm>>) target(%dma_start3A_20 : memref<96x128xf32, #tpu.memory_space<vmem>>) offsets(%dma_start3A_22 : memref<96xi32, #tpu.memory_space<vmem>>) semaphore(%arg7 : memref<!tpu.dma_semaphore, #tpu.memory_space<semaphore_mem>>)
    %dma_start3A_26 = arith.constant 288 : i32
    %dma_start3A_27 = arith.constant 0 : i32
    %dma_start3A_28 = tpu.memref_slice %arg6[%dma_start3A_26, %dma_start3A_27] : memref<576x128xf32, #tpu.memory_space<vmem>> -> memref<96x128xf32, #tpu.memory_space<vmem>>
    %dma_start3A_29 = arith.constant 288 : i32
    %dma_start3A_30 = tpu.memref_slice %arg5[%dma_start3A_29] : memref<576xi32, #tpu.memory_space<vmem>> -> memref<96xi32, #tpu.memory_space<vmem>>
    %dma_start3A_31 = arith.constant 0 : i32
    %dma_start3A_32 = arith.constant 0 : i32
    %dma_start3A_33 = tpu.memref_slice %arg2[%dma_start3A_31, %dma_start3A_32] : memref<1024x128xf32, #tpu.memory_space<hbm>> -> memref<1024x128xf32, #tpu.memory_space<hbm>>
    tpu.enqueue_indirect_dma source(%dma_start3A_33 : memref<1024x128xf32, #tpu.memory_space<hbm>>) target(%dma_start3A_28 : memref<96x128xf32, #tpu.memory_space<vmem>>) offsets(%dma_start3A_30 : memref<96xi32, #tpu.memory_space<vmem>>) semaphore(%arg7 : memref<!tpu.dma_semaphore, #tpu.memory_space<semaphore_mem>>)
    %dma_start3A_34 = arith.constant 384 : i32
    %dma_start3A_35 = arith.constant 0 : i32
    %dma_start3A_36 = tpu.memref_slice %arg6[%dma_start3A_34, %dma_start3A_35] : memref<576x128xf32, #tpu.memory_space<vmem>> -> memref<96x128xf32, #tpu.memory_space<vmem>>
    %dma_start3A_37 = arith.constant 384 : i32
    %dma_start3A_38 = tpu.memref_slice %arg5[%dma_start3A_37] : memref<576xi32, #tpu.memory_space<vmem>> -> memref<96xi32, #tpu.memory_space<vmem>>
    %dma_start3A_39 = arith.constant 0 : i32
    %dma_start3A_40 = arith.constant 0 : i32
    %dma_start3A_41 = tpu.memref_slice %arg2[%dma_start3A_39, %dma_start3A_40] : memref<1024x128xf32, #tpu.memory_space<hbm>> -> memref<1024x128xf32, #tpu.memory_space<hbm>>
    tpu.enqueue_indirect_dma source(%dma_start3A_41 : memref<1024x128xf32, #tpu.memory_space<hbm>>) target(%dma_start3A_36 : memref<96x128xf32, #tpu.memory_space<vmem>>) offsets(%dma_start3A_38 : memref<96xi32, #tpu.memory_space<vmem>>) semaphore(%arg7 : memref<!tpu.dma_semaphore, #tpu.memory_space<semaphore_mem>>)
    %dma_start3A_42 = arith.constant 480 : i32
    %dma_start3A_43 = arith.constant 0 : i32
    %dma_start3A_44 = tpu.memref_slice %arg6[%dma_start3A_42, %dma_start3A_43] : memref<576x128xf32, #tpu.memory_space<vmem>> -> memref<96x128xf32, #tpu.memory_space<vmem>>
    %dma_start3A_45 = arith.constant 480 : i32
    %dma_start3A_46 = tpu.memref_slice %arg5[%dma_start3A_45] : memref<576xi32, #tpu.memory_space<vmem>> -> memref<96xi32, #tpu.memory_space<vmem>>
    %dma_start3A_47 = arith.constant 0 : i32
    %dma_start3A_48 = arith.constant 0 : i32
    %dma_start3A_49 = tpu.memref_slice %arg2[%dma_start3A_47, %dma_start3A_48] : memref<1024x128xf32, #tpu.memory_space<hbm>> -> memref<1024x128xf32, #tpu.memory_space<hbm>>
    tpu.enqueue_indirect_dma source(%dma_start3A_49 : memref<1024x128xf32, #tpu.memory_space<hbm>>) target(%dma_start3A_44 : memref<96x128xf32, #tpu.memory_space<vmem>>) offsets(%dma_start3A_46 : memref<96xi32, #tpu.memory_space<vmem>>) semaphore(%arg7 : memref<!tpu.dma_semaphore, #tpu.memory_space<semaphore_mem>>)
    %dma_wait3A = arith.constant 0 : i32
    %dma_wait3A_50 = arith.constant 0 : i32
    %dma_wait3A_51 = tpu.memref_slice %arg6[%dma_wait3A, %dma_wait3A_50] : memref<576x128xf32, #tpu.memory_space<vmem>> -> memref<96x128xf32, #tpu.memory_space<vmem>>
    %dma_wait3A_52 = arith.constant 0 : i32
    %dma_wait3A_53 = tpu.memref_slice %arg5[%dma_wait3A_52] : memref<576xi32, #tpu.memory_space<vmem>> -> memref<96xi32, #tpu.memory_space<vmem>>
    %dma_wait3A_54 = arith.constant 0 : i32
    %dma_wait3A_55 = arith.constant 0 : i32
    %dma_wait3A_56 = tpu.memref_slice %arg2[%dma_wait3A_54, %dma_wait3A_55] : memref<1024x128xf32, #tpu.memory_space<hbm>> -> memref<1024x128xf32, #tpu.memory_space<hbm>>
    tpu.wait_indirect_dma semaphore(%arg7 : memref<!tpu.dma_semaphore, #tpu.memory_space<semaphore_mem>>) src(%dma_wait3A_56 : memref<1024x128xf32, #tpu.memory_space<hbm>>) dst(%dma_wait3A_51 : memref<96x128xf32, #tpu.memory_space<vmem>>)
    %dma_wait3A_57 = arith.constant 96 : i32
    %dma_wait3A_58 = arith.constant 0 : i32
    %dma_wait3A_59 = tpu.memref_slice %arg6[%dma_wait3A_57, %dma_wait3A_58] : memref<576x128xf32, #tpu.memory_space<vmem>> -> memref<96x128xf32, #tpu.memory_space<vmem>>
    %dma_wait3A_60 = arith.constant 96 : i32
    %dma_wait3A_61 = tpu.memref_slice %arg5[%dma_wait3A_60] : memref<576xi32, #tpu.memory_space<vmem>> -> memref<96xi32, #tpu.memory_space<vmem>>
    %dma_wait3A_62 = arith.constant 0 : i32
    %dma_wait3A_63 = arith.constant 0 : i32
    %dma_wait3A_64 = tpu.memref_slice %arg2[%dma_wait3A_62, %dma_wait3A_63] : memref<1024x128xf32, #tpu.memory_space<hbm>> -> memref<1024x128xf32, #tpu.memory_space<hbm>>
    tpu.wait_indirect_dma semaphore(%arg7 : memref<!tpu.dma_semaphore, #tpu.memory_space<semaphore_mem>>) src(%dma_wait3A_64 : memref<1024x128xf32, #tpu.memory_space<hbm>>) dst(%dma_wait3A_59 : memref<96x128xf32, #tpu.memory_space<vmem>>)
    %dma_wait3A_65 = arith.constant 192 : i32
    %dma_wait3A_66 = arith.constant 0 : i32
    %dma_wait3A_67 = tpu.memref_slice %arg6[%dma_wait3A_65, %dma_wait3A_66] : memref<576x128xf32, #tpu.memory_space<vmem>> -> memref<96x128xf32, #tpu.memory_space<vmem>>
    %dma_wait3A_68 = arith.constant 192 : i32
    %dma_wait3A_69 = tpu.memref_slice %arg5[%dma_wait3A_68] : memref<576xi32, #tpu.memory_space<vmem>> -> memref<96xi32, #tpu.memory_space<vmem>>
    %dma_wait3A_70 = arith.constant 0 : i32
    %dma_wait3A_71 = arith.constant 0 : i32
    %dma_wait3A_72 = tpu.memref_slice %arg2[%dma_wait3A_70, %dma_wait3A_71] : memref<1024x128xf32, #tpu.memory_space<hbm>> -> memref<1024x128xf32, #tpu.memory_space<hbm>>
    tpu.wait_indirect_dma semaphore(%arg7 : memref<!tpu.dma_semaphore, #tpu.memory_space<semaphore_mem>>) src(%dma_wait3A_72 : memref<1024x128xf32, #tpu.memory_space<hbm>>) dst(%dma_wait3A_67 : memref<96x128xf32, #tpu.memory_space<vmem>>)
    %dma_wait3A_73 = arith.constant 288 : i32
    %dma_wait3A_74 = arith.constant 0 : i32
    %dma_wait3A_75 = tpu.memref_slice %arg6[%dma_wait3A_73, %dma_wait3A_74] : memref<576x128xf32, #tpu.memory_space<vmem>> -> memref<96x128xf32, #tpu.memory_space<vmem>>
    %dma_wait3A_76 = arith.constant 288 : i32
    %dma_wait3A_77 = tpu.memref_slice %arg5[%dma_wait3A_76] : memref<576xi32, #tpu.memory_space<vmem>> -> memref<96xi32, #tpu.memory_space<vmem>>
    %dma_wait3A_78 = arith.constant 0 : i32
    %dma_wait3A_79 = arith.constant 0 : i32
    %dma_wait3A_80 = tpu.memref_slice %arg2[%dma_wait3A_78, %dma_wait3A_79] : memref<1024x128xf32, #tpu.memory_space<hbm>> -> memref<1024x128xf32, #tpu.memory_space<hbm>>
    tpu.wait_indirect_dma semaphore(%arg7 : memref<!tpu.dma_semaphore, #tpu.memory_space<semaphore_mem>>) src(%dma_wait3A_80 : memref<1024x128xf32, #tpu.memory_space<hbm>>) dst(%dma_wait3A_75 : memref<96x128xf32, #tpu.memory_space<vmem>>)
    %dma_wait3A_81 = arith.constant 384 : i32
    %dma_wait3A_82 = arith.constant 0 : i32
    %dma_wait3A_83 = tpu.memref_slice %arg6[%dma_wait3A_81, %dma_wait3A_82] : memref<576x128xf32, #tpu.memory_space<vmem>> -> memref<96x128xf32, #tpu.memory_space<vmem>>
    %dma_wait3A_84 = arith.constant 384 : i32
    %dma_wait3A_85 = tpu.memref_slice %arg5[%dma_wait3A_84] : memref<576xi32, #tpu.memory_space<vmem>> -> memref<96xi32, #tpu.memory_space<vmem>>
    %dma_wait3A_86 = arith.constant 0 : i32
    %dma_wait3A_87 = arith.constant 0 : i32
    %dma_wait3A_88 = tpu.memref_slice %arg2[%dma_wait3A_86, %dma_wait3A_87] : memref<1024x128xf32, #tpu.memory_space<hbm>> -> memref<1024x128xf32, #tpu.memory_space<hbm>>
    tpu.wait_indirect_dma semaphore(%arg7 : memref<!tpu.dma_semaphore, #tpu.memory_space<semaphore_mem>>) src(%dma_wait3A_88 : memref<1024x128xf32, #tpu.memory_space<hbm>>) dst(%dma_wait3A_83 : memref<96x128xf32, #tpu.memory_space<vmem>>)
    %dma_wait3A_89 = arith.constant 480 : i32
    %dma_wait3A_90 = arith.constant 0 : i32
    %dma_wait3A_91 = tpu.memref_slice %arg6[%dma_wait3A_89, %dma_wait3A_90] : memref<576x128xf32, #tpu.memory_space<vmem>> -> memref<96x128xf32, #tpu.memory_space<vmem>>
    %dma_wait3A_92 = arith.constant 480 : i32
    %dma_wait3A_93 = tpu.memref_slice %arg5[%dma_wait3A_92] : memref<576xi32, #tpu.memory_space<vmem>> -> memref<96xi32, #tpu.memory_space<vmem>>
    %dma_wait3A_94 = arith.constant 0 : i32
    %dma_wait3A_95 = arith.constant 0 : i32
    %dma_wait3A_96 = tpu.memref_slice %arg2[%dma_wait3A_94, %dma_wait3A_95] : memref<1024x128xf32, #tpu.memory_space<hbm>> -> memref<1024x128xf32, #tpu.memory_space<hbm>>
    tpu.wait_indirect_dma semaphore(%arg7 : memref<!tpu.dma_semaphore, #tpu.memory_space<semaphore_mem>>) src(%dma_wait3A_96 : memref<1024x128xf32, #tpu.memory_space<hbm>>) dst(%dma_wait3A_91 : memref<96x128xf32, #tpu.memory_space<vmem>>)
    "tpu.region"() ({
      %run_scoped3A = tpu.sem_alloc : memref<!tpu.dma_semaphore, #tpu.memory_space<semaphore_mem>>
      %dma_start3A_97 = arith.constant 0 : i32
      %dma_start3A_98 = tpu.memref_slice %arg4[%mul3A_2, %dma_start3A_97] : memref<18432x128xf32, #tpu.memory_space<hbm>> -> memref<576x128xf32, #tpu.memory_space<hbm>>
      %dma_start3A_99 = arith.constant 0 : i32
      %dma_start3A_100 = tpu.memref_slice %arg4[%mul3A_2, %dma_start3A_99] : memref<18432x128xf32, #tpu.memory_space<hbm>> -> memref<576x128xf32, #tpu.memory_space<hbm>>
      tpu.enqueue_dma source(%arg6 : memref<576x128xf32, #tpu.memory_space<vmem>>) target(%dma_start3A_100 : memref<576x128xf32, #tpu.memory_space<hbm>>) target_semaphore(%run_scoped3A : memref<!tpu.dma_semaphore, #tpu.memory_space<semaphore_mem>>)
      %dma_wait3A_101 = arith.constant 0 : i32
      %dma_wait3A_102 = tpu.memref_slice %arg4[%mul3A_2, %dma_wait3A_101] : memref<18432x128xf32, #tpu.memory_space<hbm>> -> memref<576x128xf32, #tpu.memory_space<hbm>>
      %dma_wait3A_103 = arith.constant 0 : i32
      %dma_wait3A_104 = tpu.memref_slice %arg4[%mul3A_2, %dma_wait3A_103] : memref<18432x128xf32, #tpu.memory_space<hbm>> -> memref<576x128xf32, #tpu.memory_space<hbm>>
      tpu.wait_dma2 semaphore(%run_scoped3A : memref<!tpu.dma_semaphore, #tpu.memory_space<semaphore_mem>>) src(%arg6 : memref<576x128xf32, #tpu.memory_space<vmem>>) dst(%dma_wait3A_104 : memref<576x128xf32, #tpu.memory_space<hbm>>)
      tpu.yield
    }) : () -> ()
    return
  }
}

module attributes {stable_mosaic.version = 14 : i64} {
  func.func @_vq_tc_body(%arg0: i32, %arg1: memref<64x1024xf32, #tpu.memory_space<vmem>>, %arg2: memref<64x3072xf32, #tpu.memory_space<vmem>>, %arg3: memref<1024x1xf32, #tpu.memory_space<vmem>>, %arg4: memref<3072xi32, #tpu.memory_space<vmem>>, %arg5: memref<1x1xf32, #tpu.memory_space<vmem>>) attributes {dimension_semantics = [#tpu.dimension_semantics<arbitrary>], iteration_bounds = array<i64: 6>, scalar_prefetch = 0 : i64, scratch_operands = 0 : i64, tpu.core_type = #tpu.core_type<tc>, window_params = [{pipeline_mode = #tpu.pipeline_mode<synchronous>, transform_indices = @transform_0, window_bounds = array<i64: 64, 1024>}, {transform_indices = @transform_1, window_bounds = array<i64: 64, 3072>}, {pipeline_mode = #tpu.pipeline_mode<synchronous>, transform_indices = @transform_2, window_bounds = array<i64: 1024, 1>}, {transform_indices = @transform_3, window_bounds = array<i64: 3072>}, {pipeline_mode = #tpu.pipeline_mode<synchronous>, transform_indices = @transform_4, window_bounds = array<i64: 1, 1>}]} {
    %get3A = arith.constant 0 : index
    %get3A_0 = arith.constant 0 : index
    %get3A_1 = vector.load %arg2[%get3A, %get3A_0] : memref<64x3072xf32, #tpu.memory_space<vmem>>, vector<64x3072xf32>
    %get3A_2 = arith.constant 0 : index
    %get3A_3 = arith.constant 0 : index
    %get3A_4 = vector.load %arg1[%get3A_2, %get3A_3] : memref<64x1024xf32, #tpu.memory_space<vmem>>, vector<64x1024xf32>
    %dot_general3A = arith.constant dense<0.000000e+00> : vector<1024x3072xf32>
    %dot_general3A_5 = tpu.matmul %get3A_4, %get3A_1, %dot_general3A {dimension_numbers = #tpu.dot_dimension_numbers<[0], [0], [1], [1], [0, 1, 1, 1], [], []>, transpose_lhs_hint = false} : vector<64x1024xf32>, vector<64x3072xf32>, vector<1024x3072xf32> -> vector<1024x3072xf32>
    %mul3A = arith.mulf %get3A_1, %get3A_1 : vector<64x3072xf32>
    %reduce_sum3A = arith.constant dense<0.000000e+00> : vector<3072xf32>
    %reduce_sum3A_6 = vector.multi_reduction <add>, %mul3A, %reduce_sum3A [0] : vector<64x3072xf32> to vector<3072xf32>
    %broadcast_in_dim3A = vector.shape_cast %reduce_sum3A_6 : vector<3072xf32> to vector<1x3072xf32>
    %get3A_7 = arith.constant 0 : index
    %get3A_8 = arith.constant 0 : index
    %get3A_9 = vector.load %arg3[%get3A_7, %get3A_8] : memref<1024x1xf32, #tpu.memory_space<vmem>>, vector<1024x1xf32>
    %slice3A = vector.extract_strided_slice %get3A_9 {offsets = [0, 0], sizes = [8, 1], strides = [1, 1]} : vector<1024x1xf32> to vector<8x1xf32>
    %add3A = vector.broadcast %broadcast_in_dim3A : vector<1x3072xf32> to vector<8x3072xf32>
    %add3A_10 = vector.broadcast %slice3A : vector<8x1xf32> to vector<8x3072xf32>
    %add3A_11 = arith.addf %add3A, %add3A_10 : vector<8x3072xf32>
    %slice3A_12 = vector.extract_strided_slice %dot_general3A_5 {offsets = [0, 0], sizes = [8, 3072], strides = [1, 1]} : vector<1024x3072xf32> to vector<8x3072xf32>
    %mul3A_13 = arith.constant 2.000000e+00 : f32
    %mul3A_14 = vector.broadcast %mul3A_13 : f32 to vector<8x3072xf32>
    %mul3A_15 = arith.mulf %mul3A_14, %slice3A_12 : vector<8x3072xf32>
    %sub3A = arith.subf %add3A_11, %mul3A_15 : vector<8x3072xf32>
    %broadcast_in_dim3A_16 = arith.constant 0 : i32
    %broadcast_in_dim3A_17 = vector.broadcast %broadcast_in_dim3A_16 : i32 to vector<8x3072xi32>
    %slice3A_18 = vector.extract_strided_slice %get3A_9 {offsets = [8, 0], sizes = [8, 1], strides = [1, 1]} : vector<1024x1xf32> to vector<8x1xf32>
    %add3A_19 = vector.broadcast %broadcast_in_dim3A : vector<1x3072xf32> to vector<8x3072xf32>
    %add3A_20 = vector.broadcast %slice3A_18 : vector<8x1xf32> to vector<8x3072xf32>
    %add3A_21 = arith.addf %add3A_19, %add3A_20 : vector<8x3072xf32>
    %slice3A_22 = vector.extract_strided_slice %dot_general3A_5 {offsets = [8, 0], sizes = [8, 3072], strides = [1, 1]} : vector<1024x3072xf32> to vector<8x3072xf32>
    %mul3A_23 = arith.constant 2.000000e+00 : f32
    %mul3A_24 = vector.broadcast %mul3A_23 : f32 to vector<8x3072xf32>
    %mul3A_25 = arith.mulf %mul3A_24, %slice3A_22 : vector<8x3072xf32>
    %sub3A_26 = arith.subf %add3A_21, %mul3A_25 : vector<8x3072xf32>
    %lt3A = arith.cmpf olt, %sub3A_26, %sub3A : vector<8x3072xf32>
    %select_n3A = arith.select %lt3A, %sub3A_26, %sub3A : vector<8x3072xi1>, vector<8x3072xf32>
    %jit3A = arith.constant 1 : i32
    %broadcast_in_dim3A_27 = vector.broadcast %jit3A : i32 to vector<8x3072xi32>
    %select_n3A_28 = arith.select %lt3A, %broadcast_in_dim3A_27, %broadcast_in_dim3A_17 : vector<8x3072xi1>, vector<8x3072xi32>
    %slice3A_29 = vector.extract_strided_slice %get3A_9 {offsets = [16, 0], sizes = [8, 1], strides = [1, 1]} : vector<1024x1xf32> to vector<8x1xf32>
    %add3A_30 = vector.broadcast %broadcast_in_dim3A : vector<1x3072xf32> to vector<8x3072xf32>
    %add3A_31 = vector.broadcast %slice3A_29 : vector<8x1xf32> to vector<8x3072xf32>
    %add3A_32 = arith.addf %add3A_30, %add3A_31 : vector<8x3072xf32>
    %slice3A_33 = vector.extract_strided_slice %dot_general3A_5 {offsets = [16, 0], sizes = [8, 3072], strides = [1, 1]} : vector<1024x3072xf32> to vector<8x3072xf32>
    %mul3A_34 = arith.constant 2.000000e+00 : f32
    %mul3A_35 = vector.broadcast %mul3A_34 : f32 to vector<8x3072xf32>
    %mul3A_36 = arith.mulf %mul3A_35, %slice3A_33 : vector<8x3072xf32>
    %sub3A_37 = arith.subf %add3A_32, %mul3A_36 : vector<8x3072xf32>
    %lt3A_38 = arith.cmpf olt, %sub3A_37, %select_n3A : vector<8x3072xf32>
    %select_n3A_39 = arith.select %lt3A_38, %sub3A_37, %select_n3A : vector<8x3072xi1>, vector<8x3072xf32>
    %jit3A_40 = arith.constant 2 : i32
    %broadcast_in_dim3A_41 = vector.broadcast %jit3A_40 : i32 to vector<8x3072xi32>
    %select_n3A_42 = arith.select %lt3A_38, %broadcast_in_dim3A_41, %select_n3A_28 : vector<8x3072xi1>, vector<8x3072xi32>
    %slice3A_43 = vector.extract_strided_slice %get3A_9 {offsets = [24, 0], sizes = [8, 1], strides = [1, 1]} : vector<1024x1xf32> to vector<8x1xf32>
    %add3A_44 = vector.broadcast %broadcast_in_dim3A : vector<1x3072xf32> to vector<8x3072xf32>
    %add3A_45 = vector.broadcast %slice3A_43 : vector<8x1xf32> to vector<8x3072xf32>
    %add3A_46 = arith.addf %add3A_44, %add3A_45 : vector<8x3072xf32>
    %slice3A_47 = vector.extract_strided_slice %dot_general3A_5 {offsets = [24, 0], sizes = [8, 3072], strides = [1, 1]} : vector<1024x3072xf32> to vector<8x3072xf32>
    %mul3A_48 = arith.constant 2.000000e+00 : f32
    %mul3A_49 = vector.broadcast %mul3A_48 : f32 to vector<8x3072xf32>
    %mul3A_50 = arith.mulf %mul3A_49, %slice3A_47 : vector<8x3072xf32>
    %sub3A_51 = arith.subf %add3A_46, %mul3A_50 : vector<8x3072xf32>
    %lt3A_52 = arith.cmpf olt, %sub3A_51, %select_n3A_39 : vector<8x3072xf32>
    %select_n3A_53 = arith.select %lt3A_52, %sub3A_51, %select_n3A_39 : vector<8x3072xi1>, vector<8x3072xf32>
    %jit3A_54 = arith.constant 3 : i32
    %broadcast_in_dim3A_55 = vector.broadcast %jit3A_54 : i32 to vector<8x3072xi32>
    %select_n3A_56 = arith.select %lt3A_52, %broadcast_in_dim3A_55, %select_n3A_42 : vector<8x3072xi1>, vector<8x3072xi32>
    %slice3A_57 = vector.extract_strided_slice %get3A_9 {offsets = [32, 0], sizes = [8, 1], strides = [1, 1]} : vector<1024x1xf32> to vector<8x1xf32>
    %add3A_58 = vector.broadcast %broadcast_in_dim3A : vector<1x3072xf32> to vector<8x3072xf32>
    %add3A_59 = vector.broadcast %slice3A_57 : vector<8x1xf32> to vector<8x3072xf32>
    %add3A_60 = arith.addf %add3A_58, %add3A_59 : vector<8x3072xf32>
    %slice3A_61 = vector.extract_strided_slice %dot_general3A_5 {offsets = [32, 0], sizes = [8, 3072], strides = [1, 1]} : vector<1024x3072xf32> to vector<8x3072xf32>
    %mul3A_62 = arith.constant 2.000000e+00 : f32
    %mul3A_63 = vector.broadcast %mul3A_62 : f32 to vector<8x3072xf32>
    %mul3A_64 = arith.mulf %mul3A_63, %slice3A_61 : vector<8x3072xf32>
    %sub3A_65 = arith.subf %add3A_60, %mul3A_64 : vector<8x3072xf32>
    %lt3A_66 = arith.cmpf olt, %sub3A_65, %select_n3A_53 : vector<8x3072xf32>
    %select_n3A_67 = arith.select %lt3A_66, %sub3A_65, %select_n3A_53 : vector<8x3072xi1>, vector<8x3072xf32>
    %jit3A_68 = arith.constant 4 : i32
    %broadcast_in_dim3A_69 = vector.broadcast %jit3A_68 : i32 to vector<8x3072xi32>
    %select_n3A_70 = arith.select %lt3A_66, %broadcast_in_dim3A_69, %select_n3A_56 : vector<8x3072xi1>, vector<8x3072xi32>
    %slice3A_71 = vector.extract_strided_slice %get3A_9 {offsets = [40, 0], sizes = [8, 1], strides = [1, 1]} : vector<1024x1xf32> to vector<8x1xf32>
    %add3A_72 = vector.broadcast %broadcast_in_dim3A : vector<1x3072xf32> to vector<8x3072xf32>
    %add3A_73 = vector.broadcast %slice3A_71 : vector<8x1xf32> to vector<8x3072xf32>
    %add3A_74 = arith.addf %add3A_72, %add3A_73 : vector<8x3072xf32>
    %slice3A_75 = vector.extract_strided_slice %dot_general3A_5 {offsets = [40, 0], sizes = [8, 3072], strides = [1, 1]} : vector<1024x3072xf32> to vector<8x3072xf32>
    %mul3A_76 = arith.constant 2.000000e+00 : f32
    %mul3A_77 = vector.broadcast %mul3A_76 : f32 to vector<8x3072xf32>
    %mul3A_78 = arith.mulf %mul3A_77, %slice3A_75 : vector<8x3072xf32>
    %sub3A_79 = arith.subf %add3A_74, %mul3A_78 : vector<8x3072xf32>
    %lt3A_80 = arith.cmpf olt, %sub3A_79, %select_n3A_67 : vector<8x3072xf32>
    %select_n3A_81 = arith.select %lt3A_80, %sub3A_79, %select_n3A_67 : vector<8x3072xi1>, vector<8x3072xf32>
    %jit3A_82 = arith.constant 5 : i32
    %broadcast_in_dim3A_83 = vector.broadcast %jit3A_82 : i32 to vector<8x3072xi32>
    %select_n3A_84 = arith.select %lt3A_80, %broadcast_in_dim3A_83, %select_n3A_70 : vector<8x3072xi1>, vector<8x3072xi32>
    %slice3A_85 = vector.extract_strided_slice %get3A_9 {offsets = [48, 0], sizes = [8, 1], strides = [1, 1]} : vector<1024x1xf32> to vector<8x1xf32>
    %add3A_86 = vector.broadcast %broadcast_in_dim3A : vector<1x3072xf32> to vector<8x3072xf32>
    %add3A_87 = vector.broadcast %slice3A_85 : vector<8x1xf32> to vector<8x3072xf32>
    %add3A_88 = arith.addf %add3A_86, %add3A_87 : vector<8x3072xf32>
    %slice3A_89 = vector.extract_strided_slice %dot_general3A_5 {offsets = [48, 0], sizes = [8, 3072], strides = [1, 1]} : vector<1024x3072xf32> to vector<8x3072xf32>
    %mul3A_90 = arith.constant 2.000000e+00 : f32
    %mul3A_91 = vector.broadcast %mul3A_90 : f32 to vector<8x3072xf32>
    %mul3A_92 = arith.mulf %mul3A_91, %slice3A_89 : vector<8x3072xf32>
    %sub3A_93 = arith.subf %add3A_88, %mul3A_92 : vector<8x3072xf32>
    %lt3A_94 = arith.cmpf olt, %sub3A_93, %select_n3A_81 : vector<8x3072xf32>
    %select_n3A_95 = arith.select %lt3A_94, %sub3A_93, %select_n3A_81 : vector<8x3072xi1>, vector<8x3072xf32>
    %jit3A_96 = arith.constant 6 : i32
    %broadcast_in_dim3A_97 = vector.broadcast %jit3A_96 : i32 to vector<8x3072xi32>
    %select_n3A_98 = arith.select %lt3A_94, %broadcast_in_dim3A_97, %select_n3A_84 : vector<8x3072xi1>, vector<8x3072xi32>
    %slice3A_99 = vector.extract_strided_slice %get3A_9 {offsets = [56, 0], sizes = [8, 1], strides = [1, 1]} : vector<1024x1xf32> to vector<8x1xf32>
    %add3A_100 = vector.broadcast %broadcast_in_dim3A : vector<1x3072xf32> to vector<8x3072xf32>
    %add3A_101 = vector.broadcast %slice3A_99 : vector<8x1xf32> to vector<8x3072xf32>
    %add3A_102 = arith.addf %add3A_100, %add3A_101 : vector<8x3072xf32>
    %slice3A_103 = vector.extract_strided_slice %dot_general3A_5 {offsets = [56, 0], sizes = [8, 3072], strides = [1, 1]} : vector<1024x3072xf32> to vector<8x3072xf32>
    %mul3A_104 = arith.constant 2.000000e+00 : f32
    %mul3A_105 = vector.broadcast %mul3A_104 : f32 to vector<8x3072xf32>
    %mul3A_106 = arith.mulf %mul3A_105, %slice3A_103 : vector<8x3072xf32>
    %sub3A_107 = arith.subf %add3A_102, %mul3A_106 : vector<8x3072xf32>
    %lt3A_108 = arith.cmpf olt, %sub3A_107, %select_n3A_95 : vector<8x3072xf32>
    %select_n3A_109 = arith.select %lt3A_108, %sub3A_107, %select_n3A_95 : vector<8x3072xi1>, vector<8x3072xf32>
    %jit3A_110 = arith.constant 7 : i32
    %broadcast_in_dim3A_111 = vector.broadcast %jit3A_110 : i32 to vector<8x3072xi32>
    %select_n3A_112 = arith.select %lt3A_108, %broadcast_in_dim3A_111, %select_n3A_98 : vector<8x3072xi1>, vector<8x3072xi32>
    %slice3A_113 = vector.extract_strided_slice %get3A_9 {offsets = [64, 0], sizes = [8, 1], strides = [1, 1]} : vector<1024x1xf32> to vector<8x1xf32>
    %add3A_114 = vector.broadcast %broadcast_in_dim3A : vector<1x3072xf32> to vector<8x3072xf32>
    %add3A_115 = vector.broadcast %slice3A_113 : vector<8x1xf32> to vector<8x3072xf32>
    %add3A_116 = arith.addf %add3A_114, %add3A_115 : vector<8x3072xf32>
    %slice3A_117 = vector.extract_strided_slice %dot_general3A_5 {offsets = [64, 0], sizes = [8, 3072], strides = [1, 1]} : vector<1024x3072xf32> to vector<8x3072xf32>
    %mul3A_118 = arith.constant 2.000000e+00 : f32
    %mul3A_119 = vector.broadcast %mul3A_118 : f32 to vector<8x3072xf32>
    %mul3A_120 = arith.mulf %mul3A_119, %slice3A_117 : vector<8x3072xf32>
    %sub3A_121 = arith.subf %add3A_116, %mul3A_120 : vector<8x3072xf32>
    %lt3A_122 = arith.cmpf olt, %sub3A_121, %select_n3A_109 : vector<8x3072xf32>
    %select_n3A_123 = arith.select %lt3A_122, %sub3A_121, %select_n3A_109 : vector<8x3072xi1>, vector<8x3072xf32>
    %jit3A_124 = arith.constant 8 : i32
    %broadcast_in_dim3A_125 = vector.broadcast %jit3A_124 : i32 to vector<8x3072xi32>
    %select_n3A_126 = arith.select %lt3A_122, %broadcast_in_dim3A_125, %select_n3A_112 : vector<8x3072xi1>, vector<8x3072xi32>
    %slice3A_127 = vector.extract_strided_slice %get3A_9 {offsets = [72, 0], sizes = [8, 1], strides = [1, 1]} : vector<1024x1xf32> to vector<8x1xf32>
    %add3A_128 = vector.broadcast %broadcast_in_dim3A : vector<1x3072xf32> to vector<8x3072xf32>
    %add3A_129 = vector.broadcast %slice3A_127 : vector<8x1xf32> to vector<8x3072xf32>
    %add3A_130 = arith.addf %add3A_128, %add3A_129 : vector<8x3072xf32>
    %slice3A_131 = vector.extract_strided_slice %dot_general3A_5 {offsets = [72, 0], sizes = [8, 3072], strides = [1, 1]} : vector<1024x3072xf32> to vector<8x3072xf32>
    %mul3A_132 = arith.constant 2.000000e+00 : f32
    %mul3A_133 = vector.broadcast %mul3A_132 : f32 to vector<8x3072xf32>
    %mul3A_134 = arith.mulf %mul3A_133, %slice3A_131 : vector<8x3072xf32>
    %sub3A_135 = arith.subf %add3A_130, %mul3A_134 : vector<8x3072xf32>
    %lt3A_136 = arith.cmpf olt, %sub3A_135, %select_n3A_123 : vector<8x3072xf32>
    %select_n3A_137 = arith.select %lt3A_136, %sub3A_135, %select_n3A_123 : vector<8x3072xi1>, vector<8x3072xf32>
    %jit3A_138 = arith.constant 9 : i32
    %broadcast_in_dim3A_139 = vector.broadcast %jit3A_138 : i32 to vector<8x3072xi32>
    %select_n3A_140 = arith.select %lt3A_136, %broadcast_in_dim3A_139, %select_n3A_126 : vector<8x3072xi1>, vector<8x3072xi32>
    %slice3A_141 = vector.extract_strided_slice %get3A_9 {offsets = [80, 0], sizes = [8, 1], strides = [1, 1]} : vector<1024x1xf32> to vector<8x1xf32>
    %add3A_142 = vector.broadcast %broadcast_in_dim3A : vector<1x3072xf32> to vector<8x3072xf32>
    %add3A_143 = vector.broadcast %slice3A_141 : vector<8x1xf32> to vector<8x3072xf32>
    %add3A_144 = arith.addf %add3A_142, %add3A_143 : vector<8x3072xf32>
    %slice3A_145 = vector.extract_strided_slice %dot_general3A_5 {offsets = [80, 0], sizes = [8, 3072], strides = [1, 1]} : vector<1024x3072xf32> to vector<8x3072xf32>
    %mul3A_146 = arith.constant 2.000000e+00 : f32
    %mul3A_147 = vector.broadcast %mul3A_146 : f32 to vector<8x3072xf32>
    %mul3A_148 = arith.mulf %mul3A_147, %slice3A_145 : vector<8x3072xf32>
    %sub3A_149 = arith.subf %add3A_144, %mul3A_148 : vector<8x3072xf32>
    %lt3A_150 = arith.cmpf olt, %sub3A_149, %select_n3A_137 : vector<8x3072xf32>
    %select_n3A_151 = arith.select %lt3A_150, %sub3A_149, %select_n3A_137 : vector<8x3072xi1>, vector<8x3072xf32>
    %jit3A_152 = arith.constant 10 : i32
    %broadcast_in_dim3A_153 = vector.broadcast %jit3A_152 : i32 to vector<8x3072xi32>
    %select_n3A_154 = arith.select %lt3A_150, %broadcast_in_dim3A_153, %select_n3A_140 : vector<8x3072xi1>, vector<8x3072xi32>
    %slice3A_155 = vector.extract_strided_slice %get3A_9 {offsets = [88, 0], sizes = [8, 1], strides = [1, 1]} : vector<1024x1xf32> to vector<8x1xf32>
    %add3A_156 = vector.broadcast %broadcast_in_dim3A : vector<1x3072xf32> to vector<8x3072xf32>
    %add3A_157 = vector.broadcast %slice3A_155 : vector<8x1xf32> to vector<8x3072xf32>
    %add3A_158 = arith.addf %add3A_156, %add3A_157 : vector<8x3072xf32>
    %slice3A_159 = vector.extract_strided_slice %dot_general3A_5 {offsets = [88, 0], sizes = [8, 3072], strides = [1, 1]} : vector<1024x3072xf32> to vector<8x3072xf32>
    %mul3A_160 = arith.constant 2.000000e+00 : f32
    %mul3A_161 = vector.broadcast %mul3A_160 : f32 to vector<8x3072xf32>
    %mul3A_162 = arith.mulf %mul3A_161, %slice3A_159 : vector<8x3072xf32>
    %sub3A_163 = arith.subf %add3A_158, %mul3A_162 : vector<8x3072xf32>
    %lt3A_164 = arith.cmpf olt, %sub3A_163, %select_n3A_151 : vector<8x3072xf32>
    %select_n3A_165 = arith.select %lt3A_164, %sub3A_163, %select_n3A_151 : vector<8x3072xi1>, vector<8x3072xf32>
    %jit3A_166 = arith.constant 11 : i32
    %broadcast_in_dim3A_167 = vector.broadcast %jit3A_166 : i32 to vector<8x3072xi32>
    %select_n3A_168 = arith.select %lt3A_164, %broadcast_in_dim3A_167, %select_n3A_154 : vector<8x3072xi1>, vector<8x3072xi32>
    %slice3A_169 = vector.extract_strided_slice %get3A_9 {offsets = [96, 0], sizes = [8, 1], strides = [1, 1]} : vector<1024x1xf32> to vector<8x1xf32>
    %add3A_170 = vector.broadcast %broadcast_in_dim3A : vector<1x3072xf32> to vector<8x3072xf32>
    %add3A_171 = vector.broadcast %slice3A_169 : vector<8x1xf32> to vector<8x3072xf32>
    %add3A_172 = arith.addf %add3A_170, %add3A_171 : vector<8x3072xf32>
    %slice3A_173 = vector.extract_strided_slice %dot_general3A_5 {offsets = [96, 0], sizes = [8, 3072], strides = [1, 1]} : vector<1024x3072xf32> to vector<8x3072xf32>
    %mul3A_174 = arith.constant 2.000000e+00 : f32
    %mul3A_175 = vector.broadcast %mul3A_174 : f32 to vector<8x3072xf32>
    %mul3A_176 = arith.mulf %mul3A_175, %slice3A_173 : vector<8x3072xf32>
    %sub3A_177 = arith.subf %add3A_172, %mul3A_176 : vector<8x3072xf32>
    %lt3A_178 = arith.cmpf olt, %sub3A_177, %select_n3A_165 : vector<8x3072xf32>
    %select_n3A_179 = arith.select %lt3A_178, %sub3A_177, %select_n3A_165 : vector<8x3072xi1>, vector<8x3072xf32>
    %jit3A_180 = arith.constant 12 : i32
    %broadcast_in_dim3A_181 = vector.broadcast %jit3A_180 : i32 to vector<8x3072xi32>
    %select_n3A_182 = arith.select %lt3A_178, %broadcast_in_dim3A_181, %select_n3A_168 : vector<8x3072xi1>, vector<8x3072xi32>
    %slice3A_183 = vector.extract_strided_slice %get3A_9 {offsets = [104, 0], sizes = [8, 1], strides = [1, 1]} : vector<1024x1xf32> to vector<8x1xf32>
    %add3A_184 = vector.broadcast %broadcast_in_dim3A : vector<1x3072xf32> to vector<8x3072xf32>
    %add3A_185 = vector.broadcast %slice3A_183 : vector<8x1xf32> to vector<8x3072xf32>
    %add3A_186 = arith.addf %add3A_184, %add3A_185 : vector<8x3072xf32>
    %slice3A_187 = vector.extract_strided_slice %dot_general3A_5 {offsets = [104, 0], sizes = [8, 3072], strides = [1, 1]} : vector<1024x3072xf32> to vector<8x3072xf32>
    %mul3A_188 = arith.constant 2.000000e+00 : f32
    %mul3A_189 = vector.broadcast %mul3A_188 : f32 to vector<8x3072xf32>
    %mul3A_190 = arith.mulf %mul3A_189, %slice3A_187 : vector<8x3072xf32>
    %sub3A_191 = arith.subf %add3A_186, %mul3A_190 : vector<8x3072xf32>
    %lt3A_192 = arith.cmpf olt, %sub3A_191, %select_n3A_179 : vector<8x3072xf32>
    %select_n3A_193 = arith.select %lt3A_192, %sub3A_191, %select_n3A_179 : vector<8x3072xi1>, vector<8x3072xf32>
    %jit3A_194 = arith.constant 13 : i32
    %broadcast_in_dim3A_195 = vector.broadcast %jit3A_194 : i32 to vector<8x3072xi32>
    %select_n3A_196 = arith.select %lt3A_192, %broadcast_in_dim3A_195, %select_n3A_182 : vector<8x3072xi1>, vector<8x3072xi32>
    %slice3A_197 = vector.extract_strided_slice %get3A_9 {offsets = [112, 0], sizes = [8, 1], strides = [1, 1]} : vector<1024x1xf32> to vector<8x1xf32>
    %add3A_198 = vector.broadcast %broadcast_in_dim3A : vector<1x3072xf32> to vector<8x3072xf32>
    %add3A_199 = vector.broadcast %slice3A_197 : vector<8x1xf32> to vector<8x3072xf32>
    %add3A_200 = arith.addf %add3A_198, %add3A_199 : vector<8x3072xf32>
    %slice3A_201 = vector.extract_strided_slice %dot_general3A_5 {offsets = [112, 0], sizes = [8, 3072], strides = [1, 1]} : vector<1024x3072xf32> to vector<8x3072xf32>
    %mul3A_202 = arith.constant 2.000000e+00 : f32
    %mul3A_203 = vector.broadcast %mul3A_202 : f32 to vector<8x3072xf32>
    %mul3A_204 = arith.mulf %mul3A_203, %slice3A_201 : vector<8x3072xf32>
    %sub3A_205 = arith.subf %add3A_200, %mul3A_204 : vector<8x3072xf32>
    %lt3A_206 = arith.cmpf olt, %sub3A_205, %select_n3A_193 : vector<8x3072xf32>
    %select_n3A_207 = arith.select %lt3A_206, %sub3A_205, %select_n3A_193 : vector<8x3072xi1>, vector<8x3072xf32>
    %jit3A_208 = arith.constant 14 : i32
    %broadcast_in_dim3A_209 = vector.broadcast %jit3A_208 : i32 to vector<8x3072xi32>
    %select_n3A_210 = arith.select %lt3A_206, %broadcast_in_dim3A_209, %select_n3A_196 : vector<8x3072xi1>, vector<8x3072xi32>
    %slice3A_211 = vector.extract_strided_slice %get3A_9 {offsets = [120, 0], sizes = [8, 1], strides = [1, 1]} : vector<1024x1xf32> to vector<8x1xf32>
    %add3A_212 = vector.broadcast %broadcast_in_dim3A : vector<1x3072xf32> to vector<8x3072xf32>
    %add3A_213 = vector.broadcast %slice3A_211 : vector<8x1xf32> to vector<8x3072xf32>
    %add3A_214 = arith.addf %add3A_212, %add3A_213 : vector<8x3072xf32>
    %slice3A_215 = vector.extract_strided_slice %dot_general3A_5 {offsets = [120, 0], sizes = [8, 3072], strides = [1, 1]} : vector<1024x3072xf32> to vector<8x3072xf32>
    %mul3A_216 = arith.constant 2.000000e+00 : f32
    %mul3A_217 = vector.broadcast %mul3A_216 : f32 to vector<8x3072xf32>
    %mul3A_218 = arith.mulf %mul3A_217, %slice3A_215 : vector<8x3072xf32>
    %sub3A_219 = arith.subf %add3A_214, %mul3A_218 : vector<8x3072xf32>
    %lt3A_220 = arith.cmpf olt, %sub3A_219, %select_n3A_207 : vector<8x3072xf32>
    %select_n3A_221 = arith.select %lt3A_220, %sub3A_219, %select_n3A_207 : vector<8x3072xi1>, vector<8x3072xf32>
    %jit3A_222 = arith.constant 15 : i32
    %broadcast_in_dim3A_223 = vector.broadcast %jit3A_222 : i32 to vector<8x3072xi32>
    %select_n3A_224 = arith.select %lt3A_220, %broadcast_in_dim3A_223, %select_n3A_210 : vector<8x3072xi1>, vector<8x3072xi32>
    %slice3A_225 = vector.extract_strided_slice %get3A_9 {offsets = [128, 0], sizes = [8, 1], strides = [1, 1]} : vector<1024x1xf32> to vector<8x1xf32>
    %add3A_226 = vector.broadcast %broadcast_in_dim3A : vector<1x3072xf32> to vector<8x3072xf32>
    %add3A_227 = vector.broadcast %slice3A_225 : vector<8x1xf32> to vector<8x3072xf32>
    %add3A_228 = arith.addf %add3A_226, %add3A_227 : vector<8x3072xf32>
    %slice3A_229 = vector.extract_strided_slice %dot_general3A_5 {offsets = [128, 0], sizes = [8, 3072], strides = [1, 1]} : vector<1024x3072xf32> to vector<8x3072xf32>
    %mul3A_230 = arith.constant 2.000000e+00 : f32
    %mul3A_231 = vector.broadcast %mul3A_230 : f32 to vector<8x3072xf32>
    %mul3A_232 = arith.mulf %mul3A_231, %slice3A_229 : vector<8x3072xf32>
    %sub3A_233 = arith.subf %add3A_228, %mul3A_232 : vector<8x3072xf32>
    %lt3A_234 = arith.cmpf olt, %sub3A_233, %select_n3A_221 : vector<8x3072xf32>
    %select_n3A_235 = arith.select %lt3A_234, %sub3A_233, %select_n3A_221 : vector<8x3072xi1>, vector<8x3072xf32>
    %jit3A_236 = arith.constant 16 : i32
    %broadcast_in_dim3A_237 = vector.broadcast %jit3A_236 : i32 to vector<8x3072xi32>
    %select_n3A_238 = arith.select %lt3A_234, %broadcast_in_dim3A_237, %select_n3A_224 : vector<8x3072xi1>, vector<8x3072xi32>
    %slice3A_239 = vector.extract_strided_slice %get3A_9 {offsets = [136, 0], sizes = [8, 1], strides = [1, 1]} : vector<1024x1xf32> to vector<8x1xf32>
    %add3A_240 = vector.broadcast %broadcast_in_dim3A : vector<1x3072xf32> to vector<8x3072xf32>
    %add3A_241 = vector.broadcast %slice3A_239 : vector<8x1xf32> to vector<8x3072xf32>
    %add3A_242 = arith.addf %add3A_240, %add3A_241 : vector<8x3072xf32>
    %slice3A_243 = vector.extract_strided_slice %dot_general3A_5 {offsets = [136, 0], sizes = [8, 3072], strides = [1, 1]} : vector<1024x3072xf32> to vector<8x3072xf32>
    %mul3A_244 = arith.constant 2.000000e+00 : f32
    %mul3A_245 = vector.broadcast %mul3A_244 : f32 to vector<8x3072xf32>
    %mul3A_246 = arith.mulf %mul3A_245, %slice3A_243 : vector<8x3072xf32>
    %sub3A_247 = arith.subf %add3A_242, %mul3A_246 : vector<8x3072xf32>
    %lt3A_248 = arith.cmpf olt, %sub3A_247, %select_n3A_235 : vector<8x3072xf32>
    %select_n3A_249 = arith.select %lt3A_248, %sub3A_247, %select_n3A_235 : vector<8x3072xi1>, vector<8x3072xf32>
    %jit3A_250 = arith.constant 17 : i32
    %broadcast_in_dim3A_251 = vector.broadcast %jit3A_250 : i32 to vector<8x3072xi32>
    %select_n3A_252 = arith.select %lt3A_248, %broadcast_in_dim3A_251, %select_n3A_238 : vector<8x3072xi1>, vector<8x3072xi32>
    %slice3A_253 = vector.extract_strided_slice %get3A_9 {offsets = [144, 0], sizes = [8, 1], strides = [1, 1]} : vector<1024x1xf32> to vector<8x1xf32>
    %add3A_254 = vector.broadcast %broadcast_in_dim3A : vector<1x3072xf32> to vector<8x3072xf32>
    %add3A_255 = vector.broadcast %slice3A_253 : vector<8x1xf32> to vector<8x3072xf32>
    %add3A_256 = arith.addf %add3A_254, %add3A_255 : vector<8x3072xf32>
    %slice3A_257 = vector.extract_strided_slice %dot_general3A_5 {offsets = [144, 0], sizes = [8, 3072], strides = [1, 1]} : vector<1024x3072xf32> to vector<8x3072xf32>
    %mul3A_258 = arith.constant 2.000000e+00 : f32
    %mul3A_259 = vector.broadcast %mul3A_258 : f32 to vector<8x3072xf32>
    %mul3A_260 = arith.mulf %mul3A_259, %slice3A_257 : vector<8x3072xf32>
    %sub3A_261 = arith.subf %add3A_256, %mul3A_260 : vector<8x3072xf32>
    %lt3A_262 = arith.cmpf olt, %sub3A_261, %select_n3A_249 : vector<8x3072xf32>
    %select_n3A_263 = arith.select %lt3A_262, %sub3A_261, %select_n3A_249 : vector<8x3072xi1>, vector<8x3072xf32>
    %jit3A_264 = arith.constant 18 : i32
    %broadcast_in_dim3A_265 = vector.broadcast %jit3A_264 : i32 to vector<8x3072xi32>
    %select_n3A_266 = arith.select %lt3A_262, %broadcast_in_dim3A_265, %select_n3A_252 : vector<8x3072xi1>, vector<8x3072xi32>
    %slice3A_267 = vector.extract_strided_slice %get3A_9 {offsets = [152, 0], sizes = [8, 1], strides = [1, 1]} : vector<1024x1xf32> to vector<8x1xf32>
    %add3A_268 = vector.broadcast %broadcast_in_dim3A : vector<1x3072xf32> to vector<8x3072xf32>
    %add3A_269 = vector.broadcast %slice3A_267 : vector<8x1xf32> to vector<8x3072xf32>
    %add3A_270 = arith.addf %add3A_268, %add3A_269 : vector<8x3072xf32>
    %slice3A_271 = vector.extract_strided_slice %dot_general3A_5 {offsets = [152, 0], sizes = [8, 3072], strides = [1, 1]} : vector<1024x3072xf32> to vector<8x3072xf32>
    %mul3A_272 = arith.constant 2.000000e+00 : f32
    %mul3A_273 = vector.broadcast %mul3A_272 : f32 to vector<8x3072xf32>
    %mul3A_274 = arith.mulf %mul3A_273, %slice3A_271 : vector<8x3072xf32>
    %sub3A_275 = arith.subf %add3A_270, %mul3A_274 : vector<8x3072xf32>
    %lt3A_276 = arith.cmpf olt, %sub3A_275, %select_n3A_263 : vector<8x3072xf32>
    %select_n3A_277 = arith.select %lt3A_276, %sub3A_275, %select_n3A_263 : vector<8x3072xi1>, vector<8x3072xf32>
    %jit3A_278 = arith.constant 19 : i32
    %broadcast_in_dim3A_279 = vector.broadcast %jit3A_278 : i32 to vector<8x3072xi32>
    %select_n3A_280 = arith.select %lt3A_276, %broadcast_in_dim3A_279, %select_n3A_266 : vector<8x3072xi1>, vector<8x3072xi32>
    %slice3A_281 = vector.extract_strided_slice %get3A_9 {offsets = [160, 0], sizes = [8, 1], strides = [1, 1]} : vector<1024x1xf32> to vector<8x1xf32>
    %add3A_282 = vector.broadcast %broadcast_in_dim3A : vector<1x3072xf32> to vector<8x3072xf32>
    %add3A_283 = vector.broadcast %slice3A_281 : vector<8x1xf32> to vector<8x3072xf32>
    %add3A_284 = arith.addf %add3A_282, %add3A_283 : vector<8x3072xf32>
    %slice3A_285 = vector.extract_strided_slice %dot_general3A_5 {offsets = [160, 0], sizes = [8, 3072], strides = [1, 1]} : vector<1024x3072xf32> to vector<8x3072xf32>
    %mul3A_286 = arith.constant 2.000000e+00 : f32
    %mul3A_287 = vector.broadcast %mul3A_286 : f32 to vector<8x3072xf32>
    %mul3A_288 = arith.mulf %mul3A_287, %slice3A_285 : vector<8x3072xf32>
    %sub3A_289 = arith.subf %add3A_284, %mul3A_288 : vector<8x3072xf32>
    %lt3A_290 = arith.cmpf olt, %sub3A_289, %select_n3A_277 : vector<8x3072xf32>
    %select_n3A_291 = arith.select %lt3A_290, %sub3A_289, %select_n3A_277 : vector<8x3072xi1>, vector<8x3072xf32>
    %jit3A_292 = arith.constant 20 : i32
    %broadcast_in_dim3A_293 = vector.broadcast %jit3A_292 : i32 to vector<8x3072xi32>
    %select_n3A_294 = arith.select %lt3A_290, %broadcast_in_dim3A_293, %select_n3A_280 : vector<8x3072xi1>, vector<8x3072xi32>
    %slice3A_295 = vector.extract_strided_slice %get3A_9 {offsets = [168, 0], sizes = [8, 1], strides = [1, 1]} : vector<1024x1xf32> to vector<8x1xf32>
    %add3A_296 = vector.broadcast %broadcast_in_dim3A : vector<1x3072xf32> to vector<8x3072xf32>
    %add3A_297 = vector.broadcast %slice3A_295 : vector<8x1xf32> to vector<8x3072xf32>
    %add3A_298 = arith.addf %add3A_296, %add3A_297 : vector<8x3072xf32>
    %slice3A_299 = vector.extract_strided_slice %dot_general3A_5 {offsets = [168, 0], sizes = [8, 3072], strides = [1, 1]} : vector<1024x3072xf32> to vector<8x3072xf32>
    %mul3A_300 = arith.constant 2.000000e+00 : f32
    %mul3A_301 = vector.broadcast %mul3A_300 : f32 to vector<8x3072xf32>
    %mul3A_302 = arith.mulf %mul3A_301, %slice3A_299 : vector<8x3072xf32>
    %sub3A_303 = arith.subf %add3A_298, %mul3A_302 : vector<8x3072xf32>
    %lt3A_304 = arith.cmpf olt, %sub3A_303, %select_n3A_291 : vector<8x3072xf32>
    %select_n3A_305 = arith.select %lt3A_304, %sub3A_303, %select_n3A_291 : vector<8x3072xi1>, vector<8x3072xf32>
    %jit3A_306 = arith.constant 21 : i32
    %broadcast_in_dim3A_307 = vector.broadcast %jit3A_306 : i32 to vector<8x3072xi32>
    %select_n3A_308 = arith.select %lt3A_304, %broadcast_in_dim3A_307, %select_n3A_294 : vector<8x3072xi1>, vector<8x3072xi32>
    %slice3A_309 = vector.extract_strided_slice %get3A_9 {offsets = [176, 0], sizes = [8, 1], strides = [1, 1]} : vector<1024x1xf32> to vector<8x1xf32>
    %add3A_310 = vector.broadcast %broadcast_in_dim3A : vector<1x3072xf32> to vector<8x3072xf32>
    %add3A_311 = vector.broadcast %slice3A_309 : vector<8x1xf32> to vector<8x3072xf32>
    %add3A_312 = arith.addf %add3A_310, %add3A_311 : vector<8x3072xf32>
    %slice3A_313 = vector.extract_strided_slice %dot_general3A_5 {offsets = [176, 0], sizes = [8, 3072], strides = [1, 1]} : vector<1024x3072xf32> to vector<8x3072xf32>
    %mul3A_314 = arith.constant 2.000000e+00 : f32
    %mul3A_315 = vector.broadcast %mul3A_314 : f32 to vector<8x3072xf32>
    %mul3A_316 = arith.mulf %mul3A_315, %slice3A_313 : vector<8x3072xf32>
    %sub3A_317 = arith.subf %add3A_312, %mul3A_316 : vector<8x3072xf32>
    %lt3A_318 = arith.cmpf olt, %sub3A_317, %select_n3A_305 : vector<8x3072xf32>
    %select_n3A_319 = arith.select %lt3A_318, %sub3A_317, %select_n3A_305 : vector<8x3072xi1>, vector<8x3072xf32>
    %jit3A_320 = arith.constant 22 : i32
    %broadcast_in_dim3A_321 = vector.broadcast %jit3A_320 : i32 to vector<8x3072xi32>
    %select_n3A_322 = arith.select %lt3A_318, %broadcast_in_dim3A_321, %select_n3A_308 : vector<8x3072xi1>, vector<8x3072xi32>
    %slice3A_323 = vector.extract_strided_slice %get3A_9 {offsets = [184, 0], sizes = [8, 1], strides = [1, 1]} : vector<1024x1xf32> to vector<8x1xf32>
    %add3A_324 = vector.broadcast %broadcast_in_dim3A : vector<1x3072xf32> to vector<8x3072xf32>
    %add3A_325 = vector.broadcast %slice3A_323 : vector<8x1xf32> to vector<8x3072xf32>
    %add3A_326 = arith.addf %add3A_324, %add3A_325 : vector<8x3072xf32>
    %slice3A_327 = vector.extract_strided_slice %dot_general3A_5 {offsets = [184, 0], sizes = [8, 3072], strides = [1, 1]} : vector<1024x3072xf32> to vector<8x3072xf32>
    %mul3A_328 = arith.constant 2.000000e+00 : f32
    %mul3A_329 = vector.broadcast %mul3A_328 : f32 to vector<8x3072xf32>
    %mul3A_330 = arith.mulf %mul3A_329, %slice3A_327 : vector<8x3072xf32>
    %sub3A_331 = arith.subf %add3A_326, %mul3A_330 : vector<8x3072xf32>
    %lt3A_332 = arith.cmpf olt, %sub3A_331, %select_n3A_319 : vector<8x3072xf32>
    %select_n3A_333 = arith.select %lt3A_332, %sub3A_331, %select_n3A_319 : vector<8x3072xi1>, vector<8x3072xf32>
    %jit3A_334 = arith.constant 23 : i32
    %broadcast_in_dim3A_335 = vector.broadcast %jit3A_334 : i32 to vector<8x3072xi32>
    %select_n3A_336 = arith.select %lt3A_332, %broadcast_in_dim3A_335, %select_n3A_322 : vector<8x3072xi1>, vector<8x3072xi32>
    %slice3A_337 = vector.extract_strided_slice %get3A_9 {offsets = [192, 0], sizes = [8, 1], strides = [1, 1]} : vector<1024x1xf32> to vector<8x1xf32>
    %add3A_338 = vector.broadcast %broadcast_in_dim3A : vector<1x3072xf32> to vector<8x3072xf32>
    %add3A_339 = vector.broadcast %slice3A_337 : vector<8x1xf32> to vector<8x3072xf32>
    %add3A_340 = arith.addf %add3A_338, %add3A_339 : vector<8x3072xf32>
    %slice3A_341 = vector.extract_strided_slice %dot_general3A_5 {offsets = [192, 0], sizes = [8, 3072], strides = [1, 1]} : vector<1024x3072xf32> to vector<8x3072xf32>
    %mul3A_342 = arith.constant 2.000000e+00 : f32
    %mul3A_343 = vector.broadcast %mul3A_342 : f32 to vector<8x3072xf32>
    %mul3A_344 = arith.mulf %mul3A_343, %slice3A_341 : vector<8x3072xf32>
    %sub3A_345 = arith.subf %add3A_340, %mul3A_344 : vector<8x3072xf32>
    %lt3A_346 = arith.cmpf olt, %sub3A_345, %select_n3A_333 : vector<8x3072xf32>
    %select_n3A_347 = arith.select %lt3A_346, %sub3A_345, %select_n3A_333 : vector<8x3072xi1>, vector<8x3072xf32>
    %jit3A_348 = arith.constant 24 : i32
    %broadcast_in_dim3A_349 = vector.broadcast %jit3A_348 : i32 to vector<8x3072xi32>
    %select_n3A_350 = arith.select %lt3A_346, %broadcast_in_dim3A_349, %select_n3A_336 : vector<8x3072xi1>, vector<8x3072xi32>
    %slice3A_351 = vector.extract_strided_slice %get3A_9 {offsets = [200, 0], sizes = [8, 1], strides = [1, 1]} : vector<1024x1xf32> to vector<8x1xf32>
    %add3A_352 = vector.broadcast %broadcast_in_dim3A : vector<1x3072xf32> to vector<8x3072xf32>
    %add3A_353 = vector.broadcast %slice3A_351 : vector<8x1xf32> to vector<8x3072xf32>
    %add3A_354 = arith.addf %add3A_352, %add3A_353 : vector<8x3072xf32>
    %slice3A_355 = vector.extract_strided_slice %dot_general3A_5 {offsets = [200, 0], sizes = [8, 3072], strides = [1, 1]} : vector<1024x3072xf32> to vector<8x3072xf32>
    %mul3A_356 = arith.constant 2.000000e+00 : f32
    %mul3A_357 = vector.broadcast %mul3A_356 : f32 to vector<8x3072xf32>
    %mul3A_358 = arith.mulf %mul3A_357, %slice3A_355 : vector<8x3072xf32>
    %sub3A_359 = arith.subf %add3A_354, %mul3A_358 : vector<8x3072xf32>
    %lt3A_360 = arith.cmpf olt, %sub3A_359, %select_n3A_347 : vector<8x3072xf32>
    %select_n3A_361 = arith.select %lt3A_360, %sub3A_359, %select_n3A_347 : vector<8x3072xi1>, vector<8x3072xf32>
    %jit3A_362 = arith.constant 25 : i32
    %broadcast_in_dim3A_363 = vector.broadcast %jit3A_362 : i32 to vector<8x3072xi32>
    %select_n3A_364 = arith.select %lt3A_360, %broadcast_in_dim3A_363, %select_n3A_350 : vector<8x3072xi1>, vector<8x3072xi32>
    %slice3A_365 = vector.extract_strided_slice %get3A_9 {offsets = [208, 0], sizes = [8, 1], strides = [1, 1]} : vector<1024x1xf32> to vector<8x1xf32>
    %add3A_366 = vector.broadcast %broadcast_in_dim3A : vector<1x3072xf32> to vector<8x3072xf32>
    %add3A_367 = vector.broadcast %slice3A_365 : vector<8x1xf32> to vector<8x3072xf32>
    %add3A_368 = arith.addf %add3A_366, %add3A_367 : vector<8x3072xf32>
    %slice3A_369 = vector.extract_strided_slice %dot_general3A_5 {offsets = [208, 0], sizes = [8, 3072], strides = [1, 1]} : vector<1024x3072xf32> to vector<8x3072xf32>
    %mul3A_370 = arith.constant 2.000000e+00 : f32
    %mul3A_371 = vector.broadcast %mul3A_370 : f32 to vector<8x3072xf32>
    %mul3A_372 = arith.mulf %mul3A_371, %slice3A_369 : vector<8x3072xf32>
    %sub3A_373 = arith.subf %add3A_368, %mul3A_372 : vector<8x3072xf32>
    %lt3A_374 = arith.cmpf olt, %sub3A_373, %select_n3A_361 : vector<8x3072xf32>
    %select_n3A_375 = arith.select %lt3A_374, %sub3A_373, %select_n3A_361 : vector<8x3072xi1>, vector<8x3072xf32>
    %jit3A_376 = arith.constant 26 : i32
    %broadcast_in_dim3A_377 = vector.broadcast %jit3A_376 : i32 to vector<8x3072xi32>
    %select_n3A_378 = arith.select %lt3A_374, %broadcast_in_dim3A_377, %select_n3A_364 : vector<8x3072xi1>, vector<8x3072xi32>
    %slice3A_379 = vector.extract_strided_slice %get3A_9 {offsets = [216, 0], sizes = [8, 1], strides = [1, 1]} : vector<1024x1xf32> to vector<8x1xf32>
    %add3A_380 = vector.broadcast %broadcast_in_dim3A : vector<1x3072xf32> to vector<8x3072xf32>
    %add3A_381 = vector.broadcast %slice3A_379 : vector<8x1xf32> to vector<8x3072xf32>
    %add3A_382 = arith.addf %add3A_380, %add3A_381 : vector<8x3072xf32>
    %slice3A_383 = vector.extract_strided_slice %dot_general3A_5 {offsets = [216, 0], sizes = [8, 3072], strides = [1, 1]} : vector<1024x3072xf32> to vector<8x3072xf32>
    %mul3A_384 = arith.constant 2.000000e+00 : f32
    %mul3A_385 = vector.broadcast %mul3A_384 : f32 to vector<8x3072xf32>
    %mul3A_386 = arith.mulf %mul3A_385, %slice3A_383 : vector<8x3072xf32>
    %sub3A_387 = arith.subf %add3A_382, %mul3A_386 : vector<8x3072xf32>
    %lt3A_388 = arith.cmpf olt, %sub3A_387, %select_n3A_375 : vector<8x3072xf32>
    %select_n3A_389 = arith.select %lt3A_388, %sub3A_387, %select_n3A_375 : vector<8x3072xi1>, vector<8x3072xf32>
    %jit3A_390 = arith.constant 27 : i32
    %broadcast_in_dim3A_391 = vector.broadcast %jit3A_390 : i32 to vector<8x3072xi32>
    %select_n3A_392 = arith.select %lt3A_388, %broadcast_in_dim3A_391, %select_n3A_378 : vector<8x3072xi1>, vector<8x3072xi32>
    %slice3A_393 = vector.extract_strided_slice %get3A_9 {offsets = [224, 0], sizes = [8, 1], strides = [1, 1]} : vector<1024x1xf32> to vector<8x1xf32>
    %add3A_394 = vector.broadcast %broadcast_in_dim3A : vector<1x3072xf32> to vector<8x3072xf32>
    %add3A_395 = vector.broadcast %slice3A_393 : vector<8x1xf32> to vector<8x3072xf32>
    %add3A_396 = arith.addf %add3A_394, %add3A_395 : vector<8x3072xf32>
    %slice3A_397 = vector.extract_strided_slice %dot_general3A_5 {offsets = [224, 0], sizes = [8, 3072], strides = [1, 1]} : vector<1024x3072xf32> to vector<8x3072xf32>
    %mul3A_398 = arith.constant 2.000000e+00 : f32
    %mul3A_399 = vector.broadcast %mul3A_398 : f32 to vector<8x3072xf32>
    %mul3A_400 = arith.mulf %mul3A_399, %slice3A_397 : vector<8x3072xf32>
    %sub3A_401 = arith.subf %add3A_396, %mul3A_400 : vector<8x3072xf32>
    %lt3A_402 = arith.cmpf olt, %sub3A_401, %select_n3A_389 : vector<8x3072xf32>
    %select_n3A_403 = arith.select %lt3A_402, %sub3A_401, %select_n3A_389 : vector<8x3072xi1>, vector<8x3072xf32>
    %jit3A_404 = arith.constant 28 : i32
    %broadcast_in_dim3A_405 = vector.broadcast %jit3A_404 : i32 to vector<8x3072xi32>
    %select_n3A_406 = arith.select %lt3A_402, %broadcast_in_dim3A_405, %select_n3A_392 : vector<8x3072xi1>, vector<8x3072xi32>
    %slice3A_407 = vector.extract_strided_slice %get3A_9 {offsets = [232, 0], sizes = [8, 1], strides = [1, 1]} : vector<1024x1xf32> to vector<8x1xf32>
    %add3A_408 = vector.broadcast %broadcast_in_dim3A : vector<1x3072xf32> to vector<8x3072xf32>
    %add3A_409 = vector.broadcast %slice3A_407 : vector<8x1xf32> to vector<8x3072xf32>
    %add3A_410 = arith.addf %add3A_408, %add3A_409 : vector<8x3072xf32>
    %slice3A_411 = vector.extract_strided_slice %dot_general3A_5 {offsets = [232, 0], sizes = [8, 3072], strides = [1, 1]} : vector<1024x3072xf32> to vector<8x3072xf32>
    %mul3A_412 = arith.constant 2.000000e+00 : f32
    %mul3A_413 = vector.broadcast %mul3A_412 : f32 to vector<8x3072xf32>
    %mul3A_414 = arith.mulf %mul3A_413, %slice3A_411 : vector<8x3072xf32>
    %sub3A_415 = arith.subf %add3A_410, %mul3A_414 : vector<8x3072xf32>
    %lt3A_416 = arith.cmpf olt, %sub3A_415, %select_n3A_403 : vector<8x3072xf32>
    %select_n3A_417 = arith.select %lt3A_416, %sub3A_415, %select_n3A_403 : vector<8x3072xi1>, vector<8x3072xf32>
    %jit3A_418 = arith.constant 29 : i32
    %broadcast_in_dim3A_419 = vector.broadcast %jit3A_418 : i32 to vector<8x3072xi32>
    %select_n3A_420 = arith.select %lt3A_416, %broadcast_in_dim3A_419, %select_n3A_406 : vector<8x3072xi1>, vector<8x3072xi32>
    %slice3A_421 = vector.extract_strided_slice %get3A_9 {offsets = [240, 0], sizes = [8, 1], strides = [1, 1]} : vector<1024x1xf32> to vector<8x1xf32>
    %add3A_422 = vector.broadcast %broadcast_in_dim3A : vector<1x3072xf32> to vector<8x3072xf32>
    %add3A_423 = vector.broadcast %slice3A_421 : vector<8x1xf32> to vector<8x3072xf32>
    %add3A_424 = arith.addf %add3A_422, %add3A_423 : vector<8x3072xf32>
    %slice3A_425 = vector.extract_strided_slice %dot_general3A_5 {offsets = [240, 0], sizes = [8, 3072], strides = [1, 1]} : vector<1024x3072xf32> to vector<8x3072xf32>
    %mul3A_426 = arith.constant 2.000000e+00 : f32
    %mul3A_427 = vector.broadcast %mul3A_426 : f32 to vector<8x3072xf32>
    %mul3A_428 = arith.mulf %mul3A_427, %slice3A_425 : vector<8x3072xf32>
    %sub3A_429 = arith.subf %add3A_424, %mul3A_428 : vector<8x3072xf32>
    %lt3A_430 = arith.cmpf olt, %sub3A_429, %select_n3A_417 : vector<8x3072xf32>
    %select_n3A_431 = arith.select %lt3A_430, %sub3A_429, %select_n3A_417 : vector<8x3072xi1>, vector<8x3072xf32>
    %jit3A_432 = arith.constant 30 : i32
    %broadcast_in_dim3A_433 = vector.broadcast %jit3A_432 : i32 to vector<8x3072xi32>
    %select_n3A_434 = arith.select %lt3A_430, %broadcast_in_dim3A_433, %select_n3A_420 : vector<8x3072xi1>, vector<8x3072xi32>
    %slice3A_435 = vector.extract_strided_slice %get3A_9 {offsets = [248, 0], sizes = [8, 1], strides = [1, 1]} : vector<1024x1xf32> to vector<8x1xf32>
    %add3A_436 = vector.broadcast %broadcast_in_dim3A : vector<1x3072xf32> to vector<8x3072xf32>
    %add3A_437 = vector.broadcast %slice3A_435 : vector<8x1xf32> to vector<8x3072xf32>
    %add3A_438 = arith.addf %add3A_436, %add3A_437 : vector<8x3072xf32>
    %slice3A_439 = vector.extract_strided_slice %dot_general3A_5 {offsets = [248, 0], sizes = [8, 3072], strides = [1, 1]} : vector<1024x3072xf32> to vector<8x3072xf32>
    %mul3A_440 = arith.constant 2.000000e+00 : f32
    %mul3A_441 = vector.broadcast %mul3A_440 : f32 to vector<8x3072xf32>
    %mul3A_442 = arith.mulf %mul3A_441, %slice3A_439 : vector<8x3072xf32>
    %sub3A_443 = arith.subf %add3A_438, %mul3A_442 : vector<8x3072xf32>
    %lt3A_444 = arith.cmpf olt, %sub3A_443, %select_n3A_431 : vector<8x3072xf32>
    %select_n3A_445 = arith.select %lt3A_444, %sub3A_443, %select_n3A_431 : vector<8x3072xi1>, vector<8x3072xf32>
    %jit3A_446 = arith.constant 31 : i32
    %broadcast_in_dim3A_447 = vector.broadcast %jit3A_446 : i32 to vector<8x3072xi32>
    %select_n3A_448 = arith.select %lt3A_444, %broadcast_in_dim3A_447, %select_n3A_434 : vector<8x3072xi1>, vector<8x3072xi32>
    %slice3A_449 = vector.extract_strided_slice %get3A_9 {offsets = [256, 0], sizes = [8, 1], strides = [1, 1]} : vector<1024x1xf32> to vector<8x1xf32>
    %add3A_450 = vector.broadcast %broadcast_in_dim3A : vector<1x3072xf32> to vector<8x3072xf32>
    %add3A_451 = vector.broadcast %slice3A_449 : vector<8x1xf32> to vector<8x3072xf32>
    %add3A_452 = arith.addf %add3A_450, %add3A_451 : vector<8x3072xf32>
    %slice3A_453 = vector.extract_strided_slice %dot_general3A_5 {offsets = [256, 0], sizes = [8, 3072], strides = [1, 1]} : vector<1024x3072xf32> to vector<8x3072xf32>
    %mul3A_454 = arith.constant 2.000000e+00 : f32
    %mul3A_455 = vector.broadcast %mul3A_454 : f32 to vector<8x3072xf32>
    %mul3A_456 = arith.mulf %mul3A_455, %slice3A_453 : vector<8x3072xf32>
    %sub3A_457 = arith.subf %add3A_452, %mul3A_456 : vector<8x3072xf32>
    %lt3A_458 = arith.cmpf olt, %sub3A_457, %select_n3A_445 : vector<8x3072xf32>
    %select_n3A_459 = arith.select %lt3A_458, %sub3A_457, %select_n3A_445 : vector<8x3072xi1>, vector<8x3072xf32>
    %jit3A_460 = arith.constant 32 : i32
    %broadcast_in_dim3A_461 = vector.broadcast %jit3A_460 : i32 to vector<8x3072xi32>
    %select_n3A_462 = arith.select %lt3A_458, %broadcast_in_dim3A_461, %select_n3A_448 : vector<8x3072xi1>, vector<8x3072xi32>
    %slice3A_463 = vector.extract_strided_slice %get3A_9 {offsets = [264, 0], sizes = [8, 1], strides = [1, 1]} : vector<1024x1xf32> to vector<8x1xf32>
    %add3A_464 = vector.broadcast %broadcast_in_dim3A : vector<1x3072xf32> to vector<8x3072xf32>
    %add3A_465 = vector.broadcast %slice3A_463 : vector<8x1xf32> to vector<8x3072xf32>
    %add3A_466 = arith.addf %add3A_464, %add3A_465 : vector<8x3072xf32>
    %slice3A_467 = vector.extract_strided_slice %dot_general3A_5 {offsets = [264, 0], sizes = [8, 3072], strides = [1, 1]} : vector<1024x3072xf32> to vector<8x3072xf32>
    %mul3A_468 = arith.constant 2.000000e+00 : f32
    %mul3A_469 = vector.broadcast %mul3A_468 : f32 to vector<8x3072xf32>
    %mul3A_470 = arith.mulf %mul3A_469, %slice3A_467 : vector<8x3072xf32>
    %sub3A_471 = arith.subf %add3A_466, %mul3A_470 : vector<8x3072xf32>
    %lt3A_472 = arith.cmpf olt, %sub3A_471, %select_n3A_459 : vector<8x3072xf32>
    %select_n3A_473 = arith.select %lt3A_472, %sub3A_471, %select_n3A_459 : vector<8x3072xi1>, vector<8x3072xf32>
    %jit3A_474 = arith.constant 33 : i32
    %broadcast_in_dim3A_475 = vector.broadcast %jit3A_474 : i32 to vector<8x3072xi32>
    %select_n3A_476 = arith.select %lt3A_472, %broadcast_in_dim3A_475, %select_n3A_462 : vector<8x3072xi1>, vector<8x3072xi32>
    %slice3A_477 = vector.extract_strided_slice %get3A_9 {offsets = [272, 0], sizes = [8, 1], strides = [1, 1]} : vector<1024x1xf32> to vector<8x1xf32>
    %add3A_478 = vector.broadcast %broadcast_in_dim3A : vector<1x3072xf32> to vector<8x3072xf32>
    %add3A_479 = vector.broadcast %slice3A_477 : vector<8x1xf32> to vector<8x3072xf32>
    %add3A_480 = arith.addf %add3A_478, %add3A_479 : vector<8x3072xf32>
    %slice3A_481 = vector.extract_strided_slice %dot_general3A_5 {offsets = [272, 0], sizes = [8, 3072], strides = [1, 1]} : vector<1024x3072xf32> to vector<8x3072xf32>
    %mul3A_482 = arith.constant 2.000000e+00 : f32
    %mul3A_483 = vector.broadcast %mul3A_482 : f32 to vector<8x3072xf32>
    %mul3A_484 = arith.mulf %mul3A_483, %slice3A_481 : vector<8x3072xf32>
    %sub3A_485 = arith.subf %add3A_480, %mul3A_484 : vector<8x3072xf32>
    %lt3A_486 = arith.cmpf olt, %sub3A_485, %select_n3A_473 : vector<8x3072xf32>
    %select_n3A_487 = arith.select %lt3A_486, %sub3A_485, %select_n3A_473 : vector<8x3072xi1>, vector<8x3072xf32>
    %jit3A_488 = arith.constant 34 : i32
    %broadcast_in_dim3A_489 = vector.broadcast %jit3A_488 : i32 to vector<8x3072xi32>
    %select_n3A_490 = arith.select %lt3A_486, %broadcast_in_dim3A_489, %select_n3A_476 : vector<8x3072xi1>, vector<8x3072xi32>
    %slice3A_491 = vector.extract_strided_slice %get3A_9 {offsets = [280, 0], sizes = [8, 1], strides = [1, 1]} : vector<1024x1xf32> to vector<8x1xf32>
    %add3A_492 = vector.broadcast %broadcast_in_dim3A : vector<1x3072xf32> to vector<8x3072xf32>
    %add3A_493 = vector.broadcast %slice3A_491 : vector<8x1xf32> to vector<8x3072xf32>
    %add3A_494 = arith.addf %add3A_492, %add3A_493 : vector<8x3072xf32>
    %slice3A_495 = vector.extract_strided_slice %dot_general3A_5 {offsets = [280, 0], sizes = [8, 3072], strides = [1, 1]} : vector<1024x3072xf32> to vector<8x3072xf32>
    %mul3A_496 = arith.constant 2.000000e+00 : f32
    %mul3A_497 = vector.broadcast %mul3A_496 : f32 to vector<8x3072xf32>
    %mul3A_498 = arith.mulf %mul3A_497, %slice3A_495 : vector<8x3072xf32>
    %sub3A_499 = arith.subf %add3A_494, %mul3A_498 : vector<8x3072xf32>
    %lt3A_500 = arith.cmpf olt, %sub3A_499, %select_n3A_487 : vector<8x3072xf32>
    %select_n3A_501 = arith.select %lt3A_500, %sub3A_499, %select_n3A_487 : vector<8x3072xi1>, vector<8x3072xf32>
    %jit3A_502 = arith.constant 35 : i32
    %broadcast_in_dim3A_503 = vector.broadcast %jit3A_502 : i32 to vector<8x3072xi32>
    %select_n3A_504 = arith.select %lt3A_500, %broadcast_in_dim3A_503, %select_n3A_490 : vector<8x3072xi1>, vector<8x3072xi32>
    %slice3A_505 = vector.extract_strided_slice %get3A_9 {offsets = [288, 0], sizes = [8, 1], strides = [1, 1]} : vector<1024x1xf32> to vector<8x1xf32>
    %add3A_506 = vector.broadcast %broadcast_in_dim3A : vector<1x3072xf32> to vector<8x3072xf32>
    %add3A_507 = vector.broadcast %slice3A_505 : vector<8x1xf32> to vector<8x3072xf32>
    %add3A_508 = arith.addf %add3A_506, %add3A_507 : vector<8x3072xf32>
    %slice3A_509 = vector.extract_strided_slice %dot_general3A_5 {offsets = [288, 0], sizes = [8, 3072], strides = [1, 1]} : vector<1024x3072xf32> to vector<8x3072xf32>
    %mul3A_510 = arith.constant 2.000000e+00 : f32
    %mul3A_511 = vector.broadcast %mul3A_510 : f32 to vector<8x3072xf32>
    %mul3A_512 = arith.mulf %mul3A_511, %slice3A_509 : vector<8x3072xf32>
    %sub3A_513 = arith.subf %add3A_508, %mul3A_512 : vector<8x3072xf32>
    %lt3A_514 = arith.cmpf olt, %sub3A_513, %select_n3A_501 : vector<8x3072xf32>
    %select_n3A_515 = arith.select %lt3A_514, %sub3A_513, %select_n3A_501 : vector<8x3072xi1>, vector<8x3072xf32>
    %jit3A_516 = arith.constant 36 : i32
    %broadcast_in_dim3A_517 = vector.broadcast %jit3A_516 : i32 to vector<8x3072xi32>
    %select_n3A_518 = arith.select %lt3A_514, %broadcast_in_dim3A_517, %select_n3A_504 : vector<8x3072xi1>, vector<8x3072xi32>
    %slice3A_519 = vector.extract_strided_slice %get3A_9 {offsets = [296, 0], sizes = [8, 1], strides = [1, 1]} : vector<1024x1xf32> to vector<8x1xf32>
    %add3A_520 = vector.broadcast %broadcast_in_dim3A : vector<1x3072xf32> to vector<8x3072xf32>
    %add3A_521 = vector.broadcast %slice3A_519 : vector<8x1xf32> to vector<8x3072xf32>
    %add3A_522 = arith.addf %add3A_520, %add3A_521 : vector<8x3072xf32>
    %slice3A_523 = vector.extract_strided_slice %dot_general3A_5 {offsets = [296, 0], sizes = [8, 3072], strides = [1, 1]} : vector<1024x3072xf32> to vector<8x3072xf32>
    %mul3A_524 = arith.constant 2.000000e+00 : f32
    %mul3A_525 = vector.broadcast %mul3A_524 : f32 to vector<8x3072xf32>
    %mul3A_526 = arith.mulf %mul3A_525, %slice3A_523 : vector<8x3072xf32>
    %sub3A_527 = arith.subf %add3A_522, %mul3A_526 : vector<8x3072xf32>
    %lt3A_528 = arith.cmpf olt, %sub3A_527, %select_n3A_515 : vector<8x3072xf32>
    %select_n3A_529 = arith.select %lt3A_528, %sub3A_527, %select_n3A_515 : vector<8x3072xi1>, vector<8x3072xf32>
    %jit3A_530 = arith.constant 37 : i32
    %broadcast_in_dim3A_531 = vector.broadcast %jit3A_530 : i32 to vector<8x3072xi32>
    %select_n3A_532 = arith.select %lt3A_528, %broadcast_in_dim3A_531, %select_n3A_518 : vector<8x3072xi1>, vector<8x3072xi32>
    %slice3A_533 = vector.extract_strided_slice %get3A_9 {offsets = [304, 0], sizes = [8, 1], strides = [1, 1]} : vector<1024x1xf32> to vector<8x1xf32>
    %add3A_534 = vector.broadcast %broadcast_in_dim3A : vector<1x3072xf32> to vector<8x3072xf32>
    %add3A_535 = vector.broadcast %slice3A_533 : vector<8x1xf32> to vector<8x3072xf32>
    %add3A_536 = arith.addf %add3A_534, %add3A_535 : vector<8x3072xf32>
    %slice3A_537 = vector.extract_strided_slice %dot_general3A_5 {offsets = [304, 0], sizes = [8, 3072], strides = [1, 1]} : vector<1024x3072xf32> to vector<8x3072xf32>
    %mul3A_538 = arith.constant 2.000000e+00 : f32
    %mul3A_539 = vector.broadcast %mul3A_538 : f32 to vector<8x3072xf32>
    %mul3A_540 = arith.mulf %mul3A_539, %slice3A_537 : vector<8x3072xf32>
    %sub3A_541 = arith.subf %add3A_536, %mul3A_540 : vector<8x3072xf32>
    %lt3A_542 = arith.cmpf olt, %sub3A_541, %select_n3A_529 : vector<8x3072xf32>
    %select_n3A_543 = arith.select %lt3A_542, %sub3A_541, %select_n3A_529 : vector<8x3072xi1>, vector<8x3072xf32>
    %jit3A_544 = arith.constant 38 : i32
    %broadcast_in_dim3A_545 = vector.broadcast %jit3A_544 : i32 to vector<8x3072xi32>
    %select_n3A_546 = arith.select %lt3A_542, %broadcast_in_dim3A_545, %select_n3A_532 : vector<8x3072xi1>, vector<8x3072xi32>
    %slice3A_547 = vector.extract_strided_slice %get3A_9 {offsets = [312, 0], sizes = [8, 1], strides = [1, 1]} : vector<1024x1xf32> to vector<8x1xf32>
    %add3A_548 = vector.broadcast %broadcast_in_dim3A : vector<1x3072xf32> to vector<8x3072xf32>
    %add3A_549 = vector.broadcast %slice3A_547 : vector<8x1xf32> to vector<8x3072xf32>
    %add3A_550 = arith.addf %add3A_548, %add3A_549 : vector<8x3072xf32>
    %slice3A_551 = vector.extract_strided_slice %dot_general3A_5 {offsets = [312, 0], sizes = [8, 3072], strides = [1, 1]} : vector<1024x3072xf32> to vector<8x3072xf32>
    %mul3A_552 = arith.constant 2.000000e+00 : f32
    %mul3A_553 = vector.broadcast %mul3A_552 : f32 to vector<8x3072xf32>
    %mul3A_554 = arith.mulf %mul3A_553, %slice3A_551 : vector<8x3072xf32>
    %sub3A_555 = arith.subf %add3A_550, %mul3A_554 : vector<8x3072xf32>
    %lt3A_556 = arith.cmpf olt, %sub3A_555, %select_n3A_543 : vector<8x3072xf32>
    %select_n3A_557 = arith.select %lt3A_556, %sub3A_555, %select_n3A_543 : vector<8x3072xi1>, vector<8x3072xf32>
    %jit3A_558 = arith.constant 39 : i32
    %broadcast_in_dim3A_559 = vector.broadcast %jit3A_558 : i32 to vector<8x3072xi32>
    %select_n3A_560 = arith.select %lt3A_556, %broadcast_in_dim3A_559, %select_n3A_546 : vector<8x3072xi1>, vector<8x3072xi32>
    %slice3A_561 = vector.extract_strided_slice %get3A_9 {offsets = [320, 0], sizes = [8, 1], strides = [1, 1]} : vector<1024x1xf32> to vector<8x1xf32>
    %add3A_562 = vector.broadcast %broadcast_in_dim3A : vector<1x3072xf32> to vector<8x3072xf32>
    %add3A_563 = vector.broadcast %slice3A_561 : vector<8x1xf32> to vector<8x3072xf32>
    %add3A_564 = arith.addf %add3A_562, %add3A_563 : vector<8x3072xf32>
    %slice3A_565 = vector.extract_strided_slice %dot_general3A_5 {offsets = [320, 0], sizes = [8, 3072], strides = [1, 1]} : vector<1024x3072xf32> to vector<8x3072xf32>
    %mul3A_566 = arith.constant 2.000000e+00 : f32
    %mul3A_567 = vector.broadcast %mul3A_566 : f32 to vector<8x3072xf32>
    %mul3A_568 = arith.mulf %mul3A_567, %slice3A_565 : vector<8x3072xf32>
    %sub3A_569 = arith.subf %add3A_564, %mul3A_568 : vector<8x3072xf32>
    %lt3A_570 = arith.cmpf olt, %sub3A_569, %select_n3A_557 : vector<8x3072xf32>
    %select_n3A_571 = arith.select %lt3A_570, %sub3A_569, %select_n3A_557 : vector<8x3072xi1>, vector<8x3072xf32>
    %jit3A_572 = arith.constant 40 : i32
    %broadcast_in_dim3A_573 = vector.broadcast %jit3A_572 : i32 to vector<8x3072xi32>
    %select_n3A_574 = arith.select %lt3A_570, %broadcast_in_dim3A_573, %select_n3A_560 : vector<8x3072xi1>, vector<8x3072xi32>
    %slice3A_575 = vector.extract_strided_slice %get3A_9 {offsets = [328, 0], sizes = [8, 1], strides = [1, 1]} : vector<1024x1xf32> to vector<8x1xf32>
    %add3A_576 = vector.broadcast %broadcast_in_dim3A : vector<1x3072xf32> to vector<8x3072xf32>
    %add3A_577 = vector.broadcast %slice3A_575 : vector<8x1xf32> to vector<8x3072xf32>
    %add3A_578 = arith.addf %add3A_576, %add3A_577 : vector<8x3072xf32>
    %slice3A_579 = vector.extract_strided_slice %dot_general3A_5 {offsets = [328, 0], sizes = [8, 3072], strides = [1, 1]} : vector<1024x3072xf32> to vector<8x3072xf32>
    %mul3A_580 = arith.constant 2.000000e+00 : f32
    %mul3A_581 = vector.broadcast %mul3A_580 : f32 to vector<8x3072xf32>
    %mul3A_582 = arith.mulf %mul3A_581, %slice3A_579 : vector<8x3072xf32>
    %sub3A_583 = arith.subf %add3A_578, %mul3A_582 : vector<8x3072xf32>
    %lt3A_584 = arith.cmpf olt, %sub3A_583, %select_n3A_571 : vector<8x3072xf32>
    %select_n3A_585 = arith.select %lt3A_584, %sub3A_583, %select_n3A_571 : vector<8x3072xi1>, vector<8x3072xf32>
    %jit3A_586 = arith.constant 41 : i32
    %broadcast_in_dim3A_587 = vector.broadcast %jit3A_586 : i32 to vector<8x3072xi32>
    %select_n3A_588 = arith.select %lt3A_584, %broadcast_in_dim3A_587, %select_n3A_574 : vector<8x3072xi1>, vector<8x3072xi32>
    %slice3A_589 = vector.extract_strided_slice %get3A_9 {offsets = [336, 0], sizes = [8, 1], strides = [1, 1]} : vector<1024x1xf32> to vector<8x1xf32>
    %add3A_590 = vector.broadcast %broadcast_in_dim3A : vector<1x3072xf32> to vector<8x3072xf32>
    %add3A_591 = vector.broadcast %slice3A_589 : vector<8x1xf32> to vector<8x3072xf32>
    %add3A_592 = arith.addf %add3A_590, %add3A_591 : vector<8x3072xf32>
    %slice3A_593 = vector.extract_strided_slice %dot_general3A_5 {offsets = [336, 0], sizes = [8, 3072], strides = [1, 1]} : vector<1024x3072xf32> to vector<8x3072xf32>
    %mul3A_594 = arith.constant 2.000000e+00 : f32
    %mul3A_595 = vector.broadcast %mul3A_594 : f32 to vector<8x3072xf32>
    %mul3A_596 = arith.mulf %mul3A_595, %slice3A_593 : vector<8x3072xf32>
    %sub3A_597 = arith.subf %add3A_592, %mul3A_596 : vector<8x3072xf32>
    %lt3A_598 = arith.cmpf olt, %sub3A_597, %select_n3A_585 : vector<8x3072xf32>
    %select_n3A_599 = arith.select %lt3A_598, %sub3A_597, %select_n3A_585 : vector<8x3072xi1>, vector<8x3072xf32>
    %jit3A_600 = arith.constant 42 : i32
    %broadcast_in_dim3A_601 = vector.broadcast %jit3A_600 : i32 to vector<8x3072xi32>
    %select_n3A_602 = arith.select %lt3A_598, %broadcast_in_dim3A_601, %select_n3A_588 : vector<8x3072xi1>, vector<8x3072xi32>
    %slice3A_603 = vector.extract_strided_slice %get3A_9 {offsets = [344, 0], sizes = [8, 1], strides = [1, 1]} : vector<1024x1xf32> to vector<8x1xf32>
    %add3A_604 = vector.broadcast %broadcast_in_dim3A : vector<1x3072xf32> to vector<8x3072xf32>
    %add3A_605 = vector.broadcast %slice3A_603 : vector<8x1xf32> to vector<8x3072xf32>
    %add3A_606 = arith.addf %add3A_604, %add3A_605 : vector<8x3072xf32>
    %slice3A_607 = vector.extract_strided_slice %dot_general3A_5 {offsets = [344, 0], sizes = [8, 3072], strides = [1, 1]} : vector<1024x3072xf32> to vector<8x3072xf32>
    %mul3A_608 = arith.constant 2.000000e+00 : f32
    %mul3A_609 = vector.broadcast %mul3A_608 : f32 to vector<8x3072xf32>
    %mul3A_610 = arith.mulf %mul3A_609, %slice3A_607 : vector<8x3072xf32>
    %sub3A_611 = arith.subf %add3A_606, %mul3A_610 : vector<8x3072xf32>
    %lt3A_612 = arith.cmpf olt, %sub3A_611, %select_n3A_599 : vector<8x3072xf32>
    %select_n3A_613 = arith.select %lt3A_612, %sub3A_611, %select_n3A_599 : vector<8x3072xi1>, vector<8x3072xf32>
    %jit3A_614 = arith.constant 43 : i32
    %broadcast_in_dim3A_615 = vector.broadcast %jit3A_614 : i32 to vector<8x3072xi32>
    %select_n3A_616 = arith.select %lt3A_612, %broadcast_in_dim3A_615, %select_n3A_602 : vector<8x3072xi1>, vector<8x3072xi32>
    %slice3A_617 = vector.extract_strided_slice %get3A_9 {offsets = [352, 0], sizes = [8, 1], strides = [1, 1]} : vector<1024x1xf32> to vector<8x1xf32>
    %add3A_618 = vector.broadcast %broadcast_in_dim3A : vector<1x3072xf32> to vector<8x3072xf32>
    %add3A_619 = vector.broadcast %slice3A_617 : vector<8x1xf32> to vector<8x3072xf32>
    %add3A_620 = arith.addf %add3A_618, %add3A_619 : vector<8x3072xf32>
    %slice3A_621 = vector.extract_strided_slice %dot_general3A_5 {offsets = [352, 0], sizes = [8, 3072], strides = [1, 1]} : vector<1024x3072xf32> to vector<8x3072xf32>
    %mul3A_622 = arith.constant 2.000000e+00 : f32
    %mul3A_623 = vector.broadcast %mul3A_622 : f32 to vector<8x3072xf32>
    %mul3A_624 = arith.mulf %mul3A_623, %slice3A_621 : vector<8x3072xf32>
    %sub3A_625 = arith.subf %add3A_620, %mul3A_624 : vector<8x3072xf32>
    %lt3A_626 = arith.cmpf olt, %sub3A_625, %select_n3A_613 : vector<8x3072xf32>
    %select_n3A_627 = arith.select %lt3A_626, %sub3A_625, %select_n3A_613 : vector<8x3072xi1>, vector<8x3072xf32>
    %jit3A_628 = arith.constant 44 : i32
    %broadcast_in_dim3A_629 = vector.broadcast %jit3A_628 : i32 to vector<8x3072xi32>
    %select_n3A_630 = arith.select %lt3A_626, %broadcast_in_dim3A_629, %select_n3A_616 : vector<8x3072xi1>, vector<8x3072xi32>
    %slice3A_631 = vector.extract_strided_slice %get3A_9 {offsets = [360, 0], sizes = [8, 1], strides = [1, 1]} : vector<1024x1xf32> to vector<8x1xf32>
    %add3A_632 = vector.broadcast %broadcast_in_dim3A : vector<1x3072xf32> to vector<8x3072xf32>
    %add3A_633 = vector.broadcast %slice3A_631 : vector<8x1xf32> to vector<8x3072xf32>
    %add3A_634 = arith.addf %add3A_632, %add3A_633 : vector<8x3072xf32>
    %slice3A_635 = vector.extract_strided_slice %dot_general3A_5 {offsets = [360, 0], sizes = [8, 3072], strides = [1, 1]} : vector<1024x3072xf32> to vector<8x3072xf32>
    %mul3A_636 = arith.constant 2.000000e+00 : f32
    %mul3A_637 = vector.broadcast %mul3A_636 : f32 to vector<8x3072xf32>
    %mul3A_638 = arith.mulf %mul3A_637, %slice3A_635 : vector<8x3072xf32>
    %sub3A_639 = arith.subf %add3A_634, %mul3A_638 : vector<8x3072xf32>
    %lt3A_640 = arith.cmpf olt, %sub3A_639, %select_n3A_627 : vector<8x3072xf32>
    %select_n3A_641 = arith.select %lt3A_640, %sub3A_639, %select_n3A_627 : vector<8x3072xi1>, vector<8x3072xf32>
    %jit3A_642 = arith.constant 45 : i32
    %broadcast_in_dim3A_643 = vector.broadcast %jit3A_642 : i32 to vector<8x3072xi32>
    %select_n3A_644 = arith.select %lt3A_640, %broadcast_in_dim3A_643, %select_n3A_630 : vector<8x3072xi1>, vector<8x3072xi32>
    %slice3A_645 = vector.extract_strided_slice %get3A_9 {offsets = [368, 0], sizes = [8, 1], strides = [1, 1]} : vector<1024x1xf32> to vector<8x1xf32>
    %add3A_646 = vector.broadcast %broadcast_in_dim3A : vector<1x3072xf32> to vector<8x3072xf32>
    %add3A_647 = vector.broadcast %slice3A_645 : vector<8x1xf32> to vector<8x3072xf32>
    %add3A_648 = arith.addf %add3A_646, %add3A_647 : vector<8x3072xf32>
    %slice3A_649 = vector.extract_strided_slice %dot_general3A_5 {offsets = [368, 0], sizes = [8, 3072], strides = [1, 1]} : vector<1024x3072xf32> to vector<8x3072xf32>
    %mul3A_650 = arith.constant 2.000000e+00 : f32
    %mul3A_651 = vector.broadcast %mul3A_650 : f32 to vector<8x3072xf32>
    %mul3A_652 = arith.mulf %mul3A_651, %slice3A_649 : vector<8x3072xf32>
    %sub3A_653 = arith.subf %add3A_648, %mul3A_652 : vector<8x3072xf32>
    %lt3A_654 = arith.cmpf olt, %sub3A_653, %select_n3A_641 : vector<8x3072xf32>
    %select_n3A_655 = arith.select %lt3A_654, %sub3A_653, %select_n3A_641 : vector<8x3072xi1>, vector<8x3072xf32>
    %jit3A_656 = arith.constant 46 : i32
    %broadcast_in_dim3A_657 = vector.broadcast %jit3A_656 : i32 to vector<8x3072xi32>
    %select_n3A_658 = arith.select %lt3A_654, %broadcast_in_dim3A_657, %select_n3A_644 : vector<8x3072xi1>, vector<8x3072xi32>
    %slice3A_659 = vector.extract_strided_slice %get3A_9 {offsets = [376, 0], sizes = [8, 1], strides = [1, 1]} : vector<1024x1xf32> to vector<8x1xf32>
    %add3A_660 = vector.broadcast %broadcast_in_dim3A : vector<1x3072xf32> to vector<8x3072xf32>
    %add3A_661 = vector.broadcast %slice3A_659 : vector<8x1xf32> to vector<8x3072xf32>
    %add3A_662 = arith.addf %add3A_660, %add3A_661 : vector<8x3072xf32>
    %slice3A_663 = vector.extract_strided_slice %dot_general3A_5 {offsets = [376, 0], sizes = [8, 3072], strides = [1, 1]} : vector<1024x3072xf32> to vector<8x3072xf32>
    %mul3A_664 = arith.constant 2.000000e+00 : f32
    %mul3A_665 = vector.broadcast %mul3A_664 : f32 to vector<8x3072xf32>
    %mul3A_666 = arith.mulf %mul3A_665, %slice3A_663 : vector<8x3072xf32>
    %sub3A_667 = arith.subf %add3A_662, %mul3A_666 : vector<8x3072xf32>
    %lt3A_668 = arith.cmpf olt, %sub3A_667, %select_n3A_655 : vector<8x3072xf32>
    %select_n3A_669 = arith.select %lt3A_668, %sub3A_667, %select_n3A_655 : vector<8x3072xi1>, vector<8x3072xf32>
    %jit3A_670 = arith.constant 47 : i32
    %broadcast_in_dim3A_671 = vector.broadcast %jit3A_670 : i32 to vector<8x3072xi32>
    %select_n3A_672 = arith.select %lt3A_668, %broadcast_in_dim3A_671, %select_n3A_658 : vector<8x3072xi1>, vector<8x3072xi32>
    %slice3A_673 = vector.extract_strided_slice %get3A_9 {offsets = [384, 0], sizes = [8, 1], strides = [1, 1]} : vector<1024x1xf32> to vector<8x1xf32>
    %add3A_674 = vector.broadcast %broadcast_in_dim3A : vector<1x3072xf32> to vector<8x3072xf32>
    %add3A_675 = vector.broadcast %slice3A_673 : vector<8x1xf32> to vector<8x3072xf32>
    %add3A_676 = arith.addf %add3A_674, %add3A_675 : vector<8x3072xf32>
    %slice3A_677 = vector.extract_strided_slice %dot_general3A_5 {offsets = [384, 0], sizes = [8, 3072], strides = [1, 1]} : vector<1024x3072xf32> to vector<8x3072xf32>
    %mul3A_678 = arith.constant 2.000000e+00 : f32
    %mul3A_679 = vector.broadcast %mul3A_678 : f32 to vector<8x3072xf32>
    %mul3A_680 = arith.mulf %mul3A_679, %slice3A_677 : vector<8x3072xf32>
    %sub3A_681 = arith.subf %add3A_676, %mul3A_680 : vector<8x3072xf32>
    %lt3A_682 = arith.cmpf olt, %sub3A_681, %select_n3A_669 : vector<8x3072xf32>
    %select_n3A_683 = arith.select %lt3A_682, %sub3A_681, %select_n3A_669 : vector<8x3072xi1>, vector<8x3072xf32>
    %jit3A_684 = arith.constant 48 : i32
    %broadcast_in_dim3A_685 = vector.broadcast %jit3A_684 : i32 to vector<8x3072xi32>
    %select_n3A_686 = arith.select %lt3A_682, %broadcast_in_dim3A_685, %select_n3A_672 : vector<8x3072xi1>, vector<8x3072xi32>
    %slice3A_687 = vector.extract_strided_slice %get3A_9 {offsets = [392, 0], sizes = [8, 1], strides = [1, 1]} : vector<1024x1xf32> to vector<8x1xf32>
    %add3A_688 = vector.broadcast %broadcast_in_dim3A : vector<1x3072xf32> to vector<8x3072xf32>
    %add3A_689 = vector.broadcast %slice3A_687 : vector<8x1xf32> to vector<8x3072xf32>
    %add3A_690 = arith.addf %add3A_688, %add3A_689 : vector<8x3072xf32>
    %slice3A_691 = vector.extract_strided_slice %dot_general3A_5 {offsets = [392, 0], sizes = [8, 3072], strides = [1, 1]} : vector<1024x3072xf32> to vector<8x3072xf32>
    %mul3A_692 = arith.constant 2.000000e+00 : f32
    %mul3A_693 = vector.broadcast %mul3A_692 : f32 to vector<8x3072xf32>
    %mul3A_694 = arith.mulf %mul3A_693, %slice3A_691 : vector<8x3072xf32>
    %sub3A_695 = arith.subf %add3A_690, %mul3A_694 : vector<8x3072xf32>
    %lt3A_696 = arith.cmpf olt, %sub3A_695, %select_n3A_683 : vector<8x3072xf32>
    %select_n3A_697 = arith.select %lt3A_696, %sub3A_695, %select_n3A_683 : vector<8x3072xi1>, vector<8x3072xf32>
    %jit3A_698 = arith.constant 49 : i32
    %broadcast_in_dim3A_699 = vector.broadcast %jit3A_698 : i32 to vector<8x3072xi32>
    %select_n3A_700 = arith.select %lt3A_696, %broadcast_in_dim3A_699, %select_n3A_686 : vector<8x3072xi1>, vector<8x3072xi32>
    %slice3A_701 = vector.extract_strided_slice %get3A_9 {offsets = [400, 0], sizes = [8, 1], strides = [1, 1]} : vector<1024x1xf32> to vector<8x1xf32>
    %add3A_702 = vector.broadcast %broadcast_in_dim3A : vector<1x3072xf32> to vector<8x3072xf32>
    %add3A_703 = vector.broadcast %slice3A_701 : vector<8x1xf32> to vector<8x3072xf32>
    %add3A_704 = arith.addf %add3A_702, %add3A_703 : vector<8x3072xf32>
    %slice3A_705 = vector.extract_strided_slice %dot_general3A_5 {offsets = [400, 0], sizes = [8, 3072], strides = [1, 1]} : vector<1024x3072xf32> to vector<8x3072xf32>
    %mul3A_706 = arith.constant 2.000000e+00 : f32
    %mul3A_707 = vector.broadcast %mul3A_706 : f32 to vector<8x3072xf32>
    %mul3A_708 = arith.mulf %mul3A_707, %slice3A_705 : vector<8x3072xf32>
    %sub3A_709 = arith.subf %add3A_704, %mul3A_708 : vector<8x3072xf32>
    %lt3A_710 = arith.cmpf olt, %sub3A_709, %select_n3A_697 : vector<8x3072xf32>
    %select_n3A_711 = arith.select %lt3A_710, %sub3A_709, %select_n3A_697 : vector<8x3072xi1>, vector<8x3072xf32>
    %jit3A_712 = arith.constant 50 : i32
    %broadcast_in_dim3A_713 = vector.broadcast %jit3A_712 : i32 to vector<8x3072xi32>
    %select_n3A_714 = arith.select %lt3A_710, %broadcast_in_dim3A_713, %select_n3A_700 : vector<8x3072xi1>, vector<8x3072xi32>
    %slice3A_715 = vector.extract_strided_slice %get3A_9 {offsets = [408, 0], sizes = [8, 1], strides = [1, 1]} : vector<1024x1xf32> to vector<8x1xf32>
    %add3A_716 = vector.broadcast %broadcast_in_dim3A : vector<1x3072xf32> to vector<8x3072xf32>
    %add3A_717 = vector.broadcast %slice3A_715 : vector<8x1xf32> to vector<8x3072xf32>
    %add3A_718 = arith.addf %add3A_716, %add3A_717 : vector<8x3072xf32>
    %slice3A_719 = vector.extract_strided_slice %dot_general3A_5 {offsets = [408, 0], sizes = [8, 3072], strides = [1, 1]} : vector<1024x3072xf32> to vector<8x3072xf32>
    %mul3A_720 = arith.constant 2.000000e+00 : f32
    %mul3A_721 = vector.broadcast %mul3A_720 : f32 to vector<8x3072xf32>
    %mul3A_722 = arith.mulf %mul3A_721, %slice3A_719 : vector<8x3072xf32>
    %sub3A_723 = arith.subf %add3A_718, %mul3A_722 : vector<8x3072xf32>
    %lt3A_724 = arith.cmpf olt, %sub3A_723, %select_n3A_711 : vector<8x3072xf32>
    %select_n3A_725 = arith.select %lt3A_724, %sub3A_723, %select_n3A_711 : vector<8x3072xi1>, vector<8x3072xf32>
    %jit3A_726 = arith.constant 51 : i32
    %broadcast_in_dim3A_727 = vector.broadcast %jit3A_726 : i32 to vector<8x3072xi32>
    %select_n3A_728 = arith.select %lt3A_724, %broadcast_in_dim3A_727, %select_n3A_714 : vector<8x3072xi1>, vector<8x3072xi32>
    %slice3A_729 = vector.extract_strided_slice %get3A_9 {offsets = [416, 0], sizes = [8, 1], strides = [1, 1]} : vector<1024x1xf32> to vector<8x1xf32>
    %add3A_730 = vector.broadcast %broadcast_in_dim3A : vector<1x3072xf32> to vector<8x3072xf32>
    %add3A_731 = vector.broadcast %slice3A_729 : vector<8x1xf32> to vector<8x3072xf32>
    %add3A_732 = arith.addf %add3A_730, %add3A_731 : vector<8x3072xf32>
    %slice3A_733 = vector.extract_strided_slice %dot_general3A_5 {offsets = [416, 0], sizes = [8, 3072], strides = [1, 1]} : vector<1024x3072xf32> to vector<8x3072xf32>
    %mul3A_734 = arith.constant 2.000000e+00 : f32
    %mul3A_735 = vector.broadcast %mul3A_734 : f32 to vector<8x3072xf32>
    %mul3A_736 = arith.mulf %mul3A_735, %slice3A_733 : vector<8x3072xf32>
    %sub3A_737 = arith.subf %add3A_732, %mul3A_736 : vector<8x3072xf32>
    %lt3A_738 = arith.cmpf olt, %sub3A_737, %select_n3A_725 : vector<8x3072xf32>
    %select_n3A_739 = arith.select %lt3A_738, %sub3A_737, %select_n3A_725 : vector<8x3072xi1>, vector<8x3072xf32>
    %jit3A_740 = arith.constant 52 : i32
    %broadcast_in_dim3A_741 = vector.broadcast %jit3A_740 : i32 to vector<8x3072xi32>
    %select_n3A_742 = arith.select %lt3A_738, %broadcast_in_dim3A_741, %select_n3A_728 : vector<8x3072xi1>, vector<8x3072xi32>
    %slice3A_743 = vector.extract_strided_slice %get3A_9 {offsets = [424, 0], sizes = [8, 1], strides = [1, 1]} : vector<1024x1xf32> to vector<8x1xf32>
    %add3A_744 = vector.broadcast %broadcast_in_dim3A : vector<1x3072xf32> to vector<8x3072xf32>
    %add3A_745 = vector.broadcast %slice3A_743 : vector<8x1xf32> to vector<8x3072xf32>
    %add3A_746 = arith.addf %add3A_744, %add3A_745 : vector<8x3072xf32>
    %slice3A_747 = vector.extract_strided_slice %dot_general3A_5 {offsets = [424, 0], sizes = [8, 3072], strides = [1, 1]} : vector<1024x3072xf32> to vector<8x3072xf32>
    %mul3A_748 = arith.constant 2.000000e+00 : f32
    %mul3A_749 = vector.broadcast %mul3A_748 : f32 to vector<8x3072xf32>
    %mul3A_750 = arith.mulf %mul3A_749, %slice3A_747 : vector<8x3072xf32>
    %sub3A_751 = arith.subf %add3A_746, %mul3A_750 : vector<8x3072xf32>
    %lt3A_752 = arith.cmpf olt, %sub3A_751, %select_n3A_739 : vector<8x3072xf32>
    %select_n3A_753 = arith.select %lt3A_752, %sub3A_751, %select_n3A_739 : vector<8x3072xi1>, vector<8x3072xf32>
    %jit3A_754 = arith.constant 53 : i32
    %broadcast_in_dim3A_755 = vector.broadcast %jit3A_754 : i32 to vector<8x3072xi32>
    %select_n3A_756 = arith.select %lt3A_752, %broadcast_in_dim3A_755, %select_n3A_742 : vector<8x3072xi1>, vector<8x3072xi32>
    %slice3A_757 = vector.extract_strided_slice %get3A_9 {offsets = [432, 0], sizes = [8, 1], strides = [1, 1]} : vector<1024x1xf32> to vector<8x1xf32>
    %add3A_758 = vector.broadcast %broadcast_in_dim3A : vector<1x3072xf32> to vector<8x3072xf32>
    %add3A_759 = vector.broadcast %slice3A_757 : vector<8x1xf32> to vector<8x3072xf32>
    %add3A_760 = arith.addf %add3A_758, %add3A_759 : vector<8x3072xf32>
    %slice3A_761 = vector.extract_strided_slice %dot_general3A_5 {offsets = [432, 0], sizes = [8, 3072], strides = [1, 1]} : vector<1024x3072xf32> to vector<8x3072xf32>
    %mul3A_762 = arith.constant 2.000000e+00 : f32
    %mul3A_763 = vector.broadcast %mul3A_762 : f32 to vector<8x3072xf32>
    %mul3A_764 = arith.mulf %mul3A_763, %slice3A_761 : vector<8x3072xf32>
    %sub3A_765 = arith.subf %add3A_760, %mul3A_764 : vector<8x3072xf32>
    %lt3A_766 = arith.cmpf olt, %sub3A_765, %select_n3A_753 : vector<8x3072xf32>
    %select_n3A_767 = arith.select %lt3A_766, %sub3A_765, %select_n3A_753 : vector<8x3072xi1>, vector<8x3072xf32>
    %jit3A_768 = arith.constant 54 : i32
    %broadcast_in_dim3A_769 = vector.broadcast %jit3A_768 : i32 to vector<8x3072xi32>
    %select_n3A_770 = arith.select %lt3A_766, %broadcast_in_dim3A_769, %select_n3A_756 : vector<8x3072xi1>, vector<8x3072xi32>
    %slice3A_771 = vector.extract_strided_slice %get3A_9 {offsets = [440, 0], sizes = [8, 1], strides = [1, 1]} : vector<1024x1xf32> to vector<8x1xf32>
    %add3A_772 = vector.broadcast %broadcast_in_dim3A : vector<1x3072xf32> to vector<8x3072xf32>
    %add3A_773 = vector.broadcast %slice3A_771 : vector<8x1xf32> to vector<8x3072xf32>
    %add3A_774 = arith.addf %add3A_772, %add3A_773 : vector<8x3072xf32>
    %slice3A_775 = vector.extract_strided_slice %dot_general3A_5 {offsets = [440, 0], sizes = [8, 3072], strides = [1, 1]} : vector<1024x3072xf32> to vector<8x3072xf32>
    %mul3A_776 = arith.constant 2.000000e+00 : f32
    %mul3A_777 = vector.broadcast %mul3A_776 : f32 to vector<8x3072xf32>
    %mul3A_778 = arith.mulf %mul3A_777, %slice3A_775 : vector<8x3072xf32>
    %sub3A_779 = arith.subf %add3A_774, %mul3A_778 : vector<8x3072xf32>
    %lt3A_780 = arith.cmpf olt, %sub3A_779, %select_n3A_767 : vector<8x3072xf32>
    %select_n3A_781 = arith.select %lt3A_780, %sub3A_779, %select_n3A_767 : vector<8x3072xi1>, vector<8x3072xf32>
    %jit3A_782 = arith.constant 55 : i32
    %broadcast_in_dim3A_783 = vector.broadcast %jit3A_782 : i32 to vector<8x3072xi32>
    %select_n3A_784 = arith.select %lt3A_780, %broadcast_in_dim3A_783, %select_n3A_770 : vector<8x3072xi1>, vector<8x3072xi32>
    %slice3A_785 = vector.extract_strided_slice %get3A_9 {offsets = [448, 0], sizes = [8, 1], strides = [1, 1]} : vector<1024x1xf32> to vector<8x1xf32>
    %add3A_786 = vector.broadcast %broadcast_in_dim3A : vector<1x3072xf32> to vector<8x3072xf32>
    %add3A_787 = vector.broadcast %slice3A_785 : vector<8x1xf32> to vector<8x3072xf32>
    %add3A_788 = arith.addf %add3A_786, %add3A_787 : vector<8x3072xf32>
    %slice3A_789 = vector.extract_strided_slice %dot_general3A_5 {offsets = [448, 0], sizes = [8, 3072], strides = [1, 1]} : vector<1024x3072xf32> to vector<8x3072xf32>
    %mul3A_790 = arith.constant 2.000000e+00 : f32
    %mul3A_791 = vector.broadcast %mul3A_790 : f32 to vector<8x3072xf32>
    %mul3A_792 = arith.mulf %mul3A_791, %slice3A_789 : vector<8x3072xf32>
    %sub3A_793 = arith.subf %add3A_788, %mul3A_792 : vector<8x3072xf32>
    %lt3A_794 = arith.cmpf olt, %sub3A_793, %select_n3A_781 : vector<8x3072xf32>
    %select_n3A_795 = arith.select %lt3A_794, %sub3A_793, %select_n3A_781 : vector<8x3072xi1>, vector<8x3072xf32>
    %jit3A_796 = arith.constant 56 : i32
    %broadcast_in_dim3A_797 = vector.broadcast %jit3A_796 : i32 to vector<8x3072xi32>
    %select_n3A_798 = arith.select %lt3A_794, %broadcast_in_dim3A_797, %select_n3A_784 : vector<8x3072xi1>, vector<8x3072xi32>
    %slice3A_799 = vector.extract_strided_slice %get3A_9 {offsets = [456, 0], sizes = [8, 1], strides = [1, 1]} : vector<1024x1xf32> to vector<8x1xf32>
    %add3A_800 = vector.broadcast %broadcast_in_dim3A : vector<1x3072xf32> to vector<8x3072xf32>
    %add3A_801 = vector.broadcast %slice3A_799 : vector<8x1xf32> to vector<8x3072xf32>
    %add3A_802 = arith.addf %add3A_800, %add3A_801 : vector<8x3072xf32>
    %slice3A_803 = vector.extract_strided_slice %dot_general3A_5 {offsets = [456, 0], sizes = [8, 3072], strides = [1, 1]} : vector<1024x3072xf32> to vector<8x3072xf32>
    %mul3A_804 = arith.constant 2.000000e+00 : f32
    %mul3A_805 = vector.broadcast %mul3A_804 : f32 to vector<8x3072xf32>
    %mul3A_806 = arith.mulf %mul3A_805, %slice3A_803 : vector<8x3072xf32>
    %sub3A_807 = arith.subf %add3A_802, %mul3A_806 : vector<8x3072xf32>
    %lt3A_808 = arith.cmpf olt, %sub3A_807, %select_n3A_795 : vector<8x3072xf32>
    %select_n3A_809 = arith.select %lt3A_808, %sub3A_807, %select_n3A_795 : vector<8x3072xi1>, vector<8x3072xf32>
    %jit3A_810 = arith.constant 57 : i32
    %broadcast_in_dim3A_811 = vector.broadcast %jit3A_810 : i32 to vector<8x3072xi32>
    %select_n3A_812 = arith.select %lt3A_808, %broadcast_in_dim3A_811, %select_n3A_798 : vector<8x3072xi1>, vector<8x3072xi32>
    %slice3A_813 = vector.extract_strided_slice %get3A_9 {offsets = [464, 0], sizes = [8, 1], strides = [1, 1]} : vector<1024x1xf32> to vector<8x1xf32>
    %add3A_814 = vector.broadcast %broadcast_in_dim3A : vector<1x3072xf32> to vector<8x3072xf32>
    %add3A_815 = vector.broadcast %slice3A_813 : vector<8x1xf32> to vector<8x3072xf32>
    %add3A_816 = arith.addf %add3A_814, %add3A_815 : vector<8x3072xf32>
    %slice3A_817 = vector.extract_strided_slice %dot_general3A_5 {offsets = [464, 0], sizes = [8, 3072], strides = [1, 1]} : vector<1024x3072xf32> to vector<8x3072xf32>
    %mul3A_818 = arith.constant 2.000000e+00 : f32
    %mul3A_819 = vector.broadcast %mul3A_818 : f32 to vector<8x3072xf32>
    %mul3A_820 = arith.mulf %mul3A_819, %slice3A_817 : vector<8x3072xf32>
    %sub3A_821 = arith.subf %add3A_816, %mul3A_820 : vector<8x3072xf32>
    %lt3A_822 = arith.cmpf olt, %sub3A_821, %select_n3A_809 : vector<8x3072xf32>
    %select_n3A_823 = arith.select %lt3A_822, %sub3A_821, %select_n3A_809 : vector<8x3072xi1>, vector<8x3072xf32>
    %jit3A_824 = arith.constant 58 : i32
    %broadcast_in_dim3A_825 = vector.broadcast %jit3A_824 : i32 to vector<8x3072xi32>
    %select_n3A_826 = arith.select %lt3A_822, %broadcast_in_dim3A_825, %select_n3A_812 : vector<8x3072xi1>, vector<8x3072xi32>
    %slice3A_827 = vector.extract_strided_slice %get3A_9 {offsets = [472, 0], sizes = [8, 1], strides = [1, 1]} : vector<1024x1xf32> to vector<8x1xf32>
    %add3A_828 = vector.broadcast %broadcast_in_dim3A : vector<1x3072xf32> to vector<8x3072xf32>
    %add3A_829 = vector.broadcast %slice3A_827 : vector<8x1xf32> to vector<8x3072xf32>
    %add3A_830 = arith.addf %add3A_828, %add3A_829 : vector<8x3072xf32>
    %slice3A_831 = vector.extract_strided_slice %dot_general3A_5 {offsets = [472, 0], sizes = [8, 3072], strides = [1, 1]} : vector<1024x3072xf32> to vector<8x3072xf32>
    %mul3A_832 = arith.constant 2.000000e+00 : f32
    %mul3A_833 = vector.broadcast %mul3A_832 : f32 to vector<8x3072xf32>
    %mul3A_834 = arith.mulf %mul3A_833, %slice3A_831 : vector<8x3072xf32>
    %sub3A_835 = arith.subf %add3A_830, %mul3A_834 : vector<8x3072xf32>
    %lt3A_836 = arith.cmpf olt, %sub3A_835, %select_n3A_823 : vector<8x3072xf32>
    %select_n3A_837 = arith.select %lt3A_836, %sub3A_835, %select_n3A_823 : vector<8x3072xi1>, vector<8x3072xf32>
    %jit3A_838 = arith.constant 59 : i32
    %broadcast_in_dim3A_839 = vector.broadcast %jit3A_838 : i32 to vector<8x3072xi32>
    %select_n3A_840 = arith.select %lt3A_836, %broadcast_in_dim3A_839, %select_n3A_826 : vector<8x3072xi1>, vector<8x3072xi32>
    %slice3A_841 = vector.extract_strided_slice %get3A_9 {offsets = [480, 0], sizes = [8, 1], strides = [1, 1]} : vector<1024x1xf32> to vector<8x1xf32>
    %add3A_842 = vector.broadcast %broadcast_in_dim3A : vector<1x3072xf32> to vector<8x3072xf32>
    %add3A_843 = vector.broadcast %slice3A_841 : vector<8x1xf32> to vector<8x3072xf32>
    %add3A_844 = arith.addf %add3A_842, %add3A_843 : vector<8x3072xf32>
    %slice3A_845 = vector.extract_strided_slice %dot_general3A_5 {offsets = [480, 0], sizes = [8, 3072], strides = [1, 1]} : vector<1024x3072xf32> to vector<8x3072xf32>
    %mul3A_846 = arith.constant 2.000000e+00 : f32
    %mul3A_847 = vector.broadcast %mul3A_846 : f32 to vector<8x3072xf32>
    %mul3A_848 = arith.mulf %mul3A_847, %slice3A_845 : vector<8x3072xf32>
    %sub3A_849 = arith.subf %add3A_844, %mul3A_848 : vector<8x3072xf32>
    %lt3A_850 = arith.cmpf olt, %sub3A_849, %select_n3A_837 : vector<8x3072xf32>
    %select_n3A_851 = arith.select %lt3A_850, %sub3A_849, %select_n3A_837 : vector<8x3072xi1>, vector<8x3072xf32>
    %jit3A_852 = arith.constant 60 : i32
    %broadcast_in_dim3A_853 = vector.broadcast %jit3A_852 : i32 to vector<8x3072xi32>
    %select_n3A_854 = arith.select %lt3A_850, %broadcast_in_dim3A_853, %select_n3A_840 : vector<8x3072xi1>, vector<8x3072xi32>
    %slice3A_855 = vector.extract_strided_slice %get3A_9 {offsets = [488, 0], sizes = [8, 1], strides = [1, 1]} : vector<1024x1xf32> to vector<8x1xf32>
    %add3A_856 = vector.broadcast %broadcast_in_dim3A : vector<1x3072xf32> to vector<8x3072xf32>
    %add3A_857 = vector.broadcast %slice3A_855 : vector<8x1xf32> to vector<8x3072xf32>
    %add3A_858 = arith.addf %add3A_856, %add3A_857 : vector<8x3072xf32>
    %slice3A_859 = vector.extract_strided_slice %dot_general3A_5 {offsets = [488, 0], sizes = [8, 3072], strides = [1, 1]} : vector<1024x3072xf32> to vector<8x3072xf32>
    %mul3A_860 = arith.constant 2.000000e+00 : f32
    %mul3A_861 = vector.broadcast %mul3A_860 : f32 to vector<8x3072xf32>
    %mul3A_862 = arith.mulf %mul3A_861, %slice3A_859 : vector<8x3072xf32>
    %sub3A_863 = arith.subf %add3A_858, %mul3A_862 : vector<8x3072xf32>
    %lt3A_864 = arith.cmpf olt, %sub3A_863, %select_n3A_851 : vector<8x3072xf32>
    %select_n3A_865 = arith.select %lt3A_864, %sub3A_863, %select_n3A_851 : vector<8x3072xi1>, vector<8x3072xf32>
    %jit3A_866 = arith.constant 61 : i32
    %broadcast_in_dim3A_867 = vector.broadcast %jit3A_866 : i32 to vector<8x3072xi32>
    %select_n3A_868 = arith.select %lt3A_864, %broadcast_in_dim3A_867, %select_n3A_854 : vector<8x3072xi1>, vector<8x3072xi32>
    %slice3A_869 = vector.extract_strided_slice %get3A_9 {offsets = [496, 0], sizes = [8, 1], strides = [1, 1]} : vector<1024x1xf32> to vector<8x1xf32>
    %add3A_870 = vector.broadcast %broadcast_in_dim3A : vector<1x3072xf32> to vector<8x3072xf32>
    %add3A_871 = vector.broadcast %slice3A_869 : vector<8x1xf32> to vector<8x3072xf32>
    %add3A_872 = arith.addf %add3A_870, %add3A_871 : vector<8x3072xf32>
    %slice3A_873 = vector.extract_strided_slice %dot_general3A_5 {offsets = [496, 0], sizes = [8, 3072], strides = [1, 1]} : vector<1024x3072xf32> to vector<8x3072xf32>
    %mul3A_874 = arith.constant 2.000000e+00 : f32
    %mul3A_875 = vector.broadcast %mul3A_874 : f32 to vector<8x3072xf32>
    %mul3A_876 = arith.mulf %mul3A_875, %slice3A_873 : vector<8x3072xf32>
    %sub3A_877 = arith.subf %add3A_872, %mul3A_876 : vector<8x3072xf32>
    %lt3A_878 = arith.cmpf olt, %sub3A_877, %select_n3A_865 : vector<8x3072xf32>
    %select_n3A_879 = arith.select %lt3A_878, %sub3A_877, %select_n3A_865 : vector<8x3072xi1>, vector<8x3072xf32>
    %jit3A_880 = arith.constant 62 : i32
    %broadcast_in_dim3A_881 = vector.broadcast %jit3A_880 : i32 to vector<8x3072xi32>
    %select_n3A_882 = arith.select %lt3A_878, %broadcast_in_dim3A_881, %select_n3A_868 : vector<8x3072xi1>, vector<8x3072xi32>
    %slice3A_883 = vector.extract_strided_slice %get3A_9 {offsets = [504, 0], sizes = [8, 1], strides = [1, 1]} : vector<1024x1xf32> to vector<8x1xf32>
    %add3A_884 = vector.broadcast %broadcast_in_dim3A : vector<1x3072xf32> to vector<8x3072xf32>
    %add3A_885 = vector.broadcast %slice3A_883 : vector<8x1xf32> to vector<8x3072xf32>
    %add3A_886 = arith.addf %add3A_884, %add3A_885 : vector<8x3072xf32>
    %slice3A_887 = vector.extract_strided_slice %dot_general3A_5 {offsets = [504, 0], sizes = [8, 3072], strides = [1, 1]} : vector<1024x3072xf32> to vector<8x3072xf32>
    %mul3A_888 = arith.constant 2.000000e+00 : f32
    %mul3A_889 = vector.broadcast %mul3A_888 : f32 to vector<8x3072xf32>
    %mul3A_890 = arith.mulf %mul3A_889, %slice3A_887 : vector<8x3072xf32>
    %sub3A_891 = arith.subf %add3A_886, %mul3A_890 : vector<8x3072xf32>
    %lt3A_892 = arith.cmpf olt, %sub3A_891, %select_n3A_879 : vector<8x3072xf32>
    %select_n3A_893 = arith.select %lt3A_892, %sub3A_891, %select_n3A_879 : vector<8x3072xi1>, vector<8x3072xf32>
    %jit3A_894 = arith.constant 63 : i32
    %broadcast_in_dim3A_895 = vector.broadcast %jit3A_894 : i32 to vector<8x3072xi32>
    %select_n3A_896 = arith.select %lt3A_892, %broadcast_in_dim3A_895, %select_n3A_882 : vector<8x3072xi1>, vector<8x3072xi32>
    %slice3A_897 = vector.extract_strided_slice %get3A_9 {offsets = [512, 0], sizes = [8, 1], strides = [1, 1]} : vector<1024x1xf32> to vector<8x1xf32>
    %add3A_898 = vector.broadcast %broadcast_in_dim3A : vector<1x3072xf32> to vector<8x3072xf32>
    %add3A_899 = vector.broadcast %slice3A_897 : vector<8x1xf32> to vector<8x3072xf32>
    %add3A_900 = arith.addf %add3A_898, %add3A_899 : vector<8x3072xf32>
    %slice3A_901 = vector.extract_strided_slice %dot_general3A_5 {offsets = [512, 0], sizes = [8, 3072], strides = [1, 1]} : vector<1024x3072xf32> to vector<8x3072xf32>
    %mul3A_902 = arith.constant 2.000000e+00 : f32
    %mul3A_903 = vector.broadcast %mul3A_902 : f32 to vector<8x3072xf32>
    %mul3A_904 = arith.mulf %mul3A_903, %slice3A_901 : vector<8x3072xf32>
    %sub3A_905 = arith.subf %add3A_900, %mul3A_904 : vector<8x3072xf32>
    %lt3A_906 = arith.cmpf olt, %sub3A_905, %select_n3A_893 : vector<8x3072xf32>
    %select_n3A_907 = arith.select %lt3A_906, %sub3A_905, %select_n3A_893 : vector<8x3072xi1>, vector<8x3072xf32>
    %jit3A_908 = arith.constant 64 : i32
    %broadcast_in_dim3A_909 = vector.broadcast %jit3A_908 : i32 to vector<8x3072xi32>
    %select_n3A_910 = arith.select %lt3A_906, %broadcast_in_dim3A_909, %select_n3A_896 : vector<8x3072xi1>, vector<8x3072xi32>
    %slice3A_911 = vector.extract_strided_slice %get3A_9 {offsets = [520, 0], sizes = [8, 1], strides = [1, 1]} : vector<1024x1xf32> to vector<8x1xf32>
    %add3A_912 = vector.broadcast %broadcast_in_dim3A : vector<1x3072xf32> to vector<8x3072xf32>
    %add3A_913 = vector.broadcast %slice3A_911 : vector<8x1xf32> to vector<8x3072xf32>
    %add3A_914 = arith.addf %add3A_912, %add3A_913 : vector<8x3072xf32>
    %slice3A_915 = vector.extract_strided_slice %dot_general3A_5 {offsets = [520, 0], sizes = [8, 3072], strides = [1, 1]} : vector<1024x3072xf32> to vector<8x3072xf32>
    %mul3A_916 = arith.constant 2.000000e+00 : f32
    %mul3A_917 = vector.broadcast %mul3A_916 : f32 to vector<8x3072xf32>
    %mul3A_918 = arith.mulf %mul3A_917, %slice3A_915 : vector<8x3072xf32>
    %sub3A_919 = arith.subf %add3A_914, %mul3A_918 : vector<8x3072xf32>
    %lt3A_920 = arith.cmpf olt, %sub3A_919, %select_n3A_907 : vector<8x3072xf32>
    %select_n3A_921 = arith.select %lt3A_920, %sub3A_919, %select_n3A_907 : vector<8x3072xi1>, vector<8x3072xf32>
    %jit3A_922 = arith.constant 65 : i32
    %broadcast_in_dim3A_923 = vector.broadcast %jit3A_922 : i32 to vector<8x3072xi32>
    %select_n3A_924 = arith.select %lt3A_920, %broadcast_in_dim3A_923, %select_n3A_910 : vector<8x3072xi1>, vector<8x3072xi32>
    %slice3A_925 = vector.extract_strided_slice %get3A_9 {offsets = [528, 0], sizes = [8, 1], strides = [1, 1]} : vector<1024x1xf32> to vector<8x1xf32>
    %add3A_926 = vector.broadcast %broadcast_in_dim3A : vector<1x3072xf32> to vector<8x3072xf32>
    %add3A_927 = vector.broadcast %slice3A_925 : vector<8x1xf32> to vector<8x3072xf32>
    %add3A_928 = arith.addf %add3A_926, %add3A_927 : vector<8x3072xf32>
    %slice3A_929 = vector.extract_strided_slice %dot_general3A_5 {offsets = [528, 0], sizes = [8, 3072], strides = [1, 1]} : vector<1024x3072xf32> to vector<8x3072xf32>
    %mul3A_930 = arith.constant 2.000000e+00 : f32
    %mul3A_931 = vector.broadcast %mul3A_930 : f32 to vector<8x3072xf32>
    %mul3A_932 = arith.mulf %mul3A_931, %slice3A_929 : vector<8x3072xf32>
    %sub3A_933 = arith.subf %add3A_928, %mul3A_932 : vector<8x3072xf32>
    %lt3A_934 = arith.cmpf olt, %sub3A_933, %select_n3A_921 : vector<8x3072xf32>
    %select_n3A_935 = arith.select %lt3A_934, %sub3A_933, %select_n3A_921 : vector<8x3072xi1>, vector<8x3072xf32>
    %jit3A_936 = arith.constant 66 : i32
    %broadcast_in_dim3A_937 = vector.broadcast %jit3A_936 : i32 to vector<8x3072xi32>
    %select_n3A_938 = arith.select %lt3A_934, %broadcast_in_dim3A_937, %select_n3A_924 : vector<8x3072xi1>, vector<8x3072xi32>
    %slice3A_939 = vector.extract_strided_slice %get3A_9 {offsets = [536, 0], sizes = [8, 1], strides = [1, 1]} : vector<1024x1xf32> to vector<8x1xf32>
    %add3A_940 = vector.broadcast %broadcast_in_dim3A : vector<1x3072xf32> to vector<8x3072xf32>
    %add3A_941 = vector.broadcast %slice3A_939 : vector<8x1xf32> to vector<8x3072xf32>
    %add3A_942 = arith.addf %add3A_940, %add3A_941 : vector<8x3072xf32>
    %slice3A_943 = vector.extract_strided_slice %dot_general3A_5 {offsets = [536, 0], sizes = [8, 3072], strides = [1, 1]} : vector<1024x3072xf32> to vector<8x3072xf32>
    %mul3A_944 = arith.constant 2.000000e+00 : f32
    %mul3A_945 = vector.broadcast %mul3A_944 : f32 to vector<8x3072xf32>
    %mul3A_946 = arith.mulf %mul3A_945, %slice3A_943 : vector<8x3072xf32>
    %sub3A_947 = arith.subf %add3A_942, %mul3A_946 : vector<8x3072xf32>
    %lt3A_948 = arith.cmpf olt, %sub3A_947, %select_n3A_935 : vector<8x3072xf32>
    %select_n3A_949 = arith.select %lt3A_948, %sub3A_947, %select_n3A_935 : vector<8x3072xi1>, vector<8x3072xf32>
    %jit3A_950 = arith.constant 67 : i32
    %broadcast_in_dim3A_951 = vector.broadcast %jit3A_950 : i32 to vector<8x3072xi32>
    %select_n3A_952 = arith.select %lt3A_948, %broadcast_in_dim3A_951, %select_n3A_938 : vector<8x3072xi1>, vector<8x3072xi32>
    %slice3A_953 = vector.extract_strided_slice %get3A_9 {offsets = [544, 0], sizes = [8, 1], strides = [1, 1]} : vector<1024x1xf32> to vector<8x1xf32>
    %add3A_954 = vector.broadcast %broadcast_in_dim3A : vector<1x3072xf32> to vector<8x3072xf32>
    %add3A_955 = vector.broadcast %slice3A_953 : vector<8x1xf32> to vector<8x3072xf32>
    %add3A_956 = arith.addf %add3A_954, %add3A_955 : vector<8x3072xf32>
    %slice3A_957 = vector.extract_strided_slice %dot_general3A_5 {offsets = [544, 0], sizes = [8, 3072], strides = [1, 1]} : vector<1024x3072xf32> to vector<8x3072xf32>
    %mul3A_958 = arith.constant 2.000000e+00 : f32
    %mul3A_959 = vector.broadcast %mul3A_958 : f32 to vector<8x3072xf32>
    %mul3A_960 = arith.mulf %mul3A_959, %slice3A_957 : vector<8x3072xf32>
    %sub3A_961 = arith.subf %add3A_956, %mul3A_960 : vector<8x3072xf32>
    %lt3A_962 = arith.cmpf olt, %sub3A_961, %select_n3A_949 : vector<8x3072xf32>
    %select_n3A_963 = arith.select %lt3A_962, %sub3A_961, %select_n3A_949 : vector<8x3072xi1>, vector<8x3072xf32>
    %jit3A_964 = arith.constant 68 : i32
    %broadcast_in_dim3A_965 = vector.broadcast %jit3A_964 : i32 to vector<8x3072xi32>
    %select_n3A_966 = arith.select %lt3A_962, %broadcast_in_dim3A_965, %select_n3A_952 : vector<8x3072xi1>, vector<8x3072xi32>
    %slice3A_967 = vector.extract_strided_slice %get3A_9 {offsets = [552, 0], sizes = [8, 1], strides = [1, 1]} : vector<1024x1xf32> to vector<8x1xf32>
    %add3A_968 = vector.broadcast %broadcast_in_dim3A : vector<1x3072xf32> to vector<8x3072xf32>
    %add3A_969 = vector.broadcast %slice3A_967 : vector<8x1xf32> to vector<8x3072xf32>
    %add3A_970 = arith.addf %add3A_968, %add3A_969 : vector<8x3072xf32>
    %slice3A_971 = vector.extract_strided_slice %dot_general3A_5 {offsets = [552, 0], sizes = [8, 3072], strides = [1, 1]} : vector<1024x3072xf32> to vector<8x3072xf32>
    %mul3A_972 = arith.constant 2.000000e+00 : f32
    %mul3A_973 = vector.broadcast %mul3A_972 : f32 to vector<8x3072xf32>
    %mul3A_974 = arith.mulf %mul3A_973, %slice3A_971 : vector<8x3072xf32>
    %sub3A_975 = arith.subf %add3A_970, %mul3A_974 : vector<8x3072xf32>
    %lt3A_976 = arith.cmpf olt, %sub3A_975, %select_n3A_963 : vector<8x3072xf32>
    %select_n3A_977 = arith.select %lt3A_976, %sub3A_975, %select_n3A_963 : vector<8x3072xi1>, vector<8x3072xf32>
    %jit3A_978 = arith.constant 69 : i32
    %broadcast_in_dim3A_979 = vector.broadcast %jit3A_978 : i32 to vector<8x3072xi32>
    %select_n3A_980 = arith.select %lt3A_976, %broadcast_in_dim3A_979, %select_n3A_966 : vector<8x3072xi1>, vector<8x3072xi32>
    %slice3A_981 = vector.extract_strided_slice %get3A_9 {offsets = [560, 0], sizes = [8, 1], strides = [1, 1]} : vector<1024x1xf32> to vector<8x1xf32>
    %add3A_982 = vector.broadcast %broadcast_in_dim3A : vector<1x3072xf32> to vector<8x3072xf32>
    %add3A_983 = vector.broadcast %slice3A_981 : vector<8x1xf32> to vector<8x3072xf32>
    %add3A_984 = arith.addf %add3A_982, %add3A_983 : vector<8x3072xf32>
    %slice3A_985 = vector.extract_strided_slice %dot_general3A_5 {offsets = [560, 0], sizes = [8, 3072], strides = [1, 1]} : vector<1024x3072xf32> to vector<8x3072xf32>
    %mul3A_986 = arith.constant 2.000000e+00 : f32
    %mul3A_987 = vector.broadcast %mul3A_986 : f32 to vector<8x3072xf32>
    %mul3A_988 = arith.mulf %mul3A_987, %slice3A_985 : vector<8x3072xf32>
    %sub3A_989 = arith.subf %add3A_984, %mul3A_988 : vector<8x3072xf32>
    %lt3A_990 = arith.cmpf olt, %sub3A_989, %select_n3A_977 : vector<8x3072xf32>
    %select_n3A_991 = arith.select %lt3A_990, %sub3A_989, %select_n3A_977 : vector<8x3072xi1>, vector<8x3072xf32>
    %jit3A_992 = arith.constant 70 : i32
    %broadcast_in_dim3A_993 = vector.broadcast %jit3A_992 : i32 to vector<8x3072xi32>
    %select_n3A_994 = arith.select %lt3A_990, %broadcast_in_dim3A_993, %select_n3A_980 : vector<8x3072xi1>, vector<8x3072xi32>
    %slice3A_995 = vector.extract_strided_slice %get3A_9 {offsets = [568, 0], sizes = [8, 1], strides = [1, 1]} : vector<1024x1xf32> to vector<8x1xf32>
    %add3A_996 = vector.broadcast %broadcast_in_dim3A : vector<1x3072xf32> to vector<8x3072xf32>
    %add3A_997 = vector.broadcast %slice3A_995 : vector<8x1xf32> to vector<8x3072xf32>
    %add3A_998 = arith.addf %add3A_996, %add3A_997 : vector<8x3072xf32>
    %slice3A_999 = vector.extract_strided_slice %dot_general3A_5 {offsets = [568, 0], sizes = [8, 3072], strides = [1, 1]} : vector<1024x3072xf32> to vector<8x3072xf32>
    %mul3A_1000 = arith.constant 2.000000e+00 : f32
    %mul3A_1001 = vector.broadcast %mul3A_1000 : f32 to vector<8x3072xf32>
    %mul3A_1002 = arith.mulf %mul3A_1001, %slice3A_999 : vector<8x3072xf32>
    %sub3A_1003 = arith.subf %add3A_998, %mul3A_1002 : vector<8x3072xf32>
    %lt3A_1004 = arith.cmpf olt, %sub3A_1003, %select_n3A_991 : vector<8x3072xf32>
    %select_n3A_1005 = arith.select %lt3A_1004, %sub3A_1003, %select_n3A_991 : vector<8x3072xi1>, vector<8x3072xf32>
    %jit3A_1006 = arith.constant 71 : i32
    %broadcast_in_dim3A_1007 = vector.broadcast %jit3A_1006 : i32 to vector<8x3072xi32>
    %select_n3A_1008 = arith.select %lt3A_1004, %broadcast_in_dim3A_1007, %select_n3A_994 : vector<8x3072xi1>, vector<8x3072xi32>
    %slice3A_1009 = vector.extract_strided_slice %get3A_9 {offsets = [576, 0], sizes = [8, 1], strides = [1, 1]} : vector<1024x1xf32> to vector<8x1xf32>
    %add3A_1010 = vector.broadcast %broadcast_in_dim3A : vector<1x3072xf32> to vector<8x3072xf32>
    %add3A_1011 = vector.broadcast %slice3A_1009 : vector<8x1xf32> to vector<8x3072xf32>
    %add3A_1012 = arith.addf %add3A_1010, %add3A_1011 : vector<8x3072xf32>
    %slice3A_1013 = vector.extract_strided_slice %dot_general3A_5 {offsets = [576, 0], sizes = [8, 3072], strides = [1, 1]} : vector<1024x3072xf32> to vector<8x3072xf32>
    %mul3A_1014 = arith.constant 2.000000e+00 : f32
    %mul3A_1015 = vector.broadcast %mul3A_1014 : f32 to vector<8x3072xf32>
    %mul3A_1016 = arith.mulf %mul3A_1015, %slice3A_1013 : vector<8x3072xf32>
    %sub3A_1017 = arith.subf %add3A_1012, %mul3A_1016 : vector<8x3072xf32>
    %lt3A_1018 = arith.cmpf olt, %sub3A_1017, %select_n3A_1005 : vector<8x3072xf32>
    %select_n3A_1019 = arith.select %lt3A_1018, %sub3A_1017, %select_n3A_1005 : vector<8x3072xi1>, vector<8x3072xf32>
    %jit3A_1020 = arith.constant 72 : i32
    %broadcast_in_dim3A_1021 = vector.broadcast %jit3A_1020 : i32 to vector<8x3072xi32>
    %select_n3A_1022 = arith.select %lt3A_1018, %broadcast_in_dim3A_1021, %select_n3A_1008 : vector<8x3072xi1>, vector<8x3072xi32>
    %slice3A_1023 = vector.extract_strided_slice %get3A_9 {offsets = [584, 0], sizes = [8, 1], strides = [1, 1]} : vector<1024x1xf32> to vector<8x1xf32>
    %add3A_1024 = vector.broadcast %broadcast_in_dim3A : vector<1x3072xf32> to vector<8x3072xf32>
    %add3A_1025 = vector.broadcast %slice3A_1023 : vector<8x1xf32> to vector<8x3072xf32>
    %add3A_1026 = arith.addf %add3A_1024, %add3A_1025 : vector<8x3072xf32>
    %slice3A_1027 = vector.extract_strided_slice %dot_general3A_5 {offsets = [584, 0], sizes = [8, 3072], strides = [1, 1]} : vector<1024x3072xf32> to vector<8x3072xf32>
    %mul3A_1028 = arith.constant 2.000000e+00 : f32
    %mul3A_1029 = vector.broadcast %mul3A_1028 : f32 to vector<8x3072xf32>
    %mul3A_1030 = arith.mulf %mul3A_1029, %slice3A_1027 : vector<8x3072xf32>
    %sub3A_1031 = arith.subf %add3A_1026, %mul3A_1030 : vector<8x3072xf32>
    %lt3A_1032 = arith.cmpf olt, %sub3A_1031, %select_n3A_1019 : vector<8x3072xf32>
    %select_n3A_1033 = arith.select %lt3A_1032, %sub3A_1031, %select_n3A_1019 : vector<8x3072xi1>, vector<8x3072xf32>
    %jit3A_1034 = arith.constant 73 : i32
    %broadcast_in_dim3A_1035 = vector.broadcast %jit3A_1034 : i32 to vector<8x3072xi32>
    %select_n3A_1036 = arith.select %lt3A_1032, %broadcast_in_dim3A_1035, %select_n3A_1022 : vector<8x3072xi1>, vector<8x3072xi32>
    %slice3A_1037 = vector.extract_strided_slice %get3A_9 {offsets = [592, 0], sizes = [8, 1], strides = [1, 1]} : vector<1024x1xf32> to vector<8x1xf32>
    %add3A_1038 = vector.broadcast %broadcast_in_dim3A : vector<1x3072xf32> to vector<8x3072xf32>
    %add3A_1039 = vector.broadcast %slice3A_1037 : vector<8x1xf32> to vector<8x3072xf32>
    %add3A_1040 = arith.addf %add3A_1038, %add3A_1039 : vector<8x3072xf32>
    %slice3A_1041 = vector.extract_strided_slice %dot_general3A_5 {offsets = [592, 0], sizes = [8, 3072], strides = [1, 1]} : vector<1024x3072xf32> to vector<8x3072xf32>
    %mul3A_1042 = arith.constant 2.000000e+00 : f32
    %mul3A_1043 = vector.broadcast %mul3A_1042 : f32 to vector<8x3072xf32>
    %mul3A_1044 = arith.mulf %mul3A_1043, %slice3A_1041 : vector<8x3072xf32>
    %sub3A_1045 = arith.subf %add3A_1040, %mul3A_1044 : vector<8x3072xf32>
    %lt3A_1046 = arith.cmpf olt, %sub3A_1045, %select_n3A_1033 : vector<8x3072xf32>
    %select_n3A_1047 = arith.select %lt3A_1046, %sub3A_1045, %select_n3A_1033 : vector<8x3072xi1>, vector<8x3072xf32>
    %jit3A_1048 = arith.constant 74 : i32
    %broadcast_in_dim3A_1049 = vector.broadcast %jit3A_1048 : i32 to vector<8x3072xi32>
    %select_n3A_1050 = arith.select %lt3A_1046, %broadcast_in_dim3A_1049, %select_n3A_1036 : vector<8x3072xi1>, vector<8x3072xi32>
    %slice3A_1051 = vector.extract_strided_slice %get3A_9 {offsets = [600, 0], sizes = [8, 1], strides = [1, 1]} : vector<1024x1xf32> to vector<8x1xf32>
    %add3A_1052 = vector.broadcast %broadcast_in_dim3A : vector<1x3072xf32> to vector<8x3072xf32>
    %add3A_1053 = vector.broadcast %slice3A_1051 : vector<8x1xf32> to vector<8x3072xf32>
    %add3A_1054 = arith.addf %add3A_1052, %add3A_1053 : vector<8x3072xf32>
    %slice3A_1055 = vector.extract_strided_slice %dot_general3A_5 {offsets = [600, 0], sizes = [8, 3072], strides = [1, 1]} : vector<1024x3072xf32> to vector<8x3072xf32>
    %mul3A_1056 = arith.constant 2.000000e+00 : f32
    %mul3A_1057 = vector.broadcast %mul3A_1056 : f32 to vector<8x3072xf32>
    %mul3A_1058 = arith.mulf %mul3A_1057, %slice3A_1055 : vector<8x3072xf32>
    %sub3A_1059 = arith.subf %add3A_1054, %mul3A_1058 : vector<8x3072xf32>
    %lt3A_1060 = arith.cmpf olt, %sub3A_1059, %select_n3A_1047 : vector<8x3072xf32>
    %select_n3A_1061 = arith.select %lt3A_1060, %sub3A_1059, %select_n3A_1047 : vector<8x3072xi1>, vector<8x3072xf32>
    %jit3A_1062 = arith.constant 75 : i32
    %broadcast_in_dim3A_1063 = vector.broadcast %jit3A_1062 : i32 to vector<8x3072xi32>
    %select_n3A_1064 = arith.select %lt3A_1060, %broadcast_in_dim3A_1063, %select_n3A_1050 : vector<8x3072xi1>, vector<8x3072xi32>
    %slice3A_1065 = vector.extract_strided_slice %get3A_9 {offsets = [608, 0], sizes = [8, 1], strides = [1, 1]} : vector<1024x1xf32> to vector<8x1xf32>
    %add3A_1066 = vector.broadcast %broadcast_in_dim3A : vector<1x3072xf32> to vector<8x3072xf32>
    %add3A_1067 = vector.broadcast %slice3A_1065 : vector<8x1xf32> to vector<8x3072xf32>
    %add3A_1068 = arith.addf %add3A_1066, %add3A_1067 : vector<8x3072xf32>
    %slice3A_1069 = vector.extract_strided_slice %dot_general3A_5 {offsets = [608, 0], sizes = [8, 3072], strides = [1, 1]} : vector<1024x3072xf32> to vector<8x3072xf32>
    %mul3A_1070 = arith.constant 2.000000e+00 : f32
    %mul3A_1071 = vector.broadcast %mul3A_1070 : f32 to vector<8x3072xf32>
    %mul3A_1072 = arith.mulf %mul3A_1071, %slice3A_1069 : vector<8x3072xf32>
    %sub3A_1073 = arith.subf %add3A_1068, %mul3A_1072 : vector<8x3072xf32>
    %lt3A_1074 = arith.cmpf olt, %sub3A_1073, %select_n3A_1061 : vector<8x3072xf32>
    %select_n3A_1075 = arith.select %lt3A_1074, %sub3A_1073, %select_n3A_1061 : vector<8x3072xi1>, vector<8x3072xf32>
    %jit3A_1076 = arith.constant 76 : i32
    %broadcast_in_dim3A_1077 = vector.broadcast %jit3A_1076 : i32 to vector<8x3072xi32>
    %select_n3A_1078 = arith.select %lt3A_1074, %broadcast_in_dim3A_1077, %select_n3A_1064 : vector<8x3072xi1>, vector<8x3072xi32>
    %slice3A_1079 = vector.extract_strided_slice %get3A_9 {offsets = [616, 0], sizes = [8, 1], strides = [1, 1]} : vector<1024x1xf32> to vector<8x1xf32>
    %add3A_1080 = vector.broadcast %broadcast_in_dim3A : vector<1x3072xf32> to vector<8x3072xf32>
    %add3A_1081 = vector.broadcast %slice3A_1079 : vector<8x1xf32> to vector<8x3072xf32>
    %add3A_1082 = arith.addf %add3A_1080, %add3A_1081 : vector<8x3072xf32>
    %slice3A_1083 = vector.extract_strided_slice %dot_general3A_5 {offsets = [616, 0], sizes = [8, 3072], strides = [1, 1]} : vector<1024x3072xf32> to vector<8x3072xf32>
    %mul3A_1084 = arith.constant 2.000000e+00 : f32
    %mul3A_1085 = vector.broadcast %mul3A_1084 : f32 to vector<8x3072xf32>
    %mul3A_1086 = arith.mulf %mul3A_1085, %slice3A_1083 : vector<8x3072xf32>
    %sub3A_1087 = arith.subf %add3A_1082, %mul3A_1086 : vector<8x3072xf32>
    %lt3A_1088 = arith.cmpf olt, %sub3A_1087, %select_n3A_1075 : vector<8x3072xf32>
    %select_n3A_1089 = arith.select %lt3A_1088, %sub3A_1087, %select_n3A_1075 : vector<8x3072xi1>, vector<8x3072xf32>
    %jit3A_1090 = arith.constant 77 : i32
    %broadcast_in_dim3A_1091 = vector.broadcast %jit3A_1090 : i32 to vector<8x3072xi32>
    %select_n3A_1092 = arith.select %lt3A_1088, %broadcast_in_dim3A_1091, %select_n3A_1078 : vector<8x3072xi1>, vector<8x3072xi32>
    %slice3A_1093 = vector.extract_strided_slice %get3A_9 {offsets = [624, 0], sizes = [8, 1], strides = [1, 1]} : vector<1024x1xf32> to vector<8x1xf32>
    %add3A_1094 = vector.broadcast %broadcast_in_dim3A : vector<1x3072xf32> to vector<8x3072xf32>
    %add3A_1095 = vector.broadcast %slice3A_1093 : vector<8x1xf32> to vector<8x3072xf32>
    %add3A_1096 = arith.addf %add3A_1094, %add3A_1095 : vector<8x3072xf32>
    %slice3A_1097 = vector.extract_strided_slice %dot_general3A_5 {offsets = [624, 0], sizes = [8, 3072], strides = [1, 1]} : vector<1024x3072xf32> to vector<8x3072xf32>
    %mul3A_1098 = arith.constant 2.000000e+00 : f32
    %mul3A_1099 = vector.broadcast %mul3A_1098 : f32 to vector<8x3072xf32>
    %mul3A_1100 = arith.mulf %mul3A_1099, %slice3A_1097 : vector<8x3072xf32>
    %sub3A_1101 = arith.subf %add3A_1096, %mul3A_1100 : vector<8x3072xf32>
    %lt3A_1102 = arith.cmpf olt, %sub3A_1101, %select_n3A_1089 : vector<8x3072xf32>
    %select_n3A_1103 = arith.select %lt3A_1102, %sub3A_1101, %select_n3A_1089 : vector<8x3072xi1>, vector<8x3072xf32>
    %jit3A_1104 = arith.constant 78 : i32
    %broadcast_in_dim3A_1105 = vector.broadcast %jit3A_1104 : i32 to vector<8x3072xi32>
    %select_n3A_1106 = arith.select %lt3A_1102, %broadcast_in_dim3A_1105, %select_n3A_1092 : vector<8x3072xi1>, vector<8x3072xi32>
    %slice3A_1107 = vector.extract_strided_slice %get3A_9 {offsets = [632, 0], sizes = [8, 1], strides = [1, 1]} : vector<1024x1xf32> to vector<8x1xf32>
    %add3A_1108 = vector.broadcast %broadcast_in_dim3A : vector<1x3072xf32> to vector<8x3072xf32>
    %add3A_1109 = vector.broadcast %slice3A_1107 : vector<8x1xf32> to vector<8x3072xf32>
    %add3A_1110 = arith.addf %add3A_1108, %add3A_1109 : vector<8x3072xf32>
    %slice3A_1111 = vector.extract_strided_slice %dot_general3A_5 {offsets = [632, 0], sizes = [8, 3072], strides = [1, 1]} : vector<1024x3072xf32> to vector<8x3072xf32>
    %mul3A_1112 = arith.constant 2.000000e+00 : f32
    %mul3A_1113 = vector.broadcast %mul3A_1112 : f32 to vector<8x3072xf32>
    %mul3A_1114 = arith.mulf %mul3A_1113, %slice3A_1111 : vector<8x3072xf32>
    %sub3A_1115 = arith.subf %add3A_1110, %mul3A_1114 : vector<8x3072xf32>
    %lt3A_1116 = arith.cmpf olt, %sub3A_1115, %select_n3A_1103 : vector<8x3072xf32>
    %select_n3A_1117 = arith.select %lt3A_1116, %sub3A_1115, %select_n3A_1103 : vector<8x3072xi1>, vector<8x3072xf32>
    %jit3A_1118 = arith.constant 79 : i32
    %broadcast_in_dim3A_1119 = vector.broadcast %jit3A_1118 : i32 to vector<8x3072xi32>
    %select_n3A_1120 = arith.select %lt3A_1116, %broadcast_in_dim3A_1119, %select_n3A_1106 : vector<8x3072xi1>, vector<8x3072xi32>
    %slice3A_1121 = vector.extract_strided_slice %get3A_9 {offsets = [640, 0], sizes = [8, 1], strides = [1, 1]} : vector<1024x1xf32> to vector<8x1xf32>
    %add3A_1122 = vector.broadcast %broadcast_in_dim3A : vector<1x3072xf32> to vector<8x3072xf32>
    %add3A_1123 = vector.broadcast %slice3A_1121 : vector<8x1xf32> to vector<8x3072xf32>
    %add3A_1124 = arith.addf %add3A_1122, %add3A_1123 : vector<8x3072xf32>
    %slice3A_1125 = vector.extract_strided_slice %dot_general3A_5 {offsets = [640, 0], sizes = [8, 3072], strides = [1, 1]} : vector<1024x3072xf32> to vector<8x3072xf32>
    %mul3A_1126 = arith.constant 2.000000e+00 : f32
    %mul3A_1127 = vector.broadcast %mul3A_1126 : f32 to vector<8x3072xf32>
    %mul3A_1128 = arith.mulf %mul3A_1127, %slice3A_1125 : vector<8x3072xf32>
    %sub3A_1129 = arith.subf %add3A_1124, %mul3A_1128 : vector<8x3072xf32>
    %lt3A_1130 = arith.cmpf olt, %sub3A_1129, %select_n3A_1117 : vector<8x3072xf32>
    %select_n3A_1131 = arith.select %lt3A_1130, %sub3A_1129, %select_n3A_1117 : vector<8x3072xi1>, vector<8x3072xf32>
    %jit3A_1132 = arith.constant 80 : i32
    %broadcast_in_dim3A_1133 = vector.broadcast %jit3A_1132 : i32 to vector<8x3072xi32>
    %select_n3A_1134 = arith.select %lt3A_1130, %broadcast_in_dim3A_1133, %select_n3A_1120 : vector<8x3072xi1>, vector<8x3072xi32>
    %slice3A_1135 = vector.extract_strided_slice %get3A_9 {offsets = [648, 0], sizes = [8, 1], strides = [1, 1]} : vector<1024x1xf32> to vector<8x1xf32>
    %add3A_1136 = vector.broadcast %broadcast_in_dim3A : vector<1x3072xf32> to vector<8x3072xf32>
    %add3A_1137 = vector.broadcast %slice3A_1135 : vector<8x1xf32> to vector<8x3072xf32>
    %add3A_1138 = arith.addf %add3A_1136, %add3A_1137 : vector<8x3072xf32>
    %slice3A_1139 = vector.extract_strided_slice %dot_general3A_5 {offsets = [648, 0], sizes = [8, 3072], strides = [1, 1]} : vector<1024x3072xf32> to vector<8x3072xf32>
    %mul3A_1140 = arith.constant 2.000000e+00 : f32
    %mul3A_1141 = vector.broadcast %mul3A_1140 : f32 to vector<8x3072xf32>
    %mul3A_1142 = arith.mulf %mul3A_1141, %slice3A_1139 : vector<8x3072xf32>
    %sub3A_1143 = arith.subf %add3A_1138, %mul3A_1142 : vector<8x3072xf32>
    %lt3A_1144 = arith.cmpf olt, %sub3A_1143, %select_n3A_1131 : vector<8x3072xf32>
    %select_n3A_1145 = arith.select %lt3A_1144, %sub3A_1143, %select_n3A_1131 : vector<8x3072xi1>, vector<8x3072xf32>
    %jit3A_1146 = arith.constant 81 : i32
    %broadcast_in_dim3A_1147 = vector.broadcast %jit3A_1146 : i32 to vector<8x3072xi32>
    %select_n3A_1148 = arith.select %lt3A_1144, %broadcast_in_dim3A_1147, %select_n3A_1134 : vector<8x3072xi1>, vector<8x3072xi32>
    %slice3A_1149 = vector.extract_strided_slice %get3A_9 {offsets = [656, 0], sizes = [8, 1], strides = [1, 1]} : vector<1024x1xf32> to vector<8x1xf32>
    %add3A_1150 = vector.broadcast %broadcast_in_dim3A : vector<1x3072xf32> to vector<8x3072xf32>
    %add3A_1151 = vector.broadcast %slice3A_1149 : vector<8x1xf32> to vector<8x3072xf32>
    %add3A_1152 = arith.addf %add3A_1150, %add3A_1151 : vector<8x3072xf32>
    %slice3A_1153 = vector.extract_strided_slice %dot_general3A_5 {offsets = [656, 0], sizes = [8, 3072], strides = [1, 1]} : vector<1024x3072xf32> to vector<8x3072xf32>
    %mul3A_1154 = arith.constant 2.000000e+00 : f32
    %mul3A_1155 = vector.broadcast %mul3A_1154 : f32 to vector<8x3072xf32>
    %mul3A_1156 = arith.mulf %mul3A_1155, %slice3A_1153 : vector<8x3072xf32>
    %sub3A_1157 = arith.subf %add3A_1152, %mul3A_1156 : vector<8x3072xf32>
    %lt3A_1158 = arith.cmpf olt, %sub3A_1157, %select_n3A_1145 : vector<8x3072xf32>
    %select_n3A_1159 = arith.select %lt3A_1158, %sub3A_1157, %select_n3A_1145 : vector<8x3072xi1>, vector<8x3072xf32>
    %jit3A_1160 = arith.constant 82 : i32
    %broadcast_in_dim3A_1161 = vector.broadcast %jit3A_1160 : i32 to vector<8x3072xi32>
    %select_n3A_1162 = arith.select %lt3A_1158, %broadcast_in_dim3A_1161, %select_n3A_1148 : vector<8x3072xi1>, vector<8x3072xi32>
    %slice3A_1163 = vector.extract_strided_slice %get3A_9 {offsets = [664, 0], sizes = [8, 1], strides = [1, 1]} : vector<1024x1xf32> to vector<8x1xf32>
    %add3A_1164 = vector.broadcast %broadcast_in_dim3A : vector<1x3072xf32> to vector<8x3072xf32>
    %add3A_1165 = vector.broadcast %slice3A_1163 : vector<8x1xf32> to vector<8x3072xf32>
    %add3A_1166 = arith.addf %add3A_1164, %add3A_1165 : vector<8x3072xf32>
    %slice3A_1167 = vector.extract_strided_slice %dot_general3A_5 {offsets = [664, 0], sizes = [8, 3072], strides = [1, 1]} : vector<1024x3072xf32> to vector<8x3072xf32>
    %mul3A_1168 = arith.constant 2.000000e+00 : f32
    %mul3A_1169 = vector.broadcast %mul3A_1168 : f32 to vector<8x3072xf32>
    %mul3A_1170 = arith.mulf %mul3A_1169, %slice3A_1167 : vector<8x3072xf32>
    %sub3A_1171 = arith.subf %add3A_1166, %mul3A_1170 : vector<8x3072xf32>
    %lt3A_1172 = arith.cmpf olt, %sub3A_1171, %select_n3A_1159 : vector<8x3072xf32>
    %select_n3A_1173 = arith.select %lt3A_1172, %sub3A_1171, %select_n3A_1159 : vector<8x3072xi1>, vector<8x3072xf32>
    %jit3A_1174 = arith.constant 83 : i32
    %broadcast_in_dim3A_1175 = vector.broadcast %jit3A_1174 : i32 to vector<8x3072xi32>
    %select_n3A_1176 = arith.select %lt3A_1172, %broadcast_in_dim3A_1175, %select_n3A_1162 : vector<8x3072xi1>, vector<8x3072xi32>
    %slice3A_1177 = vector.extract_strided_slice %get3A_9 {offsets = [672, 0], sizes = [8, 1], strides = [1, 1]} : vector<1024x1xf32> to vector<8x1xf32>
    %add3A_1178 = vector.broadcast %broadcast_in_dim3A : vector<1x3072xf32> to vector<8x3072xf32>
    %add3A_1179 = vector.broadcast %slice3A_1177 : vector<8x1xf32> to vector<8x3072xf32>
    %add3A_1180 = arith.addf %add3A_1178, %add3A_1179 : vector<8x3072xf32>
    %slice3A_1181 = vector.extract_strided_slice %dot_general3A_5 {offsets = [672, 0], sizes = [8, 3072], strides = [1, 1]} : vector<1024x3072xf32> to vector<8x3072xf32>
    %mul3A_1182 = arith.constant 2.000000e+00 : f32
    %mul3A_1183 = vector.broadcast %mul3A_1182 : f32 to vector<8x3072xf32>
    %mul3A_1184 = arith.mulf %mul3A_1183, %slice3A_1181 : vector<8x3072xf32>
    %sub3A_1185 = arith.subf %add3A_1180, %mul3A_1184 : vector<8x3072xf32>
    %lt3A_1186 = arith.cmpf olt, %sub3A_1185, %select_n3A_1173 : vector<8x3072xf32>
    %select_n3A_1187 = arith.select %lt3A_1186, %sub3A_1185, %select_n3A_1173 : vector<8x3072xi1>, vector<8x3072xf32>
    %jit3A_1188 = arith.constant 84 : i32
    %broadcast_in_dim3A_1189 = vector.broadcast %jit3A_1188 : i32 to vector<8x3072xi32>
    %select_n3A_1190 = arith.select %lt3A_1186, %broadcast_in_dim3A_1189, %select_n3A_1176 : vector<8x3072xi1>, vector<8x3072xi32>
    %slice3A_1191 = vector.extract_strided_slice %get3A_9 {offsets = [680, 0], sizes = [8, 1], strides = [1, 1]} : vector<1024x1xf32> to vector<8x1xf32>
    %add3A_1192 = vector.broadcast %broadcast_in_dim3A : vector<1x3072xf32> to vector<8x3072xf32>
    %add3A_1193 = vector.broadcast %slice3A_1191 : vector<8x1xf32> to vector<8x3072xf32>
    %add3A_1194 = arith.addf %add3A_1192, %add3A_1193 : vector<8x3072xf32>
    %slice3A_1195 = vector.extract_strided_slice %dot_general3A_5 {offsets = [680, 0], sizes = [8, 3072], strides = [1, 1]} : vector<1024x3072xf32> to vector<8x3072xf32>
    %mul3A_1196 = arith.constant 2.000000e+00 : f32
    %mul3A_1197 = vector.broadcast %mul3A_1196 : f32 to vector<8x3072xf32>
    %mul3A_1198 = arith.mulf %mul3A_1197, %slice3A_1195 : vector<8x3072xf32>
    %sub3A_1199 = arith.subf %add3A_1194, %mul3A_1198 : vector<8x3072xf32>
    %lt3A_1200 = arith.cmpf olt, %sub3A_1199, %select_n3A_1187 : vector<8x3072xf32>
    %select_n3A_1201 = arith.select %lt3A_1200, %sub3A_1199, %select_n3A_1187 : vector<8x3072xi1>, vector<8x3072xf32>
    %jit3A_1202 = arith.constant 85 : i32
    %broadcast_in_dim3A_1203 = vector.broadcast %jit3A_1202 : i32 to vector<8x3072xi32>
    %select_n3A_1204 = arith.select %lt3A_1200, %broadcast_in_dim3A_1203, %select_n3A_1190 : vector<8x3072xi1>, vector<8x3072xi32>
    %slice3A_1205 = vector.extract_strided_slice %get3A_9 {offsets = [688, 0], sizes = [8, 1], strides = [1, 1]} : vector<1024x1xf32> to vector<8x1xf32>
    %add3A_1206 = vector.broadcast %broadcast_in_dim3A : vector<1x3072xf32> to vector<8x3072xf32>
    %add3A_1207 = vector.broadcast %slice3A_1205 : vector<8x1xf32> to vector<8x3072xf32>
    %add3A_1208 = arith.addf %add3A_1206, %add3A_1207 : vector<8x3072xf32>
    %slice3A_1209 = vector.extract_strided_slice %dot_general3A_5 {offsets = [688, 0], sizes = [8, 3072], strides = [1, 1]} : vector<1024x3072xf32> to vector<8x3072xf32>
    %mul3A_1210 = arith.constant 2.000000e+00 : f32
    %mul3A_1211 = vector.broadcast %mul3A_1210 : f32 to vector<8x3072xf32>
    %mul3A_1212 = arith.mulf %mul3A_1211, %slice3A_1209 : vector<8x3072xf32>
    %sub3A_1213 = arith.subf %add3A_1208, %mul3A_1212 : vector<8x3072xf32>
    %lt3A_1214 = arith.cmpf olt, %sub3A_1213, %select_n3A_1201 : vector<8x3072xf32>
    %select_n3A_1215 = arith.select %lt3A_1214, %sub3A_1213, %select_n3A_1201 : vector<8x3072xi1>, vector<8x3072xf32>
    %jit3A_1216 = arith.constant 86 : i32
    %broadcast_in_dim3A_1217 = vector.broadcast %jit3A_1216 : i32 to vector<8x3072xi32>
    %select_n3A_1218 = arith.select %lt3A_1214, %broadcast_in_dim3A_1217, %select_n3A_1204 : vector<8x3072xi1>, vector<8x3072xi32>
    %slice3A_1219 = vector.extract_strided_slice %get3A_9 {offsets = [696, 0], sizes = [8, 1], strides = [1, 1]} : vector<1024x1xf32> to vector<8x1xf32>
    %add3A_1220 = vector.broadcast %broadcast_in_dim3A : vector<1x3072xf32> to vector<8x3072xf32>
    %add3A_1221 = vector.broadcast %slice3A_1219 : vector<8x1xf32> to vector<8x3072xf32>
    %add3A_1222 = arith.addf %add3A_1220, %add3A_1221 : vector<8x3072xf32>
    %slice3A_1223 = vector.extract_strided_slice %dot_general3A_5 {offsets = [696, 0], sizes = [8, 3072], strides = [1, 1]} : vector<1024x3072xf32> to vector<8x3072xf32>
    %mul3A_1224 = arith.constant 2.000000e+00 : f32
    %mul3A_1225 = vector.broadcast %mul3A_1224 : f32 to vector<8x3072xf32>
    %mul3A_1226 = arith.mulf %mul3A_1225, %slice3A_1223 : vector<8x3072xf32>
    %sub3A_1227 = arith.subf %add3A_1222, %mul3A_1226 : vector<8x3072xf32>
    %lt3A_1228 = arith.cmpf olt, %sub3A_1227, %select_n3A_1215 : vector<8x3072xf32>
    %select_n3A_1229 = arith.select %lt3A_1228, %sub3A_1227, %select_n3A_1215 : vector<8x3072xi1>, vector<8x3072xf32>
    %jit3A_1230 = arith.constant 87 : i32
    %broadcast_in_dim3A_1231 = vector.broadcast %jit3A_1230 : i32 to vector<8x3072xi32>
    %select_n3A_1232 = arith.select %lt3A_1228, %broadcast_in_dim3A_1231, %select_n3A_1218 : vector<8x3072xi1>, vector<8x3072xi32>
    %slice3A_1233 = vector.extract_strided_slice %get3A_9 {offsets = [704, 0], sizes = [8, 1], strides = [1, 1]} : vector<1024x1xf32> to vector<8x1xf32>
    %add3A_1234 = vector.broadcast %broadcast_in_dim3A : vector<1x3072xf32> to vector<8x3072xf32>
    %add3A_1235 = vector.broadcast %slice3A_1233 : vector<8x1xf32> to vector<8x3072xf32>
    %add3A_1236 = arith.addf %add3A_1234, %add3A_1235 : vector<8x3072xf32>
    %slice3A_1237 = vector.extract_strided_slice %dot_general3A_5 {offsets = [704, 0], sizes = [8, 3072], strides = [1, 1]} : vector<1024x3072xf32> to vector<8x3072xf32>
    %mul3A_1238 = arith.constant 2.000000e+00 : f32
    %mul3A_1239 = vector.broadcast %mul3A_1238 : f32 to vector<8x3072xf32>
    %mul3A_1240 = arith.mulf %mul3A_1239, %slice3A_1237 : vector<8x3072xf32>
    %sub3A_1241 = arith.subf %add3A_1236, %mul3A_1240 : vector<8x3072xf32>
    %lt3A_1242 = arith.cmpf olt, %sub3A_1241, %select_n3A_1229 : vector<8x3072xf32>
    %select_n3A_1243 = arith.select %lt3A_1242, %sub3A_1241, %select_n3A_1229 : vector<8x3072xi1>, vector<8x3072xf32>
    %jit3A_1244 = arith.constant 88 : i32
    %broadcast_in_dim3A_1245 = vector.broadcast %jit3A_1244 : i32 to vector<8x3072xi32>
    %select_n3A_1246 = arith.select %lt3A_1242, %broadcast_in_dim3A_1245, %select_n3A_1232 : vector<8x3072xi1>, vector<8x3072xi32>
    %slice3A_1247 = vector.extract_strided_slice %get3A_9 {offsets = [712, 0], sizes = [8, 1], strides = [1, 1]} : vector<1024x1xf32> to vector<8x1xf32>
    %add3A_1248 = vector.broadcast %broadcast_in_dim3A : vector<1x3072xf32> to vector<8x3072xf32>
    %add3A_1249 = vector.broadcast %slice3A_1247 : vector<8x1xf32> to vector<8x3072xf32>
    %add3A_1250 = arith.addf %add3A_1248, %add3A_1249 : vector<8x3072xf32>
    %slice3A_1251 = vector.extract_strided_slice %dot_general3A_5 {offsets = [712, 0], sizes = [8, 3072], strides = [1, 1]} : vector<1024x3072xf32> to vector<8x3072xf32>
    %mul3A_1252 = arith.constant 2.000000e+00 : f32
    %mul3A_1253 = vector.broadcast %mul3A_1252 : f32 to vector<8x3072xf32>
    %mul3A_1254 = arith.mulf %mul3A_1253, %slice3A_1251 : vector<8x3072xf32>
    %sub3A_1255 = arith.subf %add3A_1250, %mul3A_1254 : vector<8x3072xf32>
    %lt3A_1256 = arith.cmpf olt, %sub3A_1255, %select_n3A_1243 : vector<8x3072xf32>
    %select_n3A_1257 = arith.select %lt3A_1256, %sub3A_1255, %select_n3A_1243 : vector<8x3072xi1>, vector<8x3072xf32>
    %jit3A_1258 = arith.constant 89 : i32
    %broadcast_in_dim3A_1259 = vector.broadcast %jit3A_1258 : i32 to vector<8x3072xi32>
    %select_n3A_1260 = arith.select %lt3A_1256, %broadcast_in_dim3A_1259, %select_n3A_1246 : vector<8x3072xi1>, vector<8x3072xi32>
    %slice3A_1261 = vector.extract_strided_slice %get3A_9 {offsets = [720, 0], sizes = [8, 1], strides = [1, 1]} : vector<1024x1xf32> to vector<8x1xf32>
    %add3A_1262 = vector.broadcast %broadcast_in_dim3A : vector<1x3072xf32> to vector<8x3072xf32>
    %add3A_1263 = vector.broadcast %slice3A_1261 : vector<8x1xf32> to vector<8x3072xf32>
    %add3A_1264 = arith.addf %add3A_1262, %add3A_1263 : vector<8x3072xf32>
    %slice3A_1265 = vector.extract_strided_slice %dot_general3A_5 {offsets = [720, 0], sizes = [8, 3072], strides = [1, 1]} : vector<1024x3072xf32> to vector<8x3072xf32>
    %mul3A_1266 = arith.constant 2.000000e+00 : f32
    %mul3A_1267 = vector.broadcast %mul3A_1266 : f32 to vector<8x3072xf32>
    %mul3A_1268 = arith.mulf %mul3A_1267, %slice3A_1265 : vector<8x3072xf32>
    %sub3A_1269 = arith.subf %add3A_1264, %mul3A_1268 : vector<8x3072xf32>
    %lt3A_1270 = arith.cmpf olt, %sub3A_1269, %select_n3A_1257 : vector<8x3072xf32>
    %select_n3A_1271 = arith.select %lt3A_1270, %sub3A_1269, %select_n3A_1257 : vector<8x3072xi1>, vector<8x3072xf32>
    %jit3A_1272 = arith.constant 90 : i32
    %broadcast_in_dim3A_1273 = vector.broadcast %jit3A_1272 : i32 to vector<8x3072xi32>
    %select_n3A_1274 = arith.select %lt3A_1270, %broadcast_in_dim3A_1273, %select_n3A_1260 : vector<8x3072xi1>, vector<8x3072xi32>
    %slice3A_1275 = vector.extract_strided_slice %get3A_9 {offsets = [728, 0], sizes = [8, 1], strides = [1, 1]} : vector<1024x1xf32> to vector<8x1xf32>
    %add3A_1276 = vector.broadcast %broadcast_in_dim3A : vector<1x3072xf32> to vector<8x3072xf32>
    %add3A_1277 = vector.broadcast %slice3A_1275 : vector<8x1xf32> to vector<8x3072xf32>
    %add3A_1278 = arith.addf %add3A_1276, %add3A_1277 : vector<8x3072xf32>
    %slice3A_1279 = vector.extract_strided_slice %dot_general3A_5 {offsets = [728, 0], sizes = [8, 3072], strides = [1, 1]} : vector<1024x3072xf32> to vector<8x3072xf32>
    %mul3A_1280 = arith.constant 2.000000e+00 : f32
    %mul3A_1281 = vector.broadcast %mul3A_1280 : f32 to vector<8x3072xf32>
    %mul3A_1282 = arith.mulf %mul3A_1281, %slice3A_1279 : vector<8x3072xf32>
    %sub3A_1283 = arith.subf %add3A_1278, %mul3A_1282 : vector<8x3072xf32>
    %lt3A_1284 = arith.cmpf olt, %sub3A_1283, %select_n3A_1271 : vector<8x3072xf32>
    %select_n3A_1285 = arith.select %lt3A_1284, %sub3A_1283, %select_n3A_1271 : vector<8x3072xi1>, vector<8x3072xf32>
    %jit3A_1286 = arith.constant 91 : i32
    %broadcast_in_dim3A_1287 = vector.broadcast %jit3A_1286 : i32 to vector<8x3072xi32>
    %select_n3A_1288 = arith.select %lt3A_1284, %broadcast_in_dim3A_1287, %select_n3A_1274 : vector<8x3072xi1>, vector<8x3072xi32>
    %slice3A_1289 = vector.extract_strided_slice %get3A_9 {offsets = [736, 0], sizes = [8, 1], strides = [1, 1]} : vector<1024x1xf32> to vector<8x1xf32>
    %add3A_1290 = vector.broadcast %broadcast_in_dim3A : vector<1x3072xf32> to vector<8x3072xf32>
    %add3A_1291 = vector.broadcast %slice3A_1289 : vector<8x1xf32> to vector<8x3072xf32>
    %add3A_1292 = arith.addf %add3A_1290, %add3A_1291 : vector<8x3072xf32>
    %slice3A_1293 = vector.extract_strided_slice %dot_general3A_5 {offsets = [736, 0], sizes = [8, 3072], strides = [1, 1]} : vector<1024x3072xf32> to vector<8x3072xf32>
    %mul3A_1294 = arith.constant 2.000000e+00 : f32
    %mul3A_1295 = vector.broadcast %mul3A_1294 : f32 to vector<8x3072xf32>
    %mul3A_1296 = arith.mulf %mul3A_1295, %slice3A_1293 : vector<8x3072xf32>
    %sub3A_1297 = arith.subf %add3A_1292, %mul3A_1296 : vector<8x3072xf32>
    %lt3A_1298 = arith.cmpf olt, %sub3A_1297, %select_n3A_1285 : vector<8x3072xf32>
    %select_n3A_1299 = arith.select %lt3A_1298, %sub3A_1297, %select_n3A_1285 : vector<8x3072xi1>, vector<8x3072xf32>
    %jit3A_1300 = arith.constant 92 : i32
    %broadcast_in_dim3A_1301 = vector.broadcast %jit3A_1300 : i32 to vector<8x3072xi32>
    %select_n3A_1302 = arith.select %lt3A_1298, %broadcast_in_dim3A_1301, %select_n3A_1288 : vector<8x3072xi1>, vector<8x3072xi32>
    %slice3A_1303 = vector.extract_strided_slice %get3A_9 {offsets = [744, 0], sizes = [8, 1], strides = [1, 1]} : vector<1024x1xf32> to vector<8x1xf32>
    %add3A_1304 = vector.broadcast %broadcast_in_dim3A : vector<1x3072xf32> to vector<8x3072xf32>
    %add3A_1305 = vector.broadcast %slice3A_1303 : vector<8x1xf32> to vector<8x3072xf32>
    %add3A_1306 = arith.addf %add3A_1304, %add3A_1305 : vector<8x3072xf32>
    %slice3A_1307 = vector.extract_strided_slice %dot_general3A_5 {offsets = [744, 0], sizes = [8, 3072], strides = [1, 1]} : vector<1024x3072xf32> to vector<8x3072xf32>
    %mul3A_1308 = arith.constant 2.000000e+00 : f32
    %mul3A_1309 = vector.broadcast %mul3A_1308 : f32 to vector<8x3072xf32>
    %mul3A_1310 = arith.mulf %mul3A_1309, %slice3A_1307 : vector<8x3072xf32>
    %sub3A_1311 = arith.subf %add3A_1306, %mul3A_1310 : vector<8x3072xf32>
    %lt3A_1312 = arith.cmpf olt, %sub3A_1311, %select_n3A_1299 : vector<8x3072xf32>
    %select_n3A_1313 = arith.select %lt3A_1312, %sub3A_1311, %select_n3A_1299 : vector<8x3072xi1>, vector<8x3072xf32>
    %jit3A_1314 = arith.constant 93 : i32
    %broadcast_in_dim3A_1315 = vector.broadcast %jit3A_1314 : i32 to vector<8x3072xi32>
    %select_n3A_1316 = arith.select %lt3A_1312, %broadcast_in_dim3A_1315, %select_n3A_1302 : vector<8x3072xi1>, vector<8x3072xi32>
    %slice3A_1317 = vector.extract_strided_slice %get3A_9 {offsets = [752, 0], sizes = [8, 1], strides = [1, 1]} : vector<1024x1xf32> to vector<8x1xf32>
    %add3A_1318 = vector.broadcast %broadcast_in_dim3A : vector<1x3072xf32> to vector<8x3072xf32>
    %add3A_1319 = vector.broadcast %slice3A_1317 : vector<8x1xf32> to vector<8x3072xf32>
    %add3A_1320 = arith.addf %add3A_1318, %add3A_1319 : vector<8x3072xf32>
    %slice3A_1321 = vector.extract_strided_slice %dot_general3A_5 {offsets = [752, 0], sizes = [8, 3072], strides = [1, 1]} : vector<1024x3072xf32> to vector<8x3072xf32>
    %mul3A_1322 = arith.constant 2.000000e+00 : f32
    %mul3A_1323 = vector.broadcast %mul3A_1322 : f32 to vector<8x3072xf32>
    %mul3A_1324 = arith.mulf %mul3A_1323, %slice3A_1321 : vector<8x3072xf32>
    %sub3A_1325 = arith.subf %add3A_1320, %mul3A_1324 : vector<8x3072xf32>
    %lt3A_1326 = arith.cmpf olt, %sub3A_1325, %select_n3A_1313 : vector<8x3072xf32>
    %select_n3A_1327 = arith.select %lt3A_1326, %sub3A_1325, %select_n3A_1313 : vector<8x3072xi1>, vector<8x3072xf32>
    %jit3A_1328 = arith.constant 94 : i32
    %broadcast_in_dim3A_1329 = vector.broadcast %jit3A_1328 : i32 to vector<8x3072xi32>
    %select_n3A_1330 = arith.select %lt3A_1326, %broadcast_in_dim3A_1329, %select_n3A_1316 : vector<8x3072xi1>, vector<8x3072xi32>
    %slice3A_1331 = vector.extract_strided_slice %get3A_9 {offsets = [760, 0], sizes = [8, 1], strides = [1, 1]} : vector<1024x1xf32> to vector<8x1xf32>
    %add3A_1332 = vector.broadcast %broadcast_in_dim3A : vector<1x3072xf32> to vector<8x3072xf32>
    %add3A_1333 = vector.broadcast %slice3A_1331 : vector<8x1xf32> to vector<8x3072xf32>
    %add3A_1334 = arith.addf %add3A_1332, %add3A_1333 : vector<8x3072xf32>
    %slice3A_1335 = vector.extract_strided_slice %dot_general3A_5 {offsets = [760, 0], sizes = [8, 3072], strides = [1, 1]} : vector<1024x3072xf32> to vector<8x3072xf32>
    %mul3A_1336 = arith.constant 2.000000e+00 : f32
    %mul3A_1337 = vector.broadcast %mul3A_1336 : f32 to vector<8x3072xf32>
    %mul3A_1338 = arith.mulf %mul3A_1337, %slice3A_1335 : vector<8x3072xf32>
    %sub3A_1339 = arith.subf %add3A_1334, %mul3A_1338 : vector<8x3072xf32>
    %lt3A_1340 = arith.cmpf olt, %sub3A_1339, %select_n3A_1327 : vector<8x3072xf32>
    %select_n3A_1341 = arith.select %lt3A_1340, %sub3A_1339, %select_n3A_1327 : vector<8x3072xi1>, vector<8x3072xf32>
    %jit3A_1342 = arith.constant 95 : i32
    %broadcast_in_dim3A_1343 = vector.broadcast %jit3A_1342 : i32 to vector<8x3072xi32>
    %select_n3A_1344 = arith.select %lt3A_1340, %broadcast_in_dim3A_1343, %select_n3A_1330 : vector<8x3072xi1>, vector<8x3072xi32>
    %slice3A_1345 = vector.extract_strided_slice %get3A_9 {offsets = [768, 0], sizes = [8, 1], strides = [1, 1]} : vector<1024x1xf32> to vector<8x1xf32>
    %add3A_1346 = vector.broadcast %broadcast_in_dim3A : vector<1x3072xf32> to vector<8x3072xf32>
    %add3A_1347 = vector.broadcast %slice3A_1345 : vector<8x1xf32> to vector<8x3072xf32>
    %add3A_1348 = arith.addf %add3A_1346, %add3A_1347 : vector<8x3072xf32>
    %slice3A_1349 = vector.extract_strided_slice %dot_general3A_5 {offsets = [768, 0], sizes = [8, 3072], strides = [1, 1]} : vector<1024x3072xf32> to vector<8x3072xf32>
    %mul3A_1350 = arith.constant 2.000000e+00 : f32
    %mul3A_1351 = vector.broadcast %mul3A_1350 : f32 to vector<8x3072xf32>
    %mul3A_1352 = arith.mulf %mul3A_1351, %slice3A_1349 : vector<8x3072xf32>
    %sub3A_1353 = arith.subf %add3A_1348, %mul3A_1352 : vector<8x3072xf32>
    %lt3A_1354 = arith.cmpf olt, %sub3A_1353, %select_n3A_1341 : vector<8x3072xf32>
    %select_n3A_1355 = arith.select %lt3A_1354, %sub3A_1353, %select_n3A_1341 : vector<8x3072xi1>, vector<8x3072xf32>
    %jit3A_1356 = arith.constant 96 : i32
    %broadcast_in_dim3A_1357 = vector.broadcast %jit3A_1356 : i32 to vector<8x3072xi32>
    %select_n3A_1358 = arith.select %lt3A_1354, %broadcast_in_dim3A_1357, %select_n3A_1344 : vector<8x3072xi1>, vector<8x3072xi32>
    %slice3A_1359 = vector.extract_strided_slice %get3A_9 {offsets = [776, 0], sizes = [8, 1], strides = [1, 1]} : vector<1024x1xf32> to vector<8x1xf32>
    %add3A_1360 = vector.broadcast %broadcast_in_dim3A : vector<1x3072xf32> to vector<8x3072xf32>
    %add3A_1361 = vector.broadcast %slice3A_1359 : vector<8x1xf32> to vector<8x3072xf32>
    %add3A_1362 = arith.addf %add3A_1360, %add3A_1361 : vector<8x3072xf32>
    %slice3A_1363 = vector.extract_strided_slice %dot_general3A_5 {offsets = [776, 0], sizes = [8, 3072], strides = [1, 1]} : vector<1024x3072xf32> to vector<8x3072xf32>
    %mul3A_1364 = arith.constant 2.000000e+00 : f32
    %mul3A_1365 = vector.broadcast %mul3A_1364 : f32 to vector<8x3072xf32>
    %mul3A_1366 = arith.mulf %mul3A_1365, %slice3A_1363 : vector<8x3072xf32>
    %sub3A_1367 = arith.subf %add3A_1362, %mul3A_1366 : vector<8x3072xf32>
    %lt3A_1368 = arith.cmpf olt, %sub3A_1367, %select_n3A_1355 : vector<8x3072xf32>
    %select_n3A_1369 = arith.select %lt3A_1368, %sub3A_1367, %select_n3A_1355 : vector<8x3072xi1>, vector<8x3072xf32>
    %jit3A_1370 = arith.constant 97 : i32
    %broadcast_in_dim3A_1371 = vector.broadcast %jit3A_1370 : i32 to vector<8x3072xi32>
    %select_n3A_1372 = arith.select %lt3A_1368, %broadcast_in_dim3A_1371, %select_n3A_1358 : vector<8x3072xi1>, vector<8x3072xi32>
    %slice3A_1373 = vector.extract_strided_slice %get3A_9 {offsets = [784, 0], sizes = [8, 1], strides = [1, 1]} : vector<1024x1xf32> to vector<8x1xf32>
    %add3A_1374 = vector.broadcast %broadcast_in_dim3A : vector<1x3072xf32> to vector<8x3072xf32>
    %add3A_1375 = vector.broadcast %slice3A_1373 : vector<8x1xf32> to vector<8x3072xf32>
    %add3A_1376 = arith.addf %add3A_1374, %add3A_1375 : vector<8x3072xf32>
    %slice3A_1377 = vector.extract_strided_slice %dot_general3A_5 {offsets = [784, 0], sizes = [8, 3072], strides = [1, 1]} : vector<1024x3072xf32> to vector<8x3072xf32>
    %mul3A_1378 = arith.constant 2.000000e+00 : f32
    %mul3A_1379 = vector.broadcast %mul3A_1378 : f32 to vector<8x3072xf32>
    %mul3A_1380 = arith.mulf %mul3A_1379, %slice3A_1377 : vector<8x3072xf32>
    %sub3A_1381 = arith.subf %add3A_1376, %mul3A_1380 : vector<8x3072xf32>
    %lt3A_1382 = arith.cmpf olt, %sub3A_1381, %select_n3A_1369 : vector<8x3072xf32>
    %select_n3A_1383 = arith.select %lt3A_1382, %sub3A_1381, %select_n3A_1369 : vector<8x3072xi1>, vector<8x3072xf32>
    %jit3A_1384 = arith.constant 98 : i32
    %broadcast_in_dim3A_1385 = vector.broadcast %jit3A_1384 : i32 to vector<8x3072xi32>
    %select_n3A_1386 = arith.select %lt3A_1382, %broadcast_in_dim3A_1385, %select_n3A_1372 : vector<8x3072xi1>, vector<8x3072xi32>
    %slice3A_1387 = vector.extract_strided_slice %get3A_9 {offsets = [792, 0], sizes = [8, 1], strides = [1, 1]} : vector<1024x1xf32> to vector<8x1xf32>
    %add3A_1388 = vector.broadcast %broadcast_in_dim3A : vector<1x3072xf32> to vector<8x3072xf32>
    %add3A_1389 = vector.broadcast %slice3A_1387 : vector<8x1xf32> to vector<8x3072xf32>
    %add3A_1390 = arith.addf %add3A_1388, %add3A_1389 : vector<8x3072xf32>
    %slice3A_1391 = vector.extract_strided_slice %dot_general3A_5 {offsets = [792, 0], sizes = [8, 3072], strides = [1, 1]} : vector<1024x3072xf32> to vector<8x3072xf32>
    %mul3A_1392 = arith.constant 2.000000e+00 : f32
    %mul3A_1393 = vector.broadcast %mul3A_1392 : f32 to vector<8x3072xf32>
    %mul3A_1394 = arith.mulf %mul3A_1393, %slice3A_1391 : vector<8x3072xf32>
    %sub3A_1395 = arith.subf %add3A_1390, %mul3A_1394 : vector<8x3072xf32>
    %lt3A_1396 = arith.cmpf olt, %sub3A_1395, %select_n3A_1383 : vector<8x3072xf32>
    %select_n3A_1397 = arith.select %lt3A_1396, %sub3A_1395, %select_n3A_1383 : vector<8x3072xi1>, vector<8x3072xf32>
    %jit3A_1398 = arith.constant 99 : i32
    %broadcast_in_dim3A_1399 = vector.broadcast %jit3A_1398 : i32 to vector<8x3072xi32>
    %select_n3A_1400 = arith.select %lt3A_1396, %broadcast_in_dim3A_1399, %select_n3A_1386 : vector<8x3072xi1>, vector<8x3072xi32>
    %slice3A_1401 = vector.extract_strided_slice %get3A_9 {offsets = [800, 0], sizes = [8, 1], strides = [1, 1]} : vector<1024x1xf32> to vector<8x1xf32>
    %add3A_1402 = vector.broadcast %broadcast_in_dim3A : vector<1x3072xf32> to vector<8x3072xf32>
    %add3A_1403 = vector.broadcast %slice3A_1401 : vector<8x1xf32> to vector<8x3072xf32>
    %add3A_1404 = arith.addf %add3A_1402, %add3A_1403 : vector<8x3072xf32>
    %slice3A_1405 = vector.extract_strided_slice %dot_general3A_5 {offsets = [800, 0], sizes = [8, 3072], strides = [1, 1]} : vector<1024x3072xf32> to vector<8x3072xf32>
    %mul3A_1406 = arith.constant 2.000000e+00 : f32
    %mul3A_1407 = vector.broadcast %mul3A_1406 : f32 to vector<8x3072xf32>
    %mul3A_1408 = arith.mulf %mul3A_1407, %slice3A_1405 : vector<8x3072xf32>
    %sub3A_1409 = arith.subf %add3A_1404, %mul3A_1408 : vector<8x3072xf32>
    %lt3A_1410 = arith.cmpf olt, %sub3A_1409, %select_n3A_1397 : vector<8x3072xf32>
    %select_n3A_1411 = arith.select %lt3A_1410, %sub3A_1409, %select_n3A_1397 : vector<8x3072xi1>, vector<8x3072xf32>
    %jit3A_1412 = arith.constant 100 : i32
    %broadcast_in_dim3A_1413 = vector.broadcast %jit3A_1412 : i32 to vector<8x3072xi32>
    %select_n3A_1414 = arith.select %lt3A_1410, %broadcast_in_dim3A_1413, %select_n3A_1400 : vector<8x3072xi1>, vector<8x3072xi32>
    %slice3A_1415 = vector.extract_strided_slice %get3A_9 {offsets = [808, 0], sizes = [8, 1], strides = [1, 1]} : vector<1024x1xf32> to vector<8x1xf32>
    %add3A_1416 = vector.broadcast %broadcast_in_dim3A : vector<1x3072xf32> to vector<8x3072xf32>
    %add3A_1417 = vector.broadcast %slice3A_1415 : vector<8x1xf32> to vector<8x3072xf32>
    %add3A_1418 = arith.addf %add3A_1416, %add3A_1417 : vector<8x3072xf32>
    %slice3A_1419 = vector.extract_strided_slice %dot_general3A_5 {offsets = [808, 0], sizes = [8, 3072], strides = [1, 1]} : vector<1024x3072xf32> to vector<8x3072xf32>
    %mul3A_1420 = arith.constant 2.000000e+00 : f32
    %mul3A_1421 = vector.broadcast %mul3A_1420 : f32 to vector<8x3072xf32>
    %mul3A_1422 = arith.mulf %mul3A_1421, %slice3A_1419 : vector<8x3072xf32>
    %sub3A_1423 = arith.subf %add3A_1418, %mul3A_1422 : vector<8x3072xf32>
    %lt3A_1424 = arith.cmpf olt, %sub3A_1423, %select_n3A_1411 : vector<8x3072xf32>
    %select_n3A_1425 = arith.select %lt3A_1424, %sub3A_1423, %select_n3A_1411 : vector<8x3072xi1>, vector<8x3072xf32>
    %jit3A_1426 = arith.constant 101 : i32
    %broadcast_in_dim3A_1427 = vector.broadcast %jit3A_1426 : i32 to vector<8x3072xi32>
    %select_n3A_1428 = arith.select %lt3A_1424, %broadcast_in_dim3A_1427, %select_n3A_1414 : vector<8x3072xi1>, vector<8x3072xi32>
    %slice3A_1429 = vector.extract_strided_slice %get3A_9 {offsets = [816, 0], sizes = [8, 1], strides = [1, 1]} : vector<1024x1xf32> to vector<8x1xf32>
    %add3A_1430 = vector.broadcast %broadcast_in_dim3A : vector<1x3072xf32> to vector<8x3072xf32>
    %add3A_1431 = vector.broadcast %slice3A_1429 : vector<8x1xf32> to vector<8x3072xf32>
    %add3A_1432 = arith.addf %add3A_1430, %add3A_1431 : vector<8x3072xf32>
    %slice3A_1433 = vector.extract_strided_slice %dot_general3A_5 {offsets = [816, 0], sizes = [8, 3072], strides = [1, 1]} : vector<1024x3072xf32> to vector<8x3072xf32>
    %mul3A_1434 = arith.constant 2.000000e+00 : f32
    %mul3A_1435 = vector.broadcast %mul3A_1434 : f32 to vector<8x3072xf32>
    %mul3A_1436 = arith.mulf %mul3A_1435, %slice3A_1433 : vector<8x3072xf32>
    %sub3A_1437 = arith.subf %add3A_1432, %mul3A_1436 : vector<8x3072xf32>
    %lt3A_1438 = arith.cmpf olt, %sub3A_1437, %select_n3A_1425 : vector<8x3072xf32>
    %select_n3A_1439 = arith.select %lt3A_1438, %sub3A_1437, %select_n3A_1425 : vector<8x3072xi1>, vector<8x3072xf32>
    %jit3A_1440 = arith.constant 102 : i32
    %broadcast_in_dim3A_1441 = vector.broadcast %jit3A_1440 : i32 to vector<8x3072xi32>
    %select_n3A_1442 = arith.select %lt3A_1438, %broadcast_in_dim3A_1441, %select_n3A_1428 : vector<8x3072xi1>, vector<8x3072xi32>
    %slice3A_1443 = vector.extract_strided_slice %get3A_9 {offsets = [824, 0], sizes = [8, 1], strides = [1, 1]} : vector<1024x1xf32> to vector<8x1xf32>
    %add3A_1444 = vector.broadcast %broadcast_in_dim3A : vector<1x3072xf32> to vector<8x3072xf32>
    %add3A_1445 = vector.broadcast %slice3A_1443 : vector<8x1xf32> to vector<8x3072xf32>
    %add3A_1446 = arith.addf %add3A_1444, %add3A_1445 : vector<8x3072xf32>
    %slice3A_1447 = vector.extract_strided_slice %dot_general3A_5 {offsets = [824, 0], sizes = [8, 3072], strides = [1, 1]} : vector<1024x3072xf32> to vector<8x3072xf32>
    %mul3A_1448 = arith.constant 2.000000e+00 : f32
    %mul3A_1449 = vector.broadcast %mul3A_1448 : f32 to vector<8x3072xf32>
    %mul3A_1450 = arith.mulf %mul3A_1449, %slice3A_1447 : vector<8x3072xf32>
    %sub3A_1451 = arith.subf %add3A_1446, %mul3A_1450 : vector<8x3072xf32>
    %lt3A_1452 = arith.cmpf olt, %sub3A_1451, %select_n3A_1439 : vector<8x3072xf32>
    %select_n3A_1453 = arith.select %lt3A_1452, %sub3A_1451, %select_n3A_1439 : vector<8x3072xi1>, vector<8x3072xf32>
    %jit3A_1454 = arith.constant 103 : i32
    %broadcast_in_dim3A_1455 = vector.broadcast %jit3A_1454 : i32 to vector<8x3072xi32>
    %select_n3A_1456 = arith.select %lt3A_1452, %broadcast_in_dim3A_1455, %select_n3A_1442 : vector<8x3072xi1>, vector<8x3072xi32>
    %slice3A_1457 = vector.extract_strided_slice %get3A_9 {offsets = [832, 0], sizes = [8, 1], strides = [1, 1]} : vector<1024x1xf32> to vector<8x1xf32>
    %add3A_1458 = vector.broadcast %broadcast_in_dim3A : vector<1x3072xf32> to vector<8x3072xf32>
    %add3A_1459 = vector.broadcast %slice3A_1457 : vector<8x1xf32> to vector<8x3072xf32>
    %add3A_1460 = arith.addf %add3A_1458, %add3A_1459 : vector<8x3072xf32>
    %slice3A_1461 = vector.extract_strided_slice %dot_general3A_5 {offsets = [832, 0], sizes = [8, 3072], strides = [1, 1]} : vector<1024x3072xf32> to vector<8x3072xf32>
    %mul3A_1462 = arith.constant 2.000000e+00 : f32
    %mul3A_1463 = vector.broadcast %mul3A_1462 : f32 to vector<8x3072xf32>
    %mul3A_1464 = arith.mulf %mul3A_1463, %slice3A_1461 : vector<8x3072xf32>
    %sub3A_1465 = arith.subf %add3A_1460, %mul3A_1464 : vector<8x3072xf32>
    %lt3A_1466 = arith.cmpf olt, %sub3A_1465, %select_n3A_1453 : vector<8x3072xf32>
    %select_n3A_1467 = arith.select %lt3A_1466, %sub3A_1465, %select_n3A_1453 : vector<8x3072xi1>, vector<8x3072xf32>
    %jit3A_1468 = arith.constant 104 : i32
    %broadcast_in_dim3A_1469 = vector.broadcast %jit3A_1468 : i32 to vector<8x3072xi32>
    %select_n3A_1470 = arith.select %lt3A_1466, %broadcast_in_dim3A_1469, %select_n3A_1456 : vector<8x3072xi1>, vector<8x3072xi32>
    %slice3A_1471 = vector.extract_strided_slice %get3A_9 {offsets = [840, 0], sizes = [8, 1], strides = [1, 1]} : vector<1024x1xf32> to vector<8x1xf32>
    %add3A_1472 = vector.broadcast %broadcast_in_dim3A : vector<1x3072xf32> to vector<8x3072xf32>
    %add3A_1473 = vector.broadcast %slice3A_1471 : vector<8x1xf32> to vector<8x3072xf32>
    %add3A_1474 = arith.addf %add3A_1472, %add3A_1473 : vector<8x3072xf32>
    %slice3A_1475 = vector.extract_strided_slice %dot_general3A_5 {offsets = [840, 0], sizes = [8, 3072], strides = [1, 1]} : vector<1024x3072xf32> to vector<8x3072xf32>
    %mul3A_1476 = arith.constant 2.000000e+00 : f32
    %mul3A_1477 = vector.broadcast %mul3A_1476 : f32 to vector<8x3072xf32>
    %mul3A_1478 = arith.mulf %mul3A_1477, %slice3A_1475 : vector<8x3072xf32>
    %sub3A_1479 = arith.subf %add3A_1474, %mul3A_1478 : vector<8x3072xf32>
    %lt3A_1480 = arith.cmpf olt, %sub3A_1479, %select_n3A_1467 : vector<8x3072xf32>
    %select_n3A_1481 = arith.select %lt3A_1480, %sub3A_1479, %select_n3A_1467 : vector<8x3072xi1>, vector<8x3072xf32>
    %jit3A_1482 = arith.constant 105 : i32
    %broadcast_in_dim3A_1483 = vector.broadcast %jit3A_1482 : i32 to vector<8x3072xi32>
    %select_n3A_1484 = arith.select %lt3A_1480, %broadcast_in_dim3A_1483, %select_n3A_1470 : vector<8x3072xi1>, vector<8x3072xi32>
    %slice3A_1485 = vector.extract_strided_slice %get3A_9 {offsets = [848, 0], sizes = [8, 1], strides = [1, 1]} : vector<1024x1xf32> to vector<8x1xf32>
    %add3A_1486 = vector.broadcast %broadcast_in_dim3A : vector<1x3072xf32> to vector<8x3072xf32>
    %add3A_1487 = vector.broadcast %slice3A_1485 : vector<8x1xf32> to vector<8x3072xf32>
    %add3A_1488 = arith.addf %add3A_1486, %add3A_1487 : vector<8x3072xf32>
    %slice3A_1489 = vector.extract_strided_slice %dot_general3A_5 {offsets = [848, 0], sizes = [8, 3072], strides = [1, 1]} : vector<1024x3072xf32> to vector<8x3072xf32>
    %mul3A_1490 = arith.constant 2.000000e+00 : f32
    %mul3A_1491 = vector.broadcast %mul3A_1490 : f32 to vector<8x3072xf32>
    %mul3A_1492 = arith.mulf %mul3A_1491, %slice3A_1489 : vector<8x3072xf32>
    %sub3A_1493 = arith.subf %add3A_1488, %mul3A_1492 : vector<8x3072xf32>
    %lt3A_1494 = arith.cmpf olt, %sub3A_1493, %select_n3A_1481 : vector<8x3072xf32>
    %select_n3A_1495 = arith.select %lt3A_1494, %sub3A_1493, %select_n3A_1481 : vector<8x3072xi1>, vector<8x3072xf32>
    %jit3A_1496 = arith.constant 106 : i32
    %broadcast_in_dim3A_1497 = vector.broadcast %jit3A_1496 : i32 to vector<8x3072xi32>
    %select_n3A_1498 = arith.select %lt3A_1494, %broadcast_in_dim3A_1497, %select_n3A_1484 : vector<8x3072xi1>, vector<8x3072xi32>
    %slice3A_1499 = vector.extract_strided_slice %get3A_9 {offsets = [856, 0], sizes = [8, 1], strides = [1, 1]} : vector<1024x1xf32> to vector<8x1xf32>
    %add3A_1500 = vector.broadcast %broadcast_in_dim3A : vector<1x3072xf32> to vector<8x3072xf32>
    %add3A_1501 = vector.broadcast %slice3A_1499 : vector<8x1xf32> to vector<8x3072xf32>
    %add3A_1502 = arith.addf %add3A_1500, %add3A_1501 : vector<8x3072xf32>
    %slice3A_1503 = vector.extract_strided_slice %dot_general3A_5 {offsets = [856, 0], sizes = [8, 3072], strides = [1, 1]} : vector<1024x3072xf32> to vector<8x3072xf32>
    %mul3A_1504 = arith.constant 2.000000e+00 : f32
    %mul3A_1505 = vector.broadcast %mul3A_1504 : f32 to vector<8x3072xf32>
    %mul3A_1506 = arith.mulf %mul3A_1505, %slice3A_1503 : vector<8x3072xf32>
    %sub3A_1507 = arith.subf %add3A_1502, %mul3A_1506 : vector<8x3072xf32>
    %lt3A_1508 = arith.cmpf olt, %sub3A_1507, %select_n3A_1495 : vector<8x3072xf32>
    %select_n3A_1509 = arith.select %lt3A_1508, %sub3A_1507, %select_n3A_1495 : vector<8x3072xi1>, vector<8x3072xf32>
    %jit3A_1510 = arith.constant 107 : i32
    %broadcast_in_dim3A_1511 = vector.broadcast %jit3A_1510 : i32 to vector<8x3072xi32>
    %select_n3A_1512 = arith.select %lt3A_1508, %broadcast_in_dim3A_1511, %select_n3A_1498 : vector<8x3072xi1>, vector<8x3072xi32>
    %slice3A_1513 = vector.extract_strided_slice %get3A_9 {offsets = [864, 0], sizes = [8, 1], strides = [1, 1]} : vector<1024x1xf32> to vector<8x1xf32>
    %add3A_1514 = vector.broadcast %broadcast_in_dim3A : vector<1x3072xf32> to vector<8x3072xf32>
    %add3A_1515 = vector.broadcast %slice3A_1513 : vector<8x1xf32> to vector<8x3072xf32>
    %add3A_1516 = arith.addf %add3A_1514, %add3A_1515 : vector<8x3072xf32>
    %slice3A_1517 = vector.extract_strided_slice %dot_general3A_5 {offsets = [864, 0], sizes = [8, 3072], strides = [1, 1]} : vector<1024x3072xf32> to vector<8x3072xf32>
    %mul3A_1518 = arith.constant 2.000000e+00 : f32
    %mul3A_1519 = vector.broadcast %mul3A_1518 : f32 to vector<8x3072xf32>
    %mul3A_1520 = arith.mulf %mul3A_1519, %slice3A_1517 : vector<8x3072xf32>
    %sub3A_1521 = arith.subf %add3A_1516, %mul3A_1520 : vector<8x3072xf32>
    %lt3A_1522 = arith.cmpf olt, %sub3A_1521, %select_n3A_1509 : vector<8x3072xf32>
    %select_n3A_1523 = arith.select %lt3A_1522, %sub3A_1521, %select_n3A_1509 : vector<8x3072xi1>, vector<8x3072xf32>
    %jit3A_1524 = arith.constant 108 : i32
    %broadcast_in_dim3A_1525 = vector.broadcast %jit3A_1524 : i32 to vector<8x3072xi32>
    %select_n3A_1526 = arith.select %lt3A_1522, %broadcast_in_dim3A_1525, %select_n3A_1512 : vector<8x3072xi1>, vector<8x3072xi32>
    %slice3A_1527 = vector.extract_strided_slice %get3A_9 {offsets = [872, 0], sizes = [8, 1], strides = [1, 1]} : vector<1024x1xf32> to vector<8x1xf32>
    %add3A_1528 = vector.broadcast %broadcast_in_dim3A : vector<1x3072xf32> to vector<8x3072xf32>
    %add3A_1529 = vector.broadcast %slice3A_1527 : vector<8x1xf32> to vector<8x3072xf32>
    %add3A_1530 = arith.addf %add3A_1528, %add3A_1529 : vector<8x3072xf32>
    %slice3A_1531 = vector.extract_strided_slice %dot_general3A_5 {offsets = [872, 0], sizes = [8, 3072], strides = [1, 1]} : vector<1024x3072xf32> to vector<8x3072xf32>
    %mul3A_1532 = arith.constant 2.000000e+00 : f32
    %mul3A_1533 = vector.broadcast %mul3A_1532 : f32 to vector<8x3072xf32>
    %mul3A_1534 = arith.mulf %mul3A_1533, %slice3A_1531 : vector<8x3072xf32>
    %sub3A_1535 = arith.subf %add3A_1530, %mul3A_1534 : vector<8x3072xf32>
    %lt3A_1536 = arith.cmpf olt, %sub3A_1535, %select_n3A_1523 : vector<8x3072xf32>
    %select_n3A_1537 = arith.select %lt3A_1536, %sub3A_1535, %select_n3A_1523 : vector<8x3072xi1>, vector<8x3072xf32>
    %jit3A_1538 = arith.constant 109 : i32
    %broadcast_in_dim3A_1539 = vector.broadcast %jit3A_1538 : i32 to vector<8x3072xi32>
    %select_n3A_1540 = arith.select %lt3A_1536, %broadcast_in_dim3A_1539, %select_n3A_1526 : vector<8x3072xi1>, vector<8x3072xi32>
    %slice3A_1541 = vector.extract_strided_slice %get3A_9 {offsets = [880, 0], sizes = [8, 1], strides = [1, 1]} : vector<1024x1xf32> to vector<8x1xf32>
    %add3A_1542 = vector.broadcast %broadcast_in_dim3A : vector<1x3072xf32> to vector<8x3072xf32>
    %add3A_1543 = vector.broadcast %slice3A_1541 : vector<8x1xf32> to vector<8x3072xf32>
    %add3A_1544 = arith.addf %add3A_1542, %add3A_1543 : vector<8x3072xf32>
    %slice3A_1545 = vector.extract_strided_slice %dot_general3A_5 {offsets = [880, 0], sizes = [8, 3072], strides = [1, 1]} : vector<1024x3072xf32> to vector<8x3072xf32>
    %mul3A_1546 = arith.constant 2.000000e+00 : f32
    %mul3A_1547 = vector.broadcast %mul3A_1546 : f32 to vector<8x3072xf32>
    %mul3A_1548 = arith.mulf %mul3A_1547, %slice3A_1545 : vector<8x3072xf32>
    %sub3A_1549 = arith.subf %add3A_1544, %mul3A_1548 : vector<8x3072xf32>
    %lt3A_1550 = arith.cmpf olt, %sub3A_1549, %select_n3A_1537 : vector<8x3072xf32>
    %select_n3A_1551 = arith.select %lt3A_1550, %sub3A_1549, %select_n3A_1537 : vector<8x3072xi1>, vector<8x3072xf32>
    %jit3A_1552 = arith.constant 110 : i32
    %broadcast_in_dim3A_1553 = vector.broadcast %jit3A_1552 : i32 to vector<8x3072xi32>
    %select_n3A_1554 = arith.select %lt3A_1550, %broadcast_in_dim3A_1553, %select_n3A_1540 : vector<8x3072xi1>, vector<8x3072xi32>
    %slice3A_1555 = vector.extract_strided_slice %get3A_9 {offsets = [888, 0], sizes = [8, 1], strides = [1, 1]} : vector<1024x1xf32> to vector<8x1xf32>
    %add3A_1556 = vector.broadcast %broadcast_in_dim3A : vector<1x3072xf32> to vector<8x3072xf32>
    %add3A_1557 = vector.broadcast %slice3A_1555 : vector<8x1xf32> to vector<8x3072xf32>
    %add3A_1558 = arith.addf %add3A_1556, %add3A_1557 : vector<8x3072xf32>
    %slice3A_1559 = vector.extract_strided_slice %dot_general3A_5 {offsets = [888, 0], sizes = [8, 3072], strides = [1, 1]} : vector<1024x3072xf32> to vector<8x3072xf32>
    %mul3A_1560 = arith.constant 2.000000e+00 : f32
    %mul3A_1561 = vector.broadcast %mul3A_1560 : f32 to vector<8x3072xf32>
    %mul3A_1562 = arith.mulf %mul3A_1561, %slice3A_1559 : vector<8x3072xf32>
    %sub3A_1563 = arith.subf %add3A_1558, %mul3A_1562 : vector<8x3072xf32>
    %lt3A_1564 = arith.cmpf olt, %sub3A_1563, %select_n3A_1551 : vector<8x3072xf32>
    %select_n3A_1565 = arith.select %lt3A_1564, %sub3A_1563, %select_n3A_1551 : vector<8x3072xi1>, vector<8x3072xf32>
    %jit3A_1566 = arith.constant 111 : i32
    %broadcast_in_dim3A_1567 = vector.broadcast %jit3A_1566 : i32 to vector<8x3072xi32>
    %select_n3A_1568 = arith.select %lt3A_1564, %broadcast_in_dim3A_1567, %select_n3A_1554 : vector<8x3072xi1>, vector<8x3072xi32>
    %slice3A_1569 = vector.extract_strided_slice %get3A_9 {offsets = [896, 0], sizes = [8, 1], strides = [1, 1]} : vector<1024x1xf32> to vector<8x1xf32>
    %add3A_1570 = vector.broadcast %broadcast_in_dim3A : vector<1x3072xf32> to vector<8x3072xf32>
    %add3A_1571 = vector.broadcast %slice3A_1569 : vector<8x1xf32> to vector<8x3072xf32>
    %add3A_1572 = arith.addf %add3A_1570, %add3A_1571 : vector<8x3072xf32>
    %slice3A_1573 = vector.extract_strided_slice %dot_general3A_5 {offsets = [896, 0], sizes = [8, 3072], strides = [1, 1]} : vector<1024x3072xf32> to vector<8x3072xf32>
    %mul3A_1574 = arith.constant 2.000000e+00 : f32
    %mul3A_1575 = vector.broadcast %mul3A_1574 : f32 to vector<8x3072xf32>
    %mul3A_1576 = arith.mulf %mul3A_1575, %slice3A_1573 : vector<8x3072xf32>
    %sub3A_1577 = arith.subf %add3A_1572, %mul3A_1576 : vector<8x3072xf32>
    %lt3A_1578 = arith.cmpf olt, %sub3A_1577, %select_n3A_1565 : vector<8x3072xf32>
    %select_n3A_1579 = arith.select %lt3A_1578, %sub3A_1577, %select_n3A_1565 : vector<8x3072xi1>, vector<8x3072xf32>
    %jit3A_1580 = arith.constant 112 : i32
    %broadcast_in_dim3A_1581 = vector.broadcast %jit3A_1580 : i32 to vector<8x3072xi32>
    %select_n3A_1582 = arith.select %lt3A_1578, %broadcast_in_dim3A_1581, %select_n3A_1568 : vector<8x3072xi1>, vector<8x3072xi32>
    %slice3A_1583 = vector.extract_strided_slice %get3A_9 {offsets = [904, 0], sizes = [8, 1], strides = [1, 1]} : vector<1024x1xf32> to vector<8x1xf32>
    %add3A_1584 = vector.broadcast %broadcast_in_dim3A : vector<1x3072xf32> to vector<8x3072xf32>
    %add3A_1585 = vector.broadcast %slice3A_1583 : vector<8x1xf32> to vector<8x3072xf32>
    %add3A_1586 = arith.addf %add3A_1584, %add3A_1585 : vector<8x3072xf32>
    %slice3A_1587 = vector.extract_strided_slice %dot_general3A_5 {offsets = [904, 0], sizes = [8, 3072], strides = [1, 1]} : vector<1024x3072xf32> to vector<8x3072xf32>
    %mul3A_1588 = arith.constant 2.000000e+00 : f32
    %mul3A_1589 = vector.broadcast %mul3A_1588 : f32 to vector<8x3072xf32>
    %mul3A_1590 = arith.mulf %mul3A_1589, %slice3A_1587 : vector<8x3072xf32>
    %sub3A_1591 = arith.subf %add3A_1586, %mul3A_1590 : vector<8x3072xf32>
    %lt3A_1592 = arith.cmpf olt, %sub3A_1591, %select_n3A_1579 : vector<8x3072xf32>
    %select_n3A_1593 = arith.select %lt3A_1592, %sub3A_1591, %select_n3A_1579 : vector<8x3072xi1>, vector<8x3072xf32>
    %jit3A_1594 = arith.constant 113 : i32
    %broadcast_in_dim3A_1595 = vector.broadcast %jit3A_1594 : i32 to vector<8x3072xi32>
    %select_n3A_1596 = arith.select %lt3A_1592, %broadcast_in_dim3A_1595, %select_n3A_1582 : vector<8x3072xi1>, vector<8x3072xi32>
    %slice3A_1597 = vector.extract_strided_slice %get3A_9 {offsets = [912, 0], sizes = [8, 1], strides = [1, 1]} : vector<1024x1xf32> to vector<8x1xf32>
    %add3A_1598 = vector.broadcast %broadcast_in_dim3A : vector<1x3072xf32> to vector<8x3072xf32>
    %add3A_1599 = vector.broadcast %slice3A_1597 : vector<8x1xf32> to vector<8x3072xf32>
    %add3A_1600 = arith.addf %add3A_1598, %add3A_1599 : vector<8x3072xf32>
    %slice3A_1601 = vector.extract_strided_slice %dot_general3A_5 {offsets = [912, 0], sizes = [8, 3072], strides = [1, 1]} : vector<1024x3072xf32> to vector<8x3072xf32>
    %mul3A_1602 = arith.constant 2.000000e+00 : f32
    %mul3A_1603 = vector.broadcast %mul3A_1602 : f32 to vector<8x3072xf32>
    %mul3A_1604 = arith.mulf %mul3A_1603, %slice3A_1601 : vector<8x3072xf32>
    %sub3A_1605 = arith.subf %add3A_1600, %mul3A_1604 : vector<8x3072xf32>
    %lt3A_1606 = arith.cmpf olt, %sub3A_1605, %select_n3A_1593 : vector<8x3072xf32>
    %select_n3A_1607 = arith.select %lt3A_1606, %sub3A_1605, %select_n3A_1593 : vector<8x3072xi1>, vector<8x3072xf32>
    %jit3A_1608 = arith.constant 114 : i32
    %broadcast_in_dim3A_1609 = vector.broadcast %jit3A_1608 : i32 to vector<8x3072xi32>
    %select_n3A_1610 = arith.select %lt3A_1606, %broadcast_in_dim3A_1609, %select_n3A_1596 : vector<8x3072xi1>, vector<8x3072xi32>
    %slice3A_1611 = vector.extract_strided_slice %get3A_9 {offsets = [920, 0], sizes = [8, 1], strides = [1, 1]} : vector<1024x1xf32> to vector<8x1xf32>
    %add3A_1612 = vector.broadcast %broadcast_in_dim3A : vector<1x3072xf32> to vector<8x3072xf32>
    %add3A_1613 = vector.broadcast %slice3A_1611 : vector<8x1xf32> to vector<8x3072xf32>
    %add3A_1614 = arith.addf %add3A_1612, %add3A_1613 : vector<8x3072xf32>
    %slice3A_1615 = vector.extract_strided_slice %dot_general3A_5 {offsets = [920, 0], sizes = [8, 3072], strides = [1, 1]} : vector<1024x3072xf32> to vector<8x3072xf32>
    %mul3A_1616 = arith.constant 2.000000e+00 : f32
    %mul3A_1617 = vector.broadcast %mul3A_1616 : f32 to vector<8x3072xf32>
    %mul3A_1618 = arith.mulf %mul3A_1617, %slice3A_1615 : vector<8x3072xf32>
    %sub3A_1619 = arith.subf %add3A_1614, %mul3A_1618 : vector<8x3072xf32>
    %lt3A_1620 = arith.cmpf olt, %sub3A_1619, %select_n3A_1607 : vector<8x3072xf32>
    %select_n3A_1621 = arith.select %lt3A_1620, %sub3A_1619, %select_n3A_1607 : vector<8x3072xi1>, vector<8x3072xf32>
    %jit3A_1622 = arith.constant 115 : i32
    %broadcast_in_dim3A_1623 = vector.broadcast %jit3A_1622 : i32 to vector<8x3072xi32>
    %select_n3A_1624 = arith.select %lt3A_1620, %broadcast_in_dim3A_1623, %select_n3A_1610 : vector<8x3072xi1>, vector<8x3072xi32>
    %slice3A_1625 = vector.extract_strided_slice %get3A_9 {offsets = [928, 0], sizes = [8, 1], strides = [1, 1]} : vector<1024x1xf32> to vector<8x1xf32>
    %add3A_1626 = vector.broadcast %broadcast_in_dim3A : vector<1x3072xf32> to vector<8x3072xf32>
    %add3A_1627 = vector.broadcast %slice3A_1625 : vector<8x1xf32> to vector<8x3072xf32>
    %add3A_1628 = arith.addf %add3A_1626, %add3A_1627 : vector<8x3072xf32>
    %slice3A_1629 = vector.extract_strided_slice %dot_general3A_5 {offsets = [928, 0], sizes = [8, 3072], strides = [1, 1]} : vector<1024x3072xf32> to vector<8x3072xf32>
    %mul3A_1630 = arith.constant 2.000000e+00 : f32
    %mul3A_1631 = vector.broadcast %mul3A_1630 : f32 to vector<8x3072xf32>
    %mul3A_1632 = arith.mulf %mul3A_1631, %slice3A_1629 : vector<8x3072xf32>
    %sub3A_1633 = arith.subf %add3A_1628, %mul3A_1632 : vector<8x3072xf32>
    %lt3A_1634 = arith.cmpf olt, %sub3A_1633, %select_n3A_1621 : vector<8x3072xf32>
    %select_n3A_1635 = arith.select %lt3A_1634, %sub3A_1633, %select_n3A_1621 : vector<8x3072xi1>, vector<8x3072xf32>
    %jit3A_1636 = arith.constant 116 : i32
    %broadcast_in_dim3A_1637 = vector.broadcast %jit3A_1636 : i32 to vector<8x3072xi32>
    %select_n3A_1638 = arith.select %lt3A_1634, %broadcast_in_dim3A_1637, %select_n3A_1624 : vector<8x3072xi1>, vector<8x3072xi32>
    %slice3A_1639 = vector.extract_strided_slice %get3A_9 {offsets = [936, 0], sizes = [8, 1], strides = [1, 1]} : vector<1024x1xf32> to vector<8x1xf32>
    %add3A_1640 = vector.broadcast %broadcast_in_dim3A : vector<1x3072xf32> to vector<8x3072xf32>
    %add3A_1641 = vector.broadcast %slice3A_1639 : vector<8x1xf32> to vector<8x3072xf32>
    %add3A_1642 = arith.addf %add3A_1640, %add3A_1641 : vector<8x3072xf32>
    %slice3A_1643 = vector.extract_strided_slice %dot_general3A_5 {offsets = [936, 0], sizes = [8, 3072], strides = [1, 1]} : vector<1024x3072xf32> to vector<8x3072xf32>
    %mul3A_1644 = arith.constant 2.000000e+00 : f32
    %mul3A_1645 = vector.broadcast %mul3A_1644 : f32 to vector<8x3072xf32>
    %mul3A_1646 = arith.mulf %mul3A_1645, %slice3A_1643 : vector<8x3072xf32>
    %sub3A_1647 = arith.subf %add3A_1642, %mul3A_1646 : vector<8x3072xf32>
    %lt3A_1648 = arith.cmpf olt, %sub3A_1647, %select_n3A_1635 : vector<8x3072xf32>
    %select_n3A_1649 = arith.select %lt3A_1648, %sub3A_1647, %select_n3A_1635 : vector<8x3072xi1>, vector<8x3072xf32>
    %jit3A_1650 = arith.constant 117 : i32
    %broadcast_in_dim3A_1651 = vector.broadcast %jit3A_1650 : i32 to vector<8x3072xi32>
    %select_n3A_1652 = arith.select %lt3A_1648, %broadcast_in_dim3A_1651, %select_n3A_1638 : vector<8x3072xi1>, vector<8x3072xi32>
    %slice3A_1653 = vector.extract_strided_slice %get3A_9 {offsets = [944, 0], sizes = [8, 1], strides = [1, 1]} : vector<1024x1xf32> to vector<8x1xf32>
    %add3A_1654 = vector.broadcast %broadcast_in_dim3A : vector<1x3072xf32> to vector<8x3072xf32>
    %add3A_1655 = vector.broadcast %slice3A_1653 : vector<8x1xf32> to vector<8x3072xf32>
    %add3A_1656 = arith.addf %add3A_1654, %add3A_1655 : vector<8x3072xf32>
    %slice3A_1657 = vector.extract_strided_slice %dot_general3A_5 {offsets = [944, 0], sizes = [8, 3072], strides = [1, 1]} : vector<1024x3072xf32> to vector<8x3072xf32>
    %mul3A_1658 = arith.constant 2.000000e+00 : f32
    %mul3A_1659 = vector.broadcast %mul3A_1658 : f32 to vector<8x3072xf32>
    %mul3A_1660 = arith.mulf %mul3A_1659, %slice3A_1657 : vector<8x3072xf32>
    %sub3A_1661 = arith.subf %add3A_1656, %mul3A_1660 : vector<8x3072xf32>
    %lt3A_1662 = arith.cmpf olt, %sub3A_1661, %select_n3A_1649 : vector<8x3072xf32>
    %select_n3A_1663 = arith.select %lt3A_1662, %sub3A_1661, %select_n3A_1649 : vector<8x3072xi1>, vector<8x3072xf32>
    %jit3A_1664 = arith.constant 118 : i32
    %broadcast_in_dim3A_1665 = vector.broadcast %jit3A_1664 : i32 to vector<8x3072xi32>
    %select_n3A_1666 = arith.select %lt3A_1662, %broadcast_in_dim3A_1665, %select_n3A_1652 : vector<8x3072xi1>, vector<8x3072xi32>
    %slice3A_1667 = vector.extract_strided_slice %get3A_9 {offsets = [952, 0], sizes = [8, 1], strides = [1, 1]} : vector<1024x1xf32> to vector<8x1xf32>
    %add3A_1668 = vector.broadcast %broadcast_in_dim3A : vector<1x3072xf32> to vector<8x3072xf32>
    %add3A_1669 = vector.broadcast %slice3A_1667 : vector<8x1xf32> to vector<8x3072xf32>
    %add3A_1670 = arith.addf %add3A_1668, %add3A_1669 : vector<8x3072xf32>
    %slice3A_1671 = vector.extract_strided_slice %dot_general3A_5 {offsets = [952, 0], sizes = [8, 3072], strides = [1, 1]} : vector<1024x3072xf32> to vector<8x3072xf32>
    %mul3A_1672 = arith.constant 2.000000e+00 : f32
    %mul3A_1673 = vector.broadcast %mul3A_1672 : f32 to vector<8x3072xf32>
    %mul3A_1674 = arith.mulf %mul3A_1673, %slice3A_1671 : vector<8x3072xf32>
    %sub3A_1675 = arith.subf %add3A_1670, %mul3A_1674 : vector<8x3072xf32>
    %lt3A_1676 = arith.cmpf olt, %sub3A_1675, %select_n3A_1663 : vector<8x3072xf32>
    %select_n3A_1677 = arith.select %lt3A_1676, %sub3A_1675, %select_n3A_1663 : vector<8x3072xi1>, vector<8x3072xf32>
    %jit3A_1678 = arith.constant 119 : i32
    %broadcast_in_dim3A_1679 = vector.broadcast %jit3A_1678 : i32 to vector<8x3072xi32>
    %select_n3A_1680 = arith.select %lt3A_1676, %broadcast_in_dim3A_1679, %select_n3A_1666 : vector<8x3072xi1>, vector<8x3072xi32>
    %slice3A_1681 = vector.extract_strided_slice %get3A_9 {offsets = [960, 0], sizes = [8, 1], strides = [1, 1]} : vector<1024x1xf32> to vector<8x1xf32>
    %add3A_1682 = vector.broadcast %broadcast_in_dim3A : vector<1x3072xf32> to vector<8x3072xf32>
    %add3A_1683 = vector.broadcast %slice3A_1681 : vector<8x1xf32> to vector<8x3072xf32>
    %add3A_1684 = arith.addf %add3A_1682, %add3A_1683 : vector<8x3072xf32>
    %slice3A_1685 = vector.extract_strided_slice %dot_general3A_5 {offsets = [960, 0], sizes = [8, 3072], strides = [1, 1]} : vector<1024x3072xf32> to vector<8x3072xf32>
    %mul3A_1686 = arith.constant 2.000000e+00 : f32
    %mul3A_1687 = vector.broadcast %mul3A_1686 : f32 to vector<8x3072xf32>
    %mul3A_1688 = arith.mulf %mul3A_1687, %slice3A_1685 : vector<8x3072xf32>
    %sub3A_1689 = arith.subf %add3A_1684, %mul3A_1688 : vector<8x3072xf32>
    %lt3A_1690 = arith.cmpf olt, %sub3A_1689, %select_n3A_1677 : vector<8x3072xf32>
    %select_n3A_1691 = arith.select %lt3A_1690, %sub3A_1689, %select_n3A_1677 : vector<8x3072xi1>, vector<8x3072xf32>
    %jit3A_1692 = arith.constant 120 : i32
    %broadcast_in_dim3A_1693 = vector.broadcast %jit3A_1692 : i32 to vector<8x3072xi32>
    %select_n3A_1694 = arith.select %lt3A_1690, %broadcast_in_dim3A_1693, %select_n3A_1680 : vector<8x3072xi1>, vector<8x3072xi32>
    %slice3A_1695 = vector.extract_strided_slice %get3A_9 {offsets = [968, 0], sizes = [8, 1], strides = [1, 1]} : vector<1024x1xf32> to vector<8x1xf32>
    %add3A_1696 = vector.broadcast %broadcast_in_dim3A : vector<1x3072xf32> to vector<8x3072xf32>
    %add3A_1697 = vector.broadcast %slice3A_1695 : vector<8x1xf32> to vector<8x3072xf32>
    %add3A_1698 = arith.addf %add3A_1696, %add3A_1697 : vector<8x3072xf32>
    %slice3A_1699 = vector.extract_strided_slice %dot_general3A_5 {offsets = [968, 0], sizes = [8, 3072], strides = [1, 1]} : vector<1024x3072xf32> to vector<8x3072xf32>
    %mul3A_1700 = arith.constant 2.000000e+00 : f32
    %mul3A_1701 = vector.broadcast %mul3A_1700 : f32 to vector<8x3072xf32>
    %mul3A_1702 = arith.mulf %mul3A_1701, %slice3A_1699 : vector<8x3072xf32>
    %sub3A_1703 = arith.subf %add3A_1698, %mul3A_1702 : vector<8x3072xf32>
    %lt3A_1704 = arith.cmpf olt, %sub3A_1703, %select_n3A_1691 : vector<8x3072xf32>
    %select_n3A_1705 = arith.select %lt3A_1704, %sub3A_1703, %select_n3A_1691 : vector<8x3072xi1>, vector<8x3072xf32>
    %jit3A_1706 = arith.constant 121 : i32
    %broadcast_in_dim3A_1707 = vector.broadcast %jit3A_1706 : i32 to vector<8x3072xi32>
    %select_n3A_1708 = arith.select %lt3A_1704, %broadcast_in_dim3A_1707, %select_n3A_1694 : vector<8x3072xi1>, vector<8x3072xi32>
    %slice3A_1709 = vector.extract_strided_slice %get3A_9 {offsets = [976, 0], sizes = [8, 1], strides = [1, 1]} : vector<1024x1xf32> to vector<8x1xf32>
    %add3A_1710 = vector.broadcast %broadcast_in_dim3A : vector<1x3072xf32> to vector<8x3072xf32>
    %add3A_1711 = vector.broadcast %slice3A_1709 : vector<8x1xf32> to vector<8x3072xf32>
    %add3A_1712 = arith.addf %add3A_1710, %add3A_1711 : vector<8x3072xf32>
    %slice3A_1713 = vector.extract_strided_slice %dot_general3A_5 {offsets = [976, 0], sizes = [8, 3072], strides = [1, 1]} : vector<1024x3072xf32> to vector<8x3072xf32>
    %mul3A_1714 = arith.constant 2.000000e+00 : f32
    %mul3A_1715 = vector.broadcast %mul3A_1714 : f32 to vector<8x3072xf32>
    %mul3A_1716 = arith.mulf %mul3A_1715, %slice3A_1713 : vector<8x3072xf32>
    %sub3A_1717 = arith.subf %add3A_1712, %mul3A_1716 : vector<8x3072xf32>
    %lt3A_1718 = arith.cmpf olt, %sub3A_1717, %select_n3A_1705 : vector<8x3072xf32>
    %select_n3A_1719 = arith.select %lt3A_1718, %sub3A_1717, %select_n3A_1705 : vector<8x3072xi1>, vector<8x3072xf32>
    %jit3A_1720 = arith.constant 122 : i32
    %broadcast_in_dim3A_1721 = vector.broadcast %jit3A_1720 : i32 to vector<8x3072xi32>
    %select_n3A_1722 = arith.select %lt3A_1718, %broadcast_in_dim3A_1721, %select_n3A_1708 : vector<8x3072xi1>, vector<8x3072xi32>
    %slice3A_1723 = vector.extract_strided_slice %get3A_9 {offsets = [984, 0], sizes = [8, 1], strides = [1, 1]} : vector<1024x1xf32> to vector<8x1xf32>
    %add3A_1724 = vector.broadcast %broadcast_in_dim3A : vector<1x3072xf32> to vector<8x3072xf32>
    %add3A_1725 = vector.broadcast %slice3A_1723 : vector<8x1xf32> to vector<8x3072xf32>
    %add3A_1726 = arith.addf %add3A_1724, %add3A_1725 : vector<8x3072xf32>
    %slice3A_1727 = vector.extract_strided_slice %dot_general3A_5 {offsets = [984, 0], sizes = [8, 3072], strides = [1, 1]} : vector<1024x3072xf32> to vector<8x3072xf32>
    %mul3A_1728 = arith.constant 2.000000e+00 : f32
    %mul3A_1729 = vector.broadcast %mul3A_1728 : f32 to vector<8x3072xf32>
    %mul3A_1730 = arith.mulf %mul3A_1729, %slice3A_1727 : vector<8x3072xf32>
    %sub3A_1731 = arith.subf %add3A_1726, %mul3A_1730 : vector<8x3072xf32>
    %lt3A_1732 = arith.cmpf olt, %sub3A_1731, %select_n3A_1719 : vector<8x3072xf32>
    %select_n3A_1733 = arith.select %lt3A_1732, %sub3A_1731, %select_n3A_1719 : vector<8x3072xi1>, vector<8x3072xf32>
    %jit3A_1734 = arith.constant 123 : i32
    %broadcast_in_dim3A_1735 = vector.broadcast %jit3A_1734 : i32 to vector<8x3072xi32>
    %select_n3A_1736 = arith.select %lt3A_1732, %broadcast_in_dim3A_1735, %select_n3A_1722 : vector<8x3072xi1>, vector<8x3072xi32>
    %slice3A_1737 = vector.extract_strided_slice %get3A_9 {offsets = [992, 0], sizes = [8, 1], strides = [1, 1]} : vector<1024x1xf32> to vector<8x1xf32>
    %add3A_1738 = vector.broadcast %broadcast_in_dim3A : vector<1x3072xf32> to vector<8x3072xf32>
    %add3A_1739 = vector.broadcast %slice3A_1737 : vector<8x1xf32> to vector<8x3072xf32>
    %add3A_1740 = arith.addf %add3A_1738, %add3A_1739 : vector<8x3072xf32>
    %slice3A_1741 = vector.extract_strided_slice %dot_general3A_5 {offsets = [992, 0], sizes = [8, 3072], strides = [1, 1]} : vector<1024x3072xf32> to vector<8x3072xf32>
    %mul3A_1742 = arith.constant 2.000000e+00 : f32
    %mul3A_1743 = vector.broadcast %mul3A_1742 : f32 to vector<8x3072xf32>
    %mul3A_1744 = arith.mulf %mul3A_1743, %slice3A_1741 : vector<8x3072xf32>
    %sub3A_1745 = arith.subf %add3A_1740, %mul3A_1744 : vector<8x3072xf32>
    %lt3A_1746 = arith.cmpf olt, %sub3A_1745, %select_n3A_1733 : vector<8x3072xf32>
    %select_n3A_1747 = arith.select %lt3A_1746, %sub3A_1745, %select_n3A_1733 : vector<8x3072xi1>, vector<8x3072xf32>
    %jit3A_1748 = arith.constant 124 : i32
    %broadcast_in_dim3A_1749 = vector.broadcast %jit3A_1748 : i32 to vector<8x3072xi32>
    %select_n3A_1750 = arith.select %lt3A_1746, %broadcast_in_dim3A_1749, %select_n3A_1736 : vector<8x3072xi1>, vector<8x3072xi32>
    %slice3A_1751 = vector.extract_strided_slice %get3A_9 {offsets = [1000, 0], sizes = [8, 1], strides = [1, 1]} : vector<1024x1xf32> to vector<8x1xf32>
    %add3A_1752 = vector.broadcast %broadcast_in_dim3A : vector<1x3072xf32> to vector<8x3072xf32>
    %add3A_1753 = vector.broadcast %slice3A_1751 : vector<8x1xf32> to vector<8x3072xf32>
    %add3A_1754 = arith.addf %add3A_1752, %add3A_1753 : vector<8x3072xf32>
    %slice3A_1755 = vector.extract_strided_slice %dot_general3A_5 {offsets = [1000, 0], sizes = [8, 3072], strides = [1, 1]} : vector<1024x3072xf32> to vector<8x3072xf32>
    %mul3A_1756 = arith.constant 2.000000e+00 : f32
    %mul3A_1757 = vector.broadcast %mul3A_1756 : f32 to vector<8x3072xf32>
    %mul3A_1758 = arith.mulf %mul3A_1757, %slice3A_1755 : vector<8x3072xf32>
    %sub3A_1759 = arith.subf %add3A_1754, %mul3A_1758 : vector<8x3072xf32>
    %lt3A_1760 = arith.cmpf olt, %sub3A_1759, %select_n3A_1747 : vector<8x3072xf32>
    %select_n3A_1761 = arith.select %lt3A_1760, %sub3A_1759, %select_n3A_1747 : vector<8x3072xi1>, vector<8x3072xf32>
    %jit3A_1762 = arith.constant 125 : i32
    %broadcast_in_dim3A_1763 = vector.broadcast %jit3A_1762 : i32 to vector<8x3072xi32>
    %select_n3A_1764 = arith.select %lt3A_1760, %broadcast_in_dim3A_1763, %select_n3A_1750 : vector<8x3072xi1>, vector<8x3072xi32>
    %slice3A_1765 = vector.extract_strided_slice %get3A_9 {offsets = [1008, 0], sizes = [8, 1], strides = [1, 1]} : vector<1024x1xf32> to vector<8x1xf32>
    %add3A_1766 = vector.broadcast %broadcast_in_dim3A : vector<1x3072xf32> to vector<8x3072xf32>
    %add3A_1767 = vector.broadcast %slice3A_1765 : vector<8x1xf32> to vector<8x3072xf32>
    %add3A_1768 = arith.addf %add3A_1766, %add3A_1767 : vector<8x3072xf32>
    %slice3A_1769 = vector.extract_strided_slice %dot_general3A_5 {offsets = [1008, 0], sizes = [8, 3072], strides = [1, 1]} : vector<1024x3072xf32> to vector<8x3072xf32>
    %mul3A_1770 = arith.constant 2.000000e+00 : f32
    %mul3A_1771 = vector.broadcast %mul3A_1770 : f32 to vector<8x3072xf32>
    %mul3A_1772 = arith.mulf %mul3A_1771, %slice3A_1769 : vector<8x3072xf32>
    %sub3A_1773 = arith.subf %add3A_1768, %mul3A_1772 : vector<8x3072xf32>
    %lt3A_1774 = arith.cmpf olt, %sub3A_1773, %select_n3A_1761 : vector<8x3072xf32>
    %select_n3A_1775 = arith.select %lt3A_1774, %sub3A_1773, %select_n3A_1761 : vector<8x3072xi1>, vector<8x3072xf32>
    %jit3A_1776 = arith.constant 126 : i32
    %broadcast_in_dim3A_1777 = vector.broadcast %jit3A_1776 : i32 to vector<8x3072xi32>
    %select_n3A_1778 = arith.select %lt3A_1774, %broadcast_in_dim3A_1777, %select_n3A_1764 : vector<8x3072xi1>, vector<8x3072xi32>
    %slice3A_1779 = vector.extract_strided_slice %get3A_9 {offsets = [1016, 0], sizes = [8, 1], strides = [1, 1]} : vector<1024x1xf32> to vector<8x1xf32>
    %add3A_1780 = vector.broadcast %broadcast_in_dim3A : vector<1x3072xf32> to vector<8x3072xf32>
    %add3A_1781 = vector.broadcast %slice3A_1779 : vector<8x1xf32> to vector<8x3072xf32>
    %add3A_1782 = arith.addf %add3A_1780, %add3A_1781 : vector<8x3072xf32>
    %slice3A_1783 = vector.extract_strided_slice %dot_general3A_5 {offsets = [1016, 0], sizes = [8, 3072], strides = [1, 1]} : vector<1024x3072xf32> to vector<8x3072xf32>
    %mul3A_1784 = arith.constant 2.000000e+00 : f32
    %mul3A_1785 = vector.broadcast %mul3A_1784 : f32 to vector<8x3072xf32>
    %mul3A_1786 = arith.mulf %mul3A_1785, %slice3A_1783 : vector<8x3072xf32>
    %sub3A_1787 = arith.subf %add3A_1782, %mul3A_1786 : vector<8x3072xf32>
    %lt3A_1788 = arith.cmpf olt, %sub3A_1787, %select_n3A_1775 : vector<8x3072xf32>
    %select_n3A_1789 = arith.select %lt3A_1788, %sub3A_1787, %select_n3A_1775 : vector<8x3072xi1>, vector<8x3072xf32>
    %jit3A_1790 = arith.constant 127 : i32
    %broadcast_in_dim3A_1791 = vector.broadcast %jit3A_1790 : i32 to vector<8x3072xi32>
    %select_n3A_1792 = arith.select %lt3A_1788, %broadcast_in_dim3A_1791, %select_n3A_1778 : vector<8x3072xi1>, vector<8x3072xi32>
    %mul3A_1793 = arith.constant 8 : i32
    %mul3A_1794 = vector.broadcast %mul3A_1793 : i32 to vector<8x3072xi32>
    %mul3A_1795 = arith.muli %select_n3A_1792, %mul3A_1794 : vector<8x3072xi32>
    %iota3A = tpu.iota {dimensions = array<i32: 0>} : vector<8x3072xi32>
    %add3A_1796 = arith.addi %mul3A_1795, %iota3A : vector<8x3072xi32>
    %slice3A_1797 = vector.extract_strided_slice %select_n3A_1789 {offsets = [0, 0], sizes = [4, 3072], strides = [1, 1]} : vector<8x3072xf32> to vector<4x3072xf32>
    %slice3A_1798 = vector.extract_strided_slice %select_n3A_1789 {offsets = [4, 0], sizes = [4, 3072], strides = [1, 1]} : vector<8x3072xf32> to vector<4x3072xf32>
    %slice3A_1799 = vector.extract_strided_slice %add3A_1796 {offsets = [0, 0], sizes = [4, 3072], strides = [1, 1]} : vector<8x3072xi32> to vector<4x3072xi32>
    %slice3A_1800 = vector.extract_strided_slice %add3A_1796 {offsets = [4, 0], sizes = [4, 3072], strides = [1, 1]} : vector<8x3072xi32> to vector<4x3072xi32>
    %lt3A_1801 = arith.cmpf olt, %slice3A_1798, %slice3A_1797 : vector<4x3072xf32>
    %eq3A = arith.cmpf oeq, %slice3A_1798, %slice3A_1797 : vector<4x3072xf32>
    %lt3A_1802 = arith.cmpi slt, %slice3A_1800, %slice3A_1799 : vector<4x3072xi32>
    %and3A = arith.andi %eq3A, %lt3A_1802 : vector<4x3072xi1>
    %or3A = arith.ori %lt3A_1801, %and3A : vector<4x3072xi1>
    %select_n3A_1803 = arith.select %or3A, %slice3A_1798, %slice3A_1797 : vector<4x3072xi1>, vector<4x3072xf32>
    %select_n3A_1804 = arith.select %or3A, %slice3A_1800, %slice3A_1799 : vector<4x3072xi1>, vector<4x3072xi32>
    %slice3A_1805 = vector.extract_strided_slice %select_n3A_1803 {offsets = [0, 0], sizes = [2, 3072], strides = [1, 1]} : vector<4x3072xf32> to vector<2x3072xf32>
    %slice3A_1806 = vector.extract_strided_slice %select_n3A_1803 {offsets = [2, 0], sizes = [2, 3072], strides = [1, 1]} : vector<4x3072xf32> to vector<2x3072xf32>
    %slice3A_1807 = vector.extract_strided_slice %select_n3A_1804 {offsets = [0, 0], sizes = [2, 3072], strides = [1, 1]} : vector<4x3072xi32> to vector<2x3072xi32>
    %slice3A_1808 = vector.extract_strided_slice %select_n3A_1804 {offsets = [2, 0], sizes = [2, 3072], strides = [1, 1]} : vector<4x3072xi32> to vector<2x3072xi32>
    %lt3A_1809 = arith.cmpf olt, %slice3A_1806, %slice3A_1805 : vector<2x3072xf32>
    %eq3A_1810 = arith.cmpf oeq, %slice3A_1806, %slice3A_1805 : vector<2x3072xf32>
    %lt3A_1811 = arith.cmpi slt, %slice3A_1808, %slice3A_1807 : vector<2x3072xi32>
    %and3A_1812 = arith.andi %eq3A_1810, %lt3A_1811 : vector<2x3072xi1>
    %or3A_1813 = arith.ori %lt3A_1809, %and3A_1812 : vector<2x3072xi1>
    %select_n3A_1814 = arith.select %or3A_1813, %slice3A_1806, %slice3A_1805 : vector<2x3072xi1>, vector<2x3072xf32>
    %select_n3A_1815 = arith.select %or3A_1813, %slice3A_1808, %slice3A_1807 : vector<2x3072xi1>, vector<2x3072xi32>
    %slice3A_1816 = vector.extract_strided_slice %select_n3A_1814 {offsets = [0, 0], sizes = [1, 3072], strides = [1, 1]} : vector<2x3072xf32> to vector<1x3072xf32>
    %slice3A_1817 = vector.extract_strided_slice %select_n3A_1814 {offsets = [1, 0], sizes = [1, 3072], strides = [1, 1]} : vector<2x3072xf32> to vector<1x3072xf32>
    %slice3A_1818 = vector.extract_strided_slice %select_n3A_1815 {offsets = [0, 0], sizes = [1, 3072], strides = [1, 1]} : vector<2x3072xi32> to vector<1x3072xi32>
    %slice3A_1819 = vector.extract_strided_slice %select_n3A_1815 {offsets = [1, 0], sizes = [1, 3072], strides = [1, 1]} : vector<2x3072xi32> to vector<1x3072xi32>
    %lt3A_1820 = arith.cmpf olt, %slice3A_1817, %slice3A_1816 : vector<1x3072xf32>
    %eq3A_1821 = arith.cmpf oeq, %slice3A_1817, %slice3A_1816 : vector<1x3072xf32>
    %lt3A_1822 = arith.cmpi slt, %slice3A_1819, %slice3A_1818 : vector<1x3072xi32>
    %and3A_1823 = arith.andi %eq3A_1821, %lt3A_1822 : vector<1x3072xi1>
    %or3A_1824 = arith.ori %lt3A_1820, %and3A_1823 : vector<1x3072xi1>
    %select_n3A_1825 = arith.select %or3A_1824, %slice3A_1817, %slice3A_1816 : vector<1x3072xi1>, vector<1x3072xf32>
    %select_n3A_1826 = arith.select %or3A_1824, %slice3A_1819, %slice3A_1818 : vector<1x3072xi1>, vector<1x3072xi32>
    %reshape3A = vector.shape_cast %select_n3A_1826 : vector<1x3072xi32> to vector<3072xi32>
    %swap3A = arith.constant 0 : index
    %swap3A_1827 = vector.load %arg4[%swap3A] : memref<3072xi32, #tpu.memory_space<vmem>>, vector<3072xi32>
    tpu.vector_store %arg4[%swap3A], %reshape3A {strides = array<i32>} : memref<3072xi32, #tpu.memory_space<vmem>>, vector<3072xi32>,
    %eq3A_1828 = arith.constant 0 : i32
    %eq3A_1829 = arith.cmpi eq, %arg0, %eq3A_1828 : i32
    %convert_element_type3A = arith.extui %eq3A_1829 : i1 to i32
    %cond3A = arith.constant 0 : i32
    %cond3A_1830 = arith.cmpi ne, %convert_element_type3A, %cond3A : i32
    scf.if %cond3A_1830 {
      %broadcast_in_dim3A_1841 = arith.constant 0.000000e+00 : f32
      %broadcast_in_dim3A_1842 = vector.broadcast %broadcast_in_dim3A_1841 : f32 to vector<1x1xf32>
      %swap3A_1843 = arith.constant 0 : index
      %swap3A_1844 = arith.constant 0 : index
      %swap3A_1845 = vector.load %arg5[%swap3A_1843, %swap3A_1844] : memref<1x1xf32, #tpu.memory_space<vmem>>, vector<1x1xf32>
      tpu.vector_store %arg5[%swap3A_1843, %swap3A_1844], %broadcast_in_dim3A_1842 {strides = array<i32>} : memref<1x1xf32, #tpu.memory_space<vmem>>, vector<1x1xf32>,
    } else {
    }
    %get3A_1831 = arith.constant 0 : index
    %get3A_1832 = arith.constant 0 : index
    %get3A_1833 = vector.load %arg5[%get3A_1831, %get3A_1832] : memref<1x1xf32, #tpu.memory_space<vmem>>, vector<1x1xf32>
    %reduce_sum3A_1834 = arith.constant dense<0.000000e+00> : vector<1xf32>
    %reduce_sum3A_1835 = vector.multi_reduction <add>, %select_n3A_1825, %reduce_sum3A_1834 [1] : vector<1x3072xf32> to vector<1xf32>
    %broadcast_in_dim3A_1836 = vector.shape_cast %reduce_sum3A_1835 : vector<1xf32> to vector<1x1xf32>
    %add3A_1837 = arith.addf %get3A_1833, %broadcast_in_dim3A_1836 : vector<1x1xf32>
    %swap3A_1838 = arith.constant 0 : index
    %swap3A_1839 = arith.constant 0 : index
    %swap3A_1840 = vector.load %arg5[%swap3A_1838, %swap3A_1839] : memref<1x1xf32, #tpu.memory_space<vmem>>, vector<1x1xf32>
    tpu.vector_store %arg5[%swap3A_1838, %swap3A_1839], %add3A_1837 {strides = array<i32>} : memref<1x1xf32, #tpu.memory_space<vmem>>, vector<1x1xf32>,
    return
  }
  func.func @transform_0(%arg0: i32) -> (i32, i32) {
    %c0_i32 = arith.constant 0 : i32
    %c0_i32_0 = arith.constant 0 : i32
    %c0_i32_1 = arith.constant 0 : i32
    return %c0_i32, %c0_i32_0 : i32, i32
  }
  func.func @transform_1(%arg0: i32) -> (i32, i32) {
    %c0_i32 = arith.constant 0 : i32
    %c0_i32_0 = arith.constant 0 : i32
    return %c0_i32, %arg0 : i32, i32
  }
  func.func @transform_2(%arg0: i32) -> (i32, i32) {
    %c0_i32 = arith.constant 0 : i32
    %c0_i32_0 = arith.constant 0 : i32
    %c0_i32_1 = arith.constant 0 : i32
    return %c0_i32, %c0_i32_0 : i32, i32
  }
  func.func @transform_3(%arg0: i32) -> i32 {
    %c0_i32 = arith.constant 0 : i32
    return %arg0 : i32
  }
  func.func @transform_4(%arg0: i32) -> (i32, i32) {
    %c0_i32 = arith.constant 0 : i32
    %c0_i32_0 = arith.constant 0 : i32
    %c0_i32_1 = arith.constant 0 : i32
    return %c0_i32, %c0_i32_0 : i32, i32
  }
}

</mosaic_0001>

<sc_bundles>
// kernel: kernel.4.cloned.1.call-start
scs
__scs_entry_jumppad:
0x0: {  	(pc) =	sbr.rel $0x88, $3  }
0x1: {  	(tag) =	ssettag $0x0;
	lr =	simm.s32 $0x1  }
0x2: {  	[smem:$0x3F9F] =	sst lr;
	_ =	strace $0xD0000000  }
0x3: {  	_ = 	snop  }
0x4: {  	_ = 	snop  }
0x5: {  	_ = 	snop  }
0x6: {  	_ = 	snop  }
0x7: {  	_ = 	snop  }
__scs_overlays_trampoline_lowered:
0x8: {  	[smem:$0x3FAE] =	sst s0  }
0x9: {  	[smem:$0x3FAF] =	sst s1  }
0xa: {  	[smem:$0x3FB0] =	sst s2  }
0xb: {  	[smem:$0x3FB1] =	sst s3  }
0xc: {  	[smem:$0x3FB2] =	sst s4  }
0xd: {  	[smem:$0x3FB3] =	sst s5  }
0xe: {  	[smem:$0x3FB4] =	sst s6  }
0xf: {  	[smem:$0x3FB5] =	sst s7  }
0x10: {  	[smem:$0x3FB6] =	sst s8  }
0x11: {  	[smem:$0x3FB7] =	sst s9;
	s0 =	simm.s32 @!p0 $0x0  }
0x12: {  	s1 =	sld [smem:$0x3F9D];
	s0 =	simm.s32 @p0 $0x1  }
0x13: {  	[smem:$0x3FB8] =	sst s0;
	s0 =	simm.s32 @!p1 $0x0  }
0x14: {  	s2 =	sld [smem:$0x3F9C];
	s0 =	simm.s32 @p1 $0x1  }
0x15: {  	[smem:$0x3FB9] =	sst s0;
	s0 =	simm.s32 @!p2 $0x0  }
0x16: {  	s3 =	sld [smem:$0x3FDB];
	s0 =	simm.s32 @p2 $0x1  }
0x17: {  	s4 =	simm.s32 $0x1BF5;
	[smem:$0x3FBB] =	sst s0  }
0x18: {  	s0 =	sld [smem:$0x3F9E];
	_ =	swait.ge [sflag:s4], $0x0  }
0x19: {  	s7 =	sld [smem:$0x3F9F]  }
0x1a: {  	s8 =	sadd.s32 $0xFFFFE003, lr  }
0x1b: {  	s9 =	sadd.s32 $0xFFFFFEF7, lr;
	s5 =	simm.s32 $0xFFFFFFFF;
	p2 =	slt.u32 s8, $0xFFFFF086  }
0x1c: {  	p1 =	slt.u32 s9, $0xF7A;
	s5 =	simm.s32 @!p2 $0x0  }
0x1d: {  	s5 =	simm.s32 @p1 $0x1;
	p0 =	seq.s32 s7, s2  }
0x1e: {  	s7 =	smul.u32 @!p0 $0xF7A, s2;
	p2 =	seq.s32 @!p0 s5, $0x0  }
0x1f: {  	s9 =	smul.u32 $0xF7A, s1;
	s8 =	simm.s32 @!p0 $0x1BF5;
	p2 =	por !p2, p0  }
0x20: {  	[sflag:s8] =	ssyncset.s32 @!p0 $0xFFFFF086;
	s6 =	sadd.s32 @!p0 s3, s7;
	s7 =	simm.s32 @!p0 $0x108  }
0x21: {  	s3 =	sadd.s32 s3, s9;
	s6 =	sadd.s32 @!p0 $0x88, s6;
	s7 =	simm.s32 @p2 $0x1082  }
0x22: {  	[simem:s7], [sflag:s8] =	dma.local @!p0 [hbm:s6], $0xF7A  }
0x23: {  	s9 =	sor.u32 $0xD0000000, s2;
	s6 =	simm.s32 $0x108;
	_ =	swait.ge @!p0 [sflag:s8], $0x0  }
0x24: {  	s3 =	sadd.s32 $0x88, s3;
	s6 =	simm.s32 @!p1 $0x1082;
	[sflag:s4] =	ssyncset.s32 $0xFFFFF086  }
0x25: {  	[simem:s6], [sflag:s4] =	dma.local [hbm:s3], $0xF7A  }
0x26: {  	[smem:$0x3F9F] =	sst s1;
	(tag) =	ssettag s2;
	_ =	strace s9  }
0x27: {  	s1 =	sld [smem:$0x3FAF]  }
0x28: {  	s2 =	sld [smem:$0x3FB0]  }
0x29: {  	s4 =	sld [smem:$0x3FB2]  }
0x2a: {  	p0 =	seq.s32 s5, $0x0;
	s5 =	sld [smem:$0x3FB3]  }
0x2b: {  	s6 =	sld [smem:$0x3FB4]  }
0x2c: {  	s7 =	sld [smem:$0x3FB5]  }
0x2d: {  	s3 =	simm.s32 $0x108;
	s8 =	sld [smem:$0x3FB6]  }
0x2e: {  	s3 =	simm.s32 @!p0 $0x1082;
	s9 =	sld [smem:$0x3FB7]  }
0x2f: {  	lr =	sadd.s32 s0, s3;
	s0 =	sld [smem:$0x3FAE]  }
0x30: {  	s3 =	sld [smem:$0x3FB1]  }
0x31: {  	[smem:$0x3FBA] =	sst s10  }
0x32: {  	s10 =	sld [smem:$0x3FB8];
	_ =	sdelay $0x3  }
0x33: {  	p0 =	seq.s32 s10, $0x1;
	s10 =	sld [smem:$0x3FBA];
	_ =	sdelay $0x3  }
0x34: {  	[smem:$0x3FBA] =	sst s10  }
0x35: {  	s10 =	sld [smem:$0x3FB9];
	_ =	sdelay $0x3  }
0x36: {  	p1 =	seq.s32 s10, $0x1;
	s10 =	sld [smem:$0x3FBA];
	_ =	sdelay $0x3  }
0x37: {  	[smem:$0x3FBA] =	sst s10  }
0x38: {  	s10 =	sld [smem:$0x3FBB]  }
0x39: {  	_ = 	snop;
	(pc) =	sbr.ind lr, $3  }
0x3a: {  	_ = 	snop  }
0x3b: {  	_ = 	snop  }
0x3c: {  	p2 =	seq.s32 s10, $0x1;
	s10 =	sld [smem:$0x3FBA]  }
0x3d: {  	_ =	shalt  }
0x3e: {  	_ =	shalt  }
0x3f: {  	_ =	shalt  }
0x40: {  	_ =	shalt  }
0x41: {  	_ =	shalt  }
0x42: {  	_ =	shalt  }
0x43: {  	_ =	shalt  }
0x44: {  	_ =	shalt  }
0x45: {  	_ =	shalt  }
0x46: {  	_ =	shalt  }
0x47: {  	_ =	shalt  }
0x48: {  	_ =	shalt  }
0x49: {  	_ =	shalt  }
0x4a: {  	_ =	shalt  }
0x4b: {  	_ =	shalt  }
0x4c: {  	_ =	shalt  }
0x4d: {  	_ =	shalt  }
0x4e: {  	_ =	shalt  }
0x4f: {  	_ =	shalt  }
0x50: {  	_ =	shalt  }
0x51: {  	_ =	shalt  }
0x52: {  	_ =	shalt  }
0x53: {  	_ =	shalt  }
0x54: {  	_ =	shalt  }
0x55: {  	_ =	shalt  }
0x56: {  	_ =	shalt  }
0x57: {  	_ =	shalt  }
0x58: {  	_ =	shalt  }
0x59: {  	_ =	shalt  }
0x5a: {  	_ =	shalt  }
0x5b: {  	_ =	shalt  }
0x5c: {  	_ =	shalt  }
0x5d: {  	_ =	shalt  }
0x5e: {  	_ =	shalt  }
0x5f: {  	_ =	shalt  }
0x60: {  	_ =	shalt  }
0x61: {  	_ =	shalt  }
0x62: {  	_ =	shalt  }
0x63: {  	_ =	shalt  }
0x64: {  	_ =	shalt  }
0x65: {  	_ =	shalt  }
0x66: {  	_ =	shalt  }
0x67: {  	_ =	shalt  }
0x68: {  	_ =	shalt  }
0x69: {  	_ =	shalt  }
0x6a: {  	_ =	shalt  }
0x6b: {  	_ =	shalt  }
0x6c: {  	_ =	shalt  }
0x6d: {  	_ =	shalt  }
0x6e: {  	_ =	shalt  }
0x6f: {  	_ =	shalt  }
0x70: {  	_ =	shalt  }
0x71: {  	_ =	shalt  }
0x72: {  	_ =	shalt  }
0x73: {  	_ =	shalt  }
0x74: {  	_ =	shalt  }
0x75: {  	_ =	shalt  }
0x76: {  	_ =	shalt  }
0x77: {  	_ =	shalt  }
0x78: {  	_ =	shalt  }
0x79: {  	_ =	shalt  }
0x7a: {  	_ =	shalt  }
0x7b: {  	_ =	shalt  }
0x7c: {  	_ =	shalt  }
0x7d: {  	_ =	shalt  }
0x7e: {  	_ =	shalt  }
0x7f: {  	_ =	shalt  }
0x80: {  	_ =	shalt  }
0x81: {  	_ =	shalt  }
0x82: {  	_ =	shalt  }
0x83: {  	_ =	shalt  }
0x84: {  	_ =	shalt  }
0x85: {  	_ =	shalt  }
0x86: {  	_ =	shalt  }
0x87: {  	_ =	shalt  }
.Lfunc_end0:
.L_simem_size_0:
called_computation_lowered:
.L_overlay_start_0:
0x88: {  	s2 =	sld [smem:$0x3FD9]  }
0x89: {  	s3 =	sld [smem:$0x3FFE];
	_ =	sdelay $0x1  }
0x8a: {  	s1 =	srdreg.scid  }
0x8b: {  	s0 =	sand.u32 $0x1, s1  }
0x8c: {  	s14 =	sshll.u32 s0, $0xA;
	s2 =	sadd.s32 s3, s2  }
0x8d: {  	s2 =	sadd.s32 s2, s14  }
0x8e: {  	[smem:$0x3FC6] =	sst s2  }
0x8f: {  	_ = 	snop  }
0x90: {  	s2 =	sld [smem:$0x3FD0];
	_ =	sdelay $0x2  }
0x91: {  	s15 =	simm.s32 $0xA;
	s4 =	simm.s32 $0x10  }
0x92: {  	[smem:s4], [sflag:s15] =	dma.local [hbm:s2], $0x1  }
0x93: {  	_ =	swait.eq [sflag:s15], $0x1  }
0x94: {  	[sflag:s15] =	ssyncset.done $0x0  }
0x95: {  	s16 =	sld [smem:$0x11];
	[sflag:s15] =	ssyncadd.s32 $0xFFFFFFFF  }
0x96: {  	s17 =	sld [smem:$0x12];
	(tm) =	ssettm $0x1  }
0x97: {  	s18 =	sld [smem:$0x3FFB];
	_ =	sdelay $0x3  }
0x98: {  	_ =	strace s18  }
0x99: {  	s4 =	sld [smem:$0x3FFC];
	_ =	sdelay $0x3  }
0x9a: {  	_ =	strace s4  }
0x9b: {  	s4 =	sld [smem:$0x3FFD];
	_ =	sdelay $0x3  }
0x9c: {  	_ =	strace s4  }
0x9d: {  	_ =	strace $0x8FFFFFFF  }
0x9e: {  	s19 =	sld [smem:$0x3FDB];
	_ =	sdelay $0x1  }
0x9f: {  	s5 =	simm.s32 $_scs_section_size  }
0xa0: {  	s6 =	simm.s32 $_size__tile_overlayer_lowered;
	s7 =	simm.s32 $_tile_overlayer_lowered  }
0xa1: {  	s22 =	simm.s32 $0x1BFF;
	s21 =	sshll.u32 s7, $0x1;
	s4 =	sadd.s32 s5, s19  }
0xa2: {  	s8 =	simm.s32 $0x0;
	s20 =	sshll.u32 s6, $0x1;
	s6 =	sadd.s32 s21, s4  }
0xa3: {  	[timem:s8], [sflag:s22] =	dma.local [hbm:s6], s20  }
0xa4: {  	_ =	swait.ge [sflag:s22], s20  }
0xa5: {  	s5 =	ssub.s32 $0x0, s20;
	[sflag:s22] =	ssyncset.done $0x0  }
0xa6: {  	[sflag:s22] =	ssyncadd.s32 s5;
	_ =	sdelay $0x1  }
0xa7: {  	s23 =	simm.s32 $0x1B8B  }
0xa8: {  	_ =	swait.ge [sflag:s23], $0x1  }
0xa9: {  	[sflag:s23] =	ssyncset.done $0x0  }
0xaa: {  	s25 =	simm.s32 $0x1B8E;
	s24 =	sld [smem:$0x3FFE];
	[sflag:s23] =	ssyncadd.s32 $0xFFFFFFFF  }
0xab: {  	s26 =	simm.s32 $execute0_lowered;
	[smem:$0x3FD2] =	sst s25  }
0xac: {  	s6 =	sshll.u32 s26, $0x1;
	_ =	strace $0x80000046;
	[dreg:$0x1] =	wrdreg $0xFFFFFFFF  }
0xad: {  	s28 =	simm.s32 $_size_execute0_lowered;
	s4 =	sadd.s32 s4, s6;
	[dreg:$0x0] =	wrdreg $0x0  }
0xae: {  	s6 =	sshll.u32 s28, $0x1;
	[dreg:$0x2] =	wrdreg s4  }
0xaf: {  	[dreg:$0x3] =	wrdreg s6  }
0xb0: {  	[dreg:$0x4] =	wrdreg $0xC0  }
0xb1: {  	_ =	task [dreg:s8], $0x5FFFF  }
0xb2: {  	[dreg:$0x1] =	wrdreg $0xFFFFFFFF  }
0xb3: {  	[dreg:$0x0] =	wrdreg $0x60  }
0xb4: {  	[dreg:$0x2] =	wrdreg s16  }
0xb5: {  	[dreg:$0x3] =	wrdreg s17  }
0xb6: {  	[dreg:$0x4] =	wrdreg s24  }
0xb7: {  	[dreg:$0x5] =	wrdreg $0x9  }
0xb8: {  	_ =	task.clear_ibuf [dreg:s8], $0x6FFFF;
	_ =	strace $0x90000046  }
0xb9: {  	s29 =	simm.s32 $0x9;
	_ =	strace $0x80000048  }
0xba: {  	_ =	swait.ge [sflag:s29], $0x1  }
0xbb: {  	[sflag:s29] =	ssyncadd.s32 $0xFFFFFFFF  }
0xbc: {  	_ =	strace $0x90000048  }
0xbd: {  	_ =	sfence  }
0xbe: {  	s30 =	sld [smem:$0x0];
	_ =	sdelay $0x2  }
0xbf: {  	s31 =	sshll.u32 s1, $0xD;
	s1 =	sshrl.u32 s1, $0x2  }
0xc0: {  	s3 =	sand.u32 $0x4000, s31;
	s1 =	sadd.s32 s1, s30  }
0xc1: {  	s0 =	sor.u32 s3, s0;
	s1 =	sshll.u32 s1, $0x11  }
0xc2: {  	s0 =	sor.u32 s1, s0  }
0xc3: {  	s0 =	sadd.s32 $0x8F2B, s0  }
0xc4: {  	[sflag:s0] =	ssyncadd.remote.s32 $0x1  }
0xc5: {  	_ =	sfence.sel $0xFFFF  }
0xc6: {  	[dreg:$0x0] =	wrdreg $0xFFFFFFFF;
	(pc) =	sbr.abs _section_cstart, $3  }
0xc7: {  	[dreg:$0x1] =	wrdreg $0xFFFFFFFF  }
0xc8: {  	_ =	task.clear_ibuf [dreg:s8], $0x2FFFF;
	_ =	strace $0x9FFFFFFF  }
0xc9: {  	(tm) =	ssettm $0x7FFFFFFF  }
tec
execute0_lowered:
.L_overlay_start_1:
0x0: {  	(tag) =	ssettag $0x1  }
0x1: {  	s1 =	rddreg [dreg:$0x0]  }
0x2: {  	s2 =	srdreg.scid;
	s0 =	stileid.u32  }
0x3: {  	s4 =	rddreg [dreg:$0x1];
	s18 =	sand.u32 $0x1, s2;
	s29 =	sshll.u32 s0, $0x1  }
0x4: {  	s19 =	rddreg [dreg:$0x2];
	s20 =	sor.u32 s18, s29  }
0x5: {  	s3 =	simm.s32 $0x0;
	s2 =	rddreg [dreg:$0x3];
	s5 =	smul.u32 $0x48, s20  }
0x6: {  	[smem:$0x7FF] =	sst s3  }
0x7: {  	_ =	strace $0x80000047;
	s5 =	sadd.s32 s4, s5;
	s4 =	simm.s32 $0x2  }
0x8: {  	[tilespmem:s3], [sflag:$0x2] =	stream.linear.gather [hbm4b:s5+s3], $0x240, $0x38;
	[tilespmem:$0x12280] =	vst v63  }
0x9: {  	_ =	swait.ge [sflag:s4], $0x240  }
0xa: {  	[sflag:s4] =	ssyncset.done $0x0  }
0xb: {  	s6 =	simm.s32 $0x60;
	s7 =	simm.s32 $0x280;
	[sflag:s4] =	ssyncadd.s32 $0xFFFFFDC0  }
0xc: {  	[tilespmem:s7], [sflag:$0x1] =	stream.indirect.gather [hbm4b:s1+s6], $0x80, s3, s6, $0xb8;
	[tilespmem:$0x12280] =	vst v63  }
0xd: {  	s8 =	simm.s32 $0x3280  }
0xe: {  	[tilespmem:s8], [sflag:$0x1] =	stream.indirect.gather [hbm4b:s1+s6], $0x80, s6, s6, $0xb8;
	[tilespmem:$0x12280] =	vst v63  }
0xf: {  	s9 =	simm.s32 $0xC0;
	s10 =	simm.s32 $0x6280  }
0x10: {  	[tilespmem:s10], [sflag:$0x1] =	stream.indirect.gather [hbm4b:s1+s6], $0x80, s9, s6, $0xb8;
	[tilespmem:$0x12280] =	vst v63  }
0x11: {  	s11 =	simm.s32 $0x120;
	s12 =	simm.s32 $0x9280  }
0x12: {  	[tilespmem:s12], [sflag:$0x1] =	stream.indirect.gather [hbm4b:s1+s6], $0x80, s11, s6, $0xb8;
	[tilespmem:$0x12280] =	vst v63  }
0x13: {  	s13 =	simm.s32 $0x180;
	s14 =	simm.s32 $0xC280  }
0x14: {  	[tilespmem:s14], [sflag:$0x1] =	stream.indirect.gather [hbm4b:s1+s6], $0x80, s13, s6, $0xb8;
	[tilespmem:$0x12280] =	vst v63  }
0x15: {  	s15 =	simm.s32 $0x1E0;
	s16 =	simm.s32 $0xF280;
	s17 =	simm.s32 $0x1  }
0x16: {  	[tilespmem:s16], [sflag:$0x1] =	stream.indirect.gather [hbm4b:s1+s6], $0x80, s15, s6, $0xb8;
	[tilespmem:$0x12280] =	vst v63  }
0x17: {  	_ =	swait.ge [sflag:s17], $0x3000  }
0x18: {  	[sflag:s17] =	ssyncset.done $0x0  }
0x19: {  	[sflag:s17] =	ssyncadd.s32 $0xFFFFD000  }
0x1a: {  	_ =	swait.ge [sflag:s17], $0x3000  }
0x1b: {  	[sflag:s17] =	ssyncset.done $0x0  }
0x1c: {  	[sflag:s17] =	ssyncadd.s32 $0xFFFFD000  }
0x1d: {  	_ =	swait.ge [sflag:s17], $0x3000  }
0x1e: {  	[sflag:s17] =	ssyncset.done $0x0  }
0x1f: {  	[sflag:s17] =	ssyncadd.s32 $0xFFFFD000  }
0x20: {  	_ =	swait.ge [sflag:s17], $0x3000  }
0x21: {  	[sflag:s17] =	ssyncset.done $0x0  }
0x22: {  	s18 =	ssub.s32 $0x2, s18;
	[sflag:s17] =	ssyncadd.s32 $0xFFFFD000  }
0x23: {  	s21 =	sshrl.u32 s18, $0x1;
	_ =	swait.ge [sflag:s17], $0x3000  }
0x24: {  	s30 =	ssub.s32 s18, s21;
	[sflag:s17] =	ssyncset.done $0x0  }
0x25: {  	s20 =	smul.u32 $0x2400, s20;
	s31 =	smax.u32 s30, $0x1;
	[sflag:s17] =	ssyncadd.s32 $0xFFFFD000  }
0x26: {  	p0 =	sne.s32 s31, $0x1;
	_ =	swait.ge [sflag:s17], $0x3000  }
.Ltmp0:
0x27: {  	s19 =	sadd.s32 s20, s19;
	[sflag:s17] =	ssyncset.done $0x0;
	(pc) =	sbr.rel @!p0 .LBB2_2-.Ltmp0, $4  }
0x28: {  	s18 =	sadd.s32 $0x600, s19;
	[sflag:s17] =	ssyncadd.s32 $0xFFFFD000  }
0x29: {  	[hbm4b:s18+s3] =	stream.linear.scatter [tilespmem:s7], [sflag:$0x2], $0x12000, $0x38;
	[tilespmem:$0x12280] =	vst v63  }
0x2a: {  	_ =	swait.ge [sflag:s4], $0x12000  }
0x2b: {  	s19 =	sadd.s32 $0xFFFFFFFF, s31;
	[sflag:s4] =	ssyncset.done $0x0  }
.LBB2_1:
0x2c: {  	p0 =	sne.s32 s19, $0x1;
	s19 =	sadd.s32 $0xFFFFFFFF, s19;
	[sflag:s4] =	ssyncadd.s32 $0xFFFEE000  }
0x2d: {  	[tilespmem:s3], [sflag:$0x2] =	stream.linear.gather [hbm4b:s5+s3], $0x240, $0x38;
	[tilespmem:$0x12280] =	vst v63  }
0x2e: {  	_ =	swait.ge [sflag:s4], $0x240  }
0x2f: {  	[sflag:s4] =	ssyncset.done $0x0  }
0x30: {  	[sflag:s4] =	ssyncadd.s32 $0xFFFFFDC0  }
0x31: {  	[tilespmem:s7], [sflag:$0x1] =	stream.indirect.gather [hbm4b:s1+s6], $0x80, s3, s6, $0xb8;
	[tilespmem:$0x12280] =	vst v63  }
0x32: {  	_ = 	snop  }
0x33: {  	[tilespmem:s8], [sflag:$0x1] =	stream.indirect.gather [hbm4b:s1+s6], $0x80, s6, s6, $0xb8;
	[tilespmem:$0x12280] =	vst v63  }
0x34: {  	_ = 	snop  }
0x35: {  	[tilespmem:s10], [sflag:$0x1] =	stream.indirect.gather [hbm4b:s1+s6], $0x80, s9, s6, $0xb8;
	[tilespmem:$0x12280] =	vst v63  }
0x36: {  	_ = 	snop  }
0x37: {  	[tilespmem:s12], [sflag:$0x1] =	stream.indirect.gather [hbm4b:s1+s6], $0x80, s11, s6, $0xb8;
	[tilespmem:$0x12280] =	vst v63  }
0x38: {  	_ = 	snop  }
0x39: {  	[tilespmem:s14], [sflag:$0x1] =	stream.indirect.gather [hbm4b:s1+s6], $0x80, s13, s6, $0xb8;
	[tilespmem:$0x12280] =	vst v63  }
0x3a: {  	_ = 	snop  }
0x3b: {  	[tilespmem:s16], [sflag:$0x1] =	stream.indirect.gather [hbm4b:s1+s6], $0x80, s15, s6, $0xb8;
	[tilespmem:$0x12280] =	vst v63  }
0x3c: {  	_ =	swait.ge [sflag:s17], $0x3000  }
0x3d: {  	[sflag:s17] =	ssyncset.done $0x0  }
0x3e: {  	[sflag:s17] =	ssyncadd.s32 $0xFFFFD000  }
0x3f: {  	_ =	swait.ge [sflag:s17], $0x3000  }
0x40: {  	[sflag:s17] =	ssyncset.done $0x0  }
0x41: {  	[sflag:s17] =	ssyncadd.s32 $0xFFFFD000  }
0x42: {  	_ =	swait.ge [sflag:s17], $0x3000  }
0x43: {  	[sflag:s17] =	ssyncset.done $0x0  }
0x44: {  	[sflag:s17] =	ssyncadd.s32 $0xFFFFD000  }
0x45: {  	_ =	swait.ge [sflag:s17], $0x3000  }
0x46: {  	[sflag:s17] =	ssyncset.done $0x0  }
0x47: {  	[sflag:s17] =	ssyncadd.s32 $0xFFFFD000  }
0x48: {  	_ =	swait.ge [sflag:s17], $0x3000  }
0x49: {  	[sflag:s17] =	ssyncset.done $0x0  }
0x4a: {  	[sflag:s17] =	ssyncadd.s32 $0xFFFFD000  }
0x4b: {  	_ =	swait.ge [sflag:s17], $0x3000  }
.Ltmp1:
0x4c: {  	[sflag:s17] =	ssyncset.done $0x0;
	(pc) =	sbr.rel @p0 .LBB2_1-.Ltmp1, $4  }
0x4d: {  	[sflag:s17] =	ssyncadd.s32 $0xFFFFD000  }
0x4e: {  	[hbm4b:s18+s3] =	stream.linear.scatter [tilespmem:s7], [sflag:$0x2], $0x12000, $0x38;
	[tilespmem:$0x12280] =	vst v63  }
0x4f: {  	_ =	swait.ge [sflag:s4], $0x12000  }
0x50: {  	[sflag:s4] =	ssyncset.done $0x0  }
.LBB2_2:
0x51: {  	[sflag:s4] =	ssyncadd.s32 $0xFFFEE000  }
0x52: {  	_ =	sfence.sel $0x180000  }
0x53: {  	[bflag:$0x0] =	sbarrier.arrive $0xFFFF  }
0x54: {  	p0 =	sne.s32 s0, $0x0;
	_ =	strace $0x90000047  }
0x55: {  	s0 =	sadd.s32 @!p0 $0x100000, s2;
	[bflag:$0x2] =	sbarrier.arrive $0xFFFF  }
0x56: {  	[sflag:s0] =	ssyncadd.tile.s32 @!p0 $0x1;
	_ =	shalt  }
.Lfunc_end2:
_tile_overlayer_lowered:
.L_overlay_start_2:
0x57: {  	(tag) =	ssettag $0x2  }
0x58: {  	s0 =	rddreg [dreg:$0x0];
	s2 =	stileid.u32  }
0x59: {  	s1 =	rddreg [dreg:$0x1];
	p0 =	sne.s32 s2, $0x0  }
0x5a: {  	s3 =	rddreg [dreg:$0x2];
	[bflag:$0x3] =	sbarrier.arrive $0xFFFF;
	s2 =	simm.s32 @!p0 $0x1C02  }
0x5b: {  	[timem:s3], [sflag:s2] =	dma.local @!p0 [hbm:s0], s1  }
0x5c: {  	s0 =	simm.s32 @!p0 $0x2  }
0x5d: {  	_ =	swait.ge @!p0 [sflag:s0], s1  }
0x5e: {  	s1 =	ssub.s32 @!p0 $0x0, s1;
	[sflag:s0] =	ssyncset.done @!p0 $0x0  }
0x5f: {  	[sflag:s0] =	ssyncadd.s32 @!p0 s1  }
0x60: {  	[bflag:$0x3] =	sbarrier.arrive $0xFFFF  }
0x61: {  	_ =	shalt  }

</sc_bundles>
